<compile_context>
chip_gen: v7x
topology: tpu7x:2x2x1
jax: 0.10.2.dev20260603
libtpu: 0.0.44.dev20260713+nightly
codegen_flags: <defaults>
</compile_context>

<pallas_src>
import functools

import jax
import jax.numpy as jnp
from jax import lax
from jax.experimental import pallas as pl
from jax.experimental.pallas import tpu as pltpu
from jax.experimental.pallas import tpu_sc as plsc

H = 128
L = 16
NC = 2
NS = 16
NW = NC * NS
B, S = 4, 4096
TOKENS = B * S
TOK_PER_W = TOKENS // NW
CHUNK = 128
NCHUNK = TOK_PER_W // CHUNK
EPS = 1e-6

TC_ROWS = 4096


NBUF = 3


def _gather_sum_body(wid_hbm, pid_hbm, wtab_hbm, ptab_hbm, out_hbm,
                     idxw_v, idxp_v, rows_w, rows_p, semw, semp, semo):
    w = lax.axis_index("s") * NC + lax.axis_index("c")
    base_w = w * TOK_PER_W
    b_idx = w // (S // TOK_PER_W)
    col0 = (w % (S // TOK_PER_W)) * TOK_PER_W

    pltpu.sync_copy(wid_hbm.at[b_idx, pl.ds(col0, TOK_PER_W)], idxw_v)
    pltpu.sync_copy(pid_hbm.at[b_idx, pl.ds(col0, TOK_PER_W)], idxp_v)

    def start(c):
        b = c % NBUF
        cw = pltpu.async_copy(
            wtab_hbm.at[idxw_v.at[pl.ds(c * CHUNK, CHUNK)]], rows_w.at[b],
            semw)
        cp = pltpu.async_copy(
            ptab_hbm.at[idxp_v.at[pl.ds(c * CHUNK, CHUNK)]], rows_p.at[b],
            semp)
        return cw, cp

    pend = [start(0), start(1)]
    wbs = []
    for c in range(NCHUNK):
        b = c % NBUF
        cw, cp = pend.pop(0)
        cw.wait()
        cp.wait()
        if c + 2 < NCHUNK:
            if wbs:
                wbs.pop(0).wait()
            pend.append(start(c + 2))

        def body(t, carry):
            for j in range(H // L):
                sl = pl.ds(j * L, L)
                rows_w[b, t, sl] = rows_w[b, t, sl] + rows_p[b, t, sl]
            return carry

        lax.fori_loop(0, CHUNK, body, 0, unroll=4)
        wbs.append(pltpu.async_copy(
            rows_w.at[b], out_hbm.at[pl.ds(base_w + c * CHUNK, CHUNK)],
            semo))
    for wb in wbs:
        wb.wait()


def _ln_tc_kernel(sum_ref, tid_ref, ttab_ref, gamma_ref, beta_ref, out_ref):
    x = sum_ref[...]
    tidf = tid_ref[...].astype(jnp.float32)
    t0 = ttab_ref[0:1, :]
    t1 = ttab_ref[1:2, :]
    x = x + t0 + tidf * (t1 - t0)
    mean = jnp.mean(x, axis=-1, keepdims=True)
    var = jnp.mean(jnp.square(x - mean), axis=-1, keepdims=True)
    normed = (x - mean) * lax.rsqrt(var + EPS)
    out_ref[0, ...] = normed * gamma_ref[0, :] + beta_ref[0, :]


@jax.jit
def _run(word_ids, pos_ids, type_ids, word_table, pos_table, type_table,
         ln_gamma, ln_beta):
    mesh = plsc.VectorSubcoreMesh(core_axis_name="c", subcore_axis_name="s")
    sc_k = pl.kernel(
        _gather_sum_body,
        mesh=mesh,
        compiler_params=pltpu.CompilerParams(needs_layout_passes=False),
        out_type=jax.ShapeDtypeStruct((TOKENS, H), jnp.float32),
        scratch_types=[
            pltpu.VMEM((TOK_PER_W,), jnp.int32),
            pltpu.VMEM((TOK_PER_W,), jnp.int32),
            pltpu.VMEM((NBUF, CHUNK, H), jnp.float32),
            pltpu.VMEM((NBUF, CHUNK, H), jnp.float32),
            pltpu.SemaphoreType.DMA,
            pltpu.SemaphoreType.DMA,
            pltpu.SemaphoreType.DMA,
        ],
    )
    summed = sc_k(word_ids, pos_ids, word_table, pos_table)

    ngrid = TOKENS // TC_ROWS
    tids = type_ids.reshape(TOKENS, 1)
    out = pl.pallas_call(
        _ln_tc_kernel,
        grid=(ngrid,),
        in_specs=[
            pl.BlockSpec((TC_ROWS, H), lambda i: (i, 0)),
            pl.BlockSpec((TC_ROWS, 1), lambda i: (i, 0)),
            pl.BlockSpec((2, H), lambda i: (0, 0)),
            pl.BlockSpec((1, H), lambda i: (0, 0)),
            pl.BlockSpec((1, H), lambda i: (0, 0)),
        ],
        out_specs=pl.BlockSpec((1, TC_ROWS, H),
                               lambda i: (i // (S // TC_ROWS),
                                          i % (S // TC_ROWS), 0)),
        out_shape=jax.ShapeDtypeStruct((B, S, H), jnp.float32),
    )(summed, tids, type_table, ln_gamma.reshape(1, H),
      ln_beta.reshape(1, H))
    return out


def kernel(word_ids, pos_ids, type_ids, word_table, pos_table, type_table,
           ln_gamma, ln_beta):
    return _run(word_ids, pos_ids, type_ids, word_table, pos_table,
                type_table, ln_gamma, ln_beta)

# --- scband reference (transcript-rebuilt; emitter-appended) ---
"""Pipeline reference for scband-transformer-embedding-27642409517061 (READ-ONLY COPY).

The authoritative reference and input builder live on the scoring server;
editing this copy changes nothing except your own understanding.
"""

import jax, jax.numpy as jnp
import numpy as np

VOCAB = 100000
HIDDEN = 128
MAX_POS = 4096
TYPE_VOCAB = 2
B, S = 4, 4096
EPS = 1e-06


def setup_inputs(seed: int = 0) -> dict:
    key = jax.random.key(seed)
    k1, k2, k3, k4, k5, k6 = jax.random.split(key, 6)
    word_ids = jax.random.randint(k1, (B, S), 0, VOCAB, dtype=jnp.int64 if jax.config.jax_enable_x64 else jnp.int32)
    pos_ids = jax.random.randint(k2, (B, S), 0, MAX_POS, dtype=jnp.int64 if jax.config.jax_enable_x64 else jnp.int32)
    type_ids = jax.random.randint(k3, (B, S), 0, TYPE_VOCAB, dtype=jnp.int64 if jax.config.jax_enable_x64 else jnp.int32)
    # glorot_uniform init for embedding tables (keras default fan_in/fan_out on 2D weight)
    def glorot(k, shape):
        limit = jnp.sqrt(6.0 / (shape[0] + shape[1]))
        return jax.random.uniform(k, shape, jnp.float32, -limit, limit)
    word_table = glorot(k4, (VOCAB, HIDDEN))
    pos_table = glorot(k5, (MAX_POS, HIDDEN))
    type_table = glorot(k6, (TYPE_VOCAB, HIDDEN))
    ln_gamma = jnp.ones((HIDDEN,), jnp.float32)
    ln_beta = jnp.zeros((HIDDEN,), jnp.float32)
    return {
        "word_ids": word_ids,
        "pos_ids": pos_ids,
        "type_ids": type_ids,
        "word_table": word_table,
        "pos_table": pos_table,
        "type_table": type_table,
        "ln_gamma": ln_gamma,
        "ln_beta": ln_beta,
    }


def reference(word_ids, pos_ids, type_ids, word_table, pos_table, type_table, ln_gamma, ln_beta):
    # embedding lookups (SparseCore-friendly gathers)
    word_emb = jnp.take(word_table, word_ids, axis=0)
    pos_emb = jnp.take(pos_table, pos_ids, axis=0)
    type_emb = jnp.take(type_table, type_ids, axis=0)
    embeddings = word_emb + pos_emb + type_emb
    # LayerNorm over last axis (keras LayerNormalization, epsilon=1e-6)
    mean = jnp.mean(embeddings, axis=-1, keepdims=True)
    var = jnp.mean(jnp.square(embeddings - mean), axis=-1, keepdims=True)
    normed = (embeddings - mean) / jnp.sqrt(var + EPS)
    out = normed * ln_gamma + ln_beta
    # dropout is identity at inference (training=False)
    return out

if __name__ == "__main__":
    import jax
    _d = setup_inputs()
    print(jax.jit(kernel)(*tuple(_d.values())))

</pallas_src>

<mosaic_0001>
#map = affine_map<(d0, d1) -> (0, 0)>
module attributes {stable_mosaic.version = 14 : i64} {
  func.func @_gather_sum_body(%arg0: i32, %arg1: i32, %arg2: memref<4x4096xi32, #tpu.memory_space<hbm>>, %arg3: memref<4x4096xi32, #tpu.memory_space<hbm>>, %arg4: memref<100000x128xf32, #tpu.memory_space<hbm>>, %arg5: memref<4096x128xf32, #tpu.memory_space<hbm>>, %arg6: memref<16384x128xf32, #tpu.memory_space<hbm>>, %arg7: memref<512xi32, #tpu.memory_space<vmem>>, %arg8: memref<512xi32, #tpu.memory_space<vmem>>, %arg9: memref<3x128x128xf32, #tpu.memory_space<vmem>>, %arg10: memref<3x128x128xf32, #tpu.memory_space<vmem>>, %arg11: memref<!tpu.dma_semaphore, #tpu.memory_space<semaphore_mem>>, %arg12: memref<!tpu.dma_semaphore, #tpu.memory_space<semaphore_mem>>, %arg13: memref<!tpu.dma_semaphore, #tpu.memory_space<semaphore_mem>>) attributes {dimension_semantics = [#tpu.dimension_semantics<core_parallel>, #tpu.dimension_semantics<subcore_parallel>], iteration_bounds = array<i64: 2, 16>, scalar_prefetch = 0 : i64, scratch_operands = 7 : i64, tpu.core_type = #tpu.core_type<sc_vector_subcore>, window_params = [{transform_indices = #map}, {transform_indices = #map}, {transform_indices = #map}, {transform_indices = #map}, {transform_indices = #map}]} {
    %mul3A = arith.constant 2 : i32
    %mul3A_0 = arith.muli %arg1, %mul3A : i32
    %add3A = arith.addi %mul3A_0, %arg0 : i32
    %mul3A_1 = arith.constant 512 : i32
    %mul3A_2 = arith.muli %add3A, %mul3A_1 : i32
    %jit3A = arith.constant 8 : i32
    %div3A = arith.divsi %add3A, %jit3A : i32
    %sign3A = arith.constant 0 : i32
    %sign3A_3 = arith.cmpi sgt, %add3A, %sign3A : i32
    %sign3A_4 = arith.extui %sign3A_3 : i1 to i32
    %sign3A_5 = arith.constant 0 : i32
    %sign3A_6 = arith.cmpi slt, %add3A, %sign3A_5 : i32
    %sign3A_7 = arith.extui %sign3A_6 : i1 to i32
    %sign3A_8 = arith.subi %sign3A_4, %sign3A_7 : i32
    %sign3A_9 = arith.constant 0 : i32
    %sign3A_10 = arith.cmpi sgt, %jit3A, %sign3A_9 : i32
    %sign3A_11 = arith.extui %sign3A_10 : i1 to i32
    %sign3A_12 = arith.constant 0 : i32
    %sign3A_13 = arith.cmpi slt, %jit3A, %sign3A_12 : i32
    %sign3A_14 = arith.extui %sign3A_13 : i1 to i32
    %sign3A_15 = arith.subi %sign3A_11, %sign3A_14 : i32
    %ne3A = arith.cmpi ne, %sign3A_8, %sign3A_15 : i32
    %rem3A = arith.remsi %add3A, %jit3A : i32
    %ne3A_16 = arith.constant 0 : i32
    %ne3A_17 = arith.cmpi ne, %rem3A, %ne3A_16 : i32
    %and3A = arith.andi %ne3A, %ne3A_17 : i1
    %sub3A = arith.constant 1 : i32
    %sub3A_18 = arith.subi %div3A, %sub3A : i32
    %select_n3A = arith.select %and3A, %sub3A_18, %div3A : i32
    %jit3A_19 = arith.constant 8 : i32
    %eq3A = arith.constant 0 : i32
    %eq3A_20 = arith.cmpi eq, %jit3A_19, %eq3A : i32
    %jit3A_21 = arith.constant 1 : i32
    %select_n3A_22 = arith.select %eq3A_20, %jit3A_21, %jit3A_19 : i32
    %rem3A_23 = arith.remsi %add3A, %select_n3A_22 : i32
    %ne3A_24 = arith.constant 0 : i32
    %ne3A_25 = arith.cmpi ne, %rem3A_23, %ne3A_24 : i32
    %lt3A = arith.constant 0 : i32
    %lt3A_26 = arith.cmpi slt, %rem3A_23, %lt3A : i32
    %lt3A_27 = arith.constant 0 : i32
    %lt3A_28 = arith.cmpi slt, %select_n3A_22, %lt3A_27 : i32
    %ne3A_29 = arith.xori %lt3A_26, %lt3A_28 : i1
    %and3A_30 = arith.andi %ne3A_29, %ne3A_25 : i1
    %add3A_31 = arith.addi %rem3A_23, %select_n3A_22 : i32
    %select_n3A_32 = arith.select %and3A_30, %add3A_31, %rem3A_23 : i32
    %mul3A_33 = arith.constant 512 : i32
    %mul3A_34 = arith.muli %select_n3A_32, %mul3A_33 : i32
    "tpu.region"() ({
      %run_scoped3A = tpu.sem_alloc : memref<!tpu.dma_semaphore, #tpu.memory_space<semaphore_mem>>
      %dma_start3A_328 = tpu.memref_slice %arg2[%select_n3A, %mul3A_34] : memref<4x4096xi32, #tpu.memory_space<hbm>> -> memref<1x512xi32, #tpu.memory_space<hbm>>
      %dma_start3A_329 = tpu.memref_squeeze %dma_start3A_328 : memref<1x512xi32, #tpu.memory_space<hbm>> -> memref<512xi32, #tpu.memory_space<hbm>>
      %dma_start3A_330 = tpu.memref_slice %arg2[%select_n3A, %mul3A_34] : memref<4x4096xi32, #tpu.memory_space<hbm>> -> memref<1x512xi32, #tpu.memory_space<hbm>>
      %dma_start3A_331 = tpu.memref_squeeze %dma_start3A_330 : memref<1x512xi32, #tpu.memory_space<hbm>> -> memref<512xi32, #tpu.memory_space<hbm>>
      tpu.enqueue_dma source(%dma_start3A_331 : memref<512xi32, #tpu.memory_space<hbm>>) target(%arg7 : memref<512xi32, #tpu.memory_space<vmem>>) target_semaphore(%run_scoped3A : memref<!tpu.dma_semaphore, #tpu.memory_space<semaphore_mem>>)
      %dma_wait3A_332 = tpu.memref_slice %arg2[%select_n3A, %mul3A_34] : memref<4x4096xi32, #tpu.memory_space<hbm>> -> memref<1x512xi32, #tpu.memory_space<hbm>>
      %dma_wait3A_333 = tpu.memref_squeeze %dma_wait3A_332 : memref<1x512xi32, #tpu.memory_space<hbm>> -> memref<512xi32, #tpu.memory_space<hbm>>
      %dma_wait3A_334 = tpu.memref_slice %arg2[%select_n3A, %mul3A_34] : memref<4x4096xi32, #tpu.memory_space<hbm>> -> memref<1x512xi32, #tpu.memory_space<hbm>>
      %dma_wait3A_335 = tpu.memref_squeeze %dma_wait3A_334 : memref<1x512xi32, #tpu.memory_space<hbm>> -> memref<512xi32, #tpu.memory_space<hbm>>
      tpu.wait_dma2 semaphore(%run_scoped3A : memref<!tpu.dma_semaphore, #tpu.memory_space<semaphore_mem>>) src(%dma_wait3A_335 : memref<512xi32, #tpu.memory_space<hbm>>) dst(%arg7 : memref<512xi32, #tpu.memory_space<vmem>>)
      tpu.yield
    }) : () -> ()
    "tpu.region"() ({
      %run_scoped3A = tpu.sem_alloc : memref<!tpu.dma_semaphore, #tpu.memory_space<semaphore_mem>>
      %dma_start3A_328 = tpu.memref_slice %arg3[%select_n3A, %mul3A_34] : memref<4x4096xi32, #tpu.memory_space<hbm>> -> memref<1x512xi32, #tpu.memory_space<hbm>>
      %dma_start3A_329 = tpu.memref_squeeze %dma_start3A_328 : memref<1x512xi32, #tpu.memory_space<hbm>> -> memref<512xi32, #tpu.memory_space<hbm>>
      %dma_start3A_330 = tpu.memref_slice %arg3[%select_n3A, %mul3A_34] : memref<4x4096xi32, #tpu.memory_space<hbm>> -> memref<1x512xi32, #tpu.memory_space<hbm>>
      %dma_start3A_331 = tpu.memref_squeeze %dma_start3A_330 : memref<1x512xi32, #tpu.memory_space<hbm>> -> memref<512xi32, #tpu.memory_space<hbm>>
      tpu.enqueue_dma source(%dma_start3A_331 : memref<512xi32, #tpu.memory_space<hbm>>) target(%arg8 : memref<512xi32, #tpu.memory_space<vmem>>) target_semaphore(%run_scoped3A : memref<!tpu.dma_semaphore, #tpu.memory_space<semaphore_mem>>)
      %dma_wait3A_332 = tpu.memref_slice %arg3[%select_n3A, %mul3A_34] : memref<4x4096xi32, #tpu.memory_space<hbm>> -> memref<1x512xi32, #tpu.memory_space<hbm>>
      %dma_wait3A_333 = tpu.memref_squeeze %dma_wait3A_332 : memref<1x512xi32, #tpu.memory_space<hbm>> -> memref<512xi32, #tpu.memory_space<hbm>>
      %dma_wait3A_334 = tpu.memref_slice %arg3[%select_n3A, %mul3A_34] : memref<4x4096xi32, #tpu.memory_space<hbm>> -> memref<1x512xi32, #tpu.memory_space<hbm>>
      %dma_wait3A_335 = tpu.memref_squeeze %dma_wait3A_334 : memref<1x512xi32, #tpu.memory_space<hbm>> -> memref<512xi32, #tpu.memory_space<hbm>>
      tpu.wait_dma2 semaphore(%run_scoped3A : memref<!tpu.dma_semaphore, #tpu.memory_space<semaphore_mem>>) src(%dma_wait3A_335 : memref<512xi32, #tpu.memory_space<hbm>>) dst(%arg8 : memref<512xi32, #tpu.memory_space<vmem>>)
      tpu.yield
    }) : () -> ()
    %dma_start3A = arith.constant 0 : i32
    %dma_start3A_35 = arith.constant 0 : i32
    %dma_start3A_36 = arith.constant 0 : i32
    %dma_start3A_37 = tpu.memref_slice %arg9[%dma_start3A, %dma_start3A_35, %dma_start3A_36] : memref<3x128x128xf32, #tpu.memory_space<vmem>> -> memref<1x128x128xf32, #tpu.memory_space<vmem>>
    %dma_start3A_38 = tpu.memref_squeeze %dma_start3A_37 : memref<1x128x128xf32, #tpu.memory_space<vmem>> -> memref<128x128xf32, #tpu.memory_space<vmem>>
    %dma_start3A_39 = arith.constant 0 : i32
    %dma_start3A_40 = tpu.memref_slice %arg7[%dma_start3A_39] : memref<512xi32, #tpu.memory_space<vmem>> -> memref<128xi32, #tpu.memory_space<vmem>>
    %dma_start3A_41 = arith.constant 0 : i32
    %dma_start3A_42 = arith.constant 0 : i32
    %dma_start3A_43 = tpu.memref_slice %arg4[%dma_start3A_41, %dma_start3A_42] : memref<100000x128xf32, #tpu.memory_space<hbm>> -> memref<100000x128xf32, #tpu.memory_space<hbm>>
    tpu.enqueue_indirect_dma source(%dma_start3A_43 : memref<100000x128xf32, #tpu.memory_space<hbm>>) target(%dma_start3A_38 : memref<128x128xf32, #tpu.memory_space<vmem>>) offsets(%dma_start3A_40 : memref<128xi32, #tpu.memory_space<vmem>>) semaphore(%arg11 : memref<!tpu.dma_semaphore, #tpu.memory_space<semaphore_mem>>)
    %dma_start3A_44 = arith.constant 0 : i32
    %dma_start3A_45 = arith.constant 0 : i32
    %dma_start3A_46 = arith.constant 0 : i32
    %dma_start3A_47 = tpu.memref_slice %arg10[%dma_start3A_44, %dma_start3A_45, %dma_start3A_46] : memref<3x128x128xf32, #tpu.memory_space<vmem>> -> memref<1x128x128xf32, #tpu.memory_space<vmem>>
    %dma_start3A_48 = tpu.memref_squeeze %dma_start3A_47 : memref<1x128x128xf32, #tpu.memory_space<vmem>> -> memref<128x128xf32, #tpu.memory_space<vmem>>
    %dma_start3A_49 = arith.constant 0 : i32
    %dma_start3A_50 = tpu.memref_slice %arg8[%dma_start3A_49] : memref<512xi32, #tpu.memory_space<vmem>> -> memref<128xi32, #tpu.memory_space<vmem>>
    %dma_start3A_51 = arith.constant 0 : i32
    %dma_start3A_52 = arith.constant 0 : i32
    %dma_start3A_53 = tpu.memref_slice %arg5[%dma_start3A_51, %dma_start3A_52] : memref<4096x128xf32, #tpu.memory_space<hbm>> -> memref<4096x128xf32, #tpu.memory_space<hbm>>
    tpu.enqueue_indirect_dma source(%dma_start3A_53 : memref<4096x128xf32, #tpu.memory_space<hbm>>) target(%dma_start3A_48 : memref<128x128xf32, #tpu.memory_space<vmem>>) offsets(%dma_start3A_50 : memref<128xi32, #tpu.memory_space<vmem>>) semaphore(%arg12 : memref<!tpu.dma_semaphore, #tpu.memory_space<semaphore_mem>>)
    %dma_start3A_54 = arith.constant 1 : i32
    %dma_start3A_55 = arith.constant 0 : i32
    %dma_start3A_56 = arith.constant 0 : i32
    %dma_start3A_57 = tpu.memref_slice %arg9[%dma_start3A_54, %dma_start3A_55, %dma_start3A_56] : memref<3x128x128xf32, #tpu.memory_space<vmem>> -> memref<1x128x128xf32, #tpu.memory_space<vmem>>
    %dma_start3A_58 = tpu.memref_squeeze %dma_start3A_57 : memref<1x128x128xf32, #tpu.memory_space<vmem>> -> memref<128x128xf32, #tpu.memory_space<vmem>>
    %dma_start3A_59 = arith.constant 128 : i32
    %dma_start3A_60 = tpu.memref_slice %arg7[%dma_start3A_59] : memref<512xi32, #tpu.memory_space<vmem>> -> memref<128xi32, #tpu.memory_space<vmem>>
    %dma_start3A_61 = arith.constant 0 : i32
    %dma_start3A_62 = arith.constant 0 : i32
    %dma_start3A_63 = tpu.memref_slice %arg4[%dma_start3A_61, %dma_start3A_62] : memref<100000x128xf32, #tpu.memory_space<hbm>> -> memref<100000x128xf32, #tpu.memory_space<hbm>>
    tpu.enqueue_indirect_dma source(%dma_start3A_63 : memref<100000x128xf32, #tpu.memory_space<hbm>>) target(%dma_start3A_58 : memref<128x128xf32, #tpu.memory_space<vmem>>) offsets(%dma_start3A_60 : memref<128xi32, #tpu.memory_space<vmem>>) semaphore(%arg11 : memref<!tpu.dma_semaphore, #tpu.memory_space<semaphore_mem>>)
    %dma_start3A_64 = arith.constant 1 : i32
    %dma_start3A_65 = arith.constant 0 : i32
    %dma_start3A_66 = arith.constant 0 : i32
    %dma_start3A_67 = tpu.memref_slice %arg10[%dma_start3A_64, %dma_start3A_65, %dma_start3A_66] : memref<3x128x128xf32, #tpu.memory_space<vmem>> -> memref<1x128x128xf32, #tpu.memory_space<vmem>>
    %dma_start3A_68 = tpu.memref_squeeze %dma_start3A_67 : memref<1x128x128xf32, #tpu.memory_space<vmem>> -> memref<128x128xf32, #tpu.memory_space<vmem>>
    %dma_start3A_69 = arith.constant 128 : i32
    %dma_start3A_70 = tpu.memref_slice %arg8[%dma_start3A_69] : memref<512xi32, #tpu.memory_space<vmem>> -> memref<128xi32, #tpu.memory_space<vmem>>
    %dma_start3A_71 = arith.constant 0 : i32
    %dma_start3A_72 = arith.constant 0 : i32
    %dma_start3A_73 = tpu.memref_slice %arg5[%dma_start3A_71, %dma_start3A_72] : memref<4096x128xf32, #tpu.memory_space<hbm>> -> memref<4096x128xf32, #tpu.memory_space<hbm>>
    tpu.enqueue_indirect_dma source(%dma_start3A_73 : memref<4096x128xf32, #tpu.memory_space<hbm>>) target(%dma_start3A_68 : memref<128x128xf32, #tpu.memory_space<vmem>>) offsets(%dma_start3A_70 : memref<128xi32, #tpu.memory_space<vmem>>) semaphore(%arg12 : memref<!tpu.dma_semaphore, #tpu.memory_space<semaphore_mem>>)
    %dma_wait3A = arith.constant 0 : i32
    %dma_wait3A_74 = arith.constant 0 : i32
    %dma_wait3A_75 = arith.constant 0 : i32
    %dma_wait3A_76 = tpu.memref_slice %arg9[%dma_wait3A, %dma_wait3A_74, %dma_wait3A_75] : memref<3x128x128xf32, #tpu.memory_space<vmem>> -> memref<1x128x128xf32, #tpu.memory_space<vmem>>
    %dma_wait3A_77 = tpu.memref_squeeze %dma_wait3A_76 : memref<1x128x128xf32, #tpu.memory_space<vmem>> -> memref<128x128xf32, #tpu.memory_space<vmem>>
    %dma_wait3A_78 = arith.constant 0 : i32
    %dma_wait3A_79 = tpu.memref_slice %arg7[%dma_wait3A_78] : memref<512xi32, #tpu.memory_space<vmem>> -> memref<128xi32, #tpu.memory_space<vmem>>
    %dma_wait3A_80 = arith.constant 0 : i32
    %dma_wait3A_81 = arith.constant 0 : i32
    %dma_wait3A_82 = tpu.memref_slice %arg4[%dma_wait3A_80, %dma_wait3A_81] : memref<100000x128xf32, #tpu.memory_space<hbm>> -> memref<100000x128xf32, #tpu.memory_space<hbm>>
    tpu.wait_indirect_dma semaphore(%arg11 : memref<!tpu.dma_semaphore, #tpu.memory_space<semaphore_mem>>) src(%dma_wait3A_82 : memref<100000x128xf32, #tpu.memory_space<hbm>>) dst(%dma_wait3A_77 : memref<128x128xf32, #tpu.memory_space<vmem>>)
    %dma_wait3A_83 = arith.constant 0 : i32
    %dma_wait3A_84 = arith.constant 0 : i32
    %dma_wait3A_85 = arith.constant 0 : i32
    %dma_wait3A_86 = tpu.memref_slice %arg10[%dma_wait3A_83, %dma_wait3A_84, %dma_wait3A_85] : memref<3x128x128xf32, #tpu.memory_space<vmem>> -> memref<1x128x128xf32, #tpu.memory_space<vmem>>
    %dma_wait3A_87 = tpu.memref_squeeze %dma_wait3A_86 : memref<1x128x128xf32, #tpu.memory_space<vmem>> -> memref<128x128xf32, #tpu.memory_space<vmem>>
    %dma_wait3A_88 = arith.constant 0 : i32
    %dma_wait3A_89 = tpu.memref_slice %arg8[%dma_wait3A_88] : memref<512xi32, #tpu.memory_space<vmem>> -> memref<128xi32, #tpu.memory_space<vmem>>
    %dma_wait3A_90 = arith.constant 0 : i32
    %dma_wait3A_91 = arith.constant 0 : i32
    %dma_wait3A_92 = tpu.memref_slice %arg5[%dma_wait3A_90, %dma_wait3A_91] : memref<4096x128xf32, #tpu.memory_space<hbm>> -> memref<4096x128xf32, #tpu.memory_space<hbm>>
    tpu.wait_indirect_dma semaphore(%arg12 : memref<!tpu.dma_semaphore, #tpu.memory_space<semaphore_mem>>) src(%dma_wait3A_92 : memref<4096x128xf32, #tpu.memory_space<hbm>>) dst(%dma_wait3A_87 : memref<128x128xf32, #tpu.memory_space<vmem>>)
    %dma_start3A_93 = arith.constant 2 : i32
    %dma_start3A_94 = arith.constant 0 : i32
    %dma_start3A_95 = arith.constant 0 : i32
    %dma_start3A_96 = tpu.memref_slice %arg9[%dma_start3A_93, %dma_start3A_94, %dma_start3A_95] : memref<3x128x128xf32, #tpu.memory_space<vmem>> -> memref<1x128x128xf32, #tpu.memory_space<vmem>>
    %dma_start3A_97 = tpu.memref_squeeze %dma_start3A_96 : memref<1x128x128xf32, #tpu.memory_space<vmem>> -> memref<128x128xf32, #tpu.memory_space<vmem>>
    %dma_start3A_98 = arith.constant 256 : i32
    %dma_start3A_99 = tpu.memref_slice %arg7[%dma_start3A_98] : memref<512xi32, #tpu.memory_space<vmem>> -> memref<128xi32, #tpu.memory_space<vmem>>
    %dma_start3A_100 = arith.constant 0 : i32
    %dma_start3A_101 = arith.constant 0 : i32
    %dma_start3A_102 = tpu.memref_slice %arg4[%dma_start3A_100, %dma_start3A_101] : memref<100000x128xf32, #tpu.memory_space<hbm>> -> memref<100000x128xf32, #tpu.memory_space<hbm>>
    tpu.enqueue_indirect_dma source(%dma_start3A_102 : memref<100000x128xf32, #tpu.memory_space<hbm>>) target(%dma_start3A_97 : memref<128x128xf32, #tpu.memory_space<vmem>>) offsets(%dma_start3A_99 : memref<128xi32, #tpu.memory_space<vmem>>) semaphore(%arg11 : memref<!tpu.dma_semaphore, #tpu.memory_space<semaphore_mem>>)
    %dma_start3A_103 = arith.constant 2 : i32
    %dma_start3A_104 = arith.constant 0 : i32
    %dma_start3A_105 = arith.constant 0 : i32
    %dma_start3A_106 = tpu.memref_slice %arg10[%dma_start3A_103, %dma_start3A_104, %dma_start3A_105] : memref<3x128x128xf32, #tpu.memory_space<vmem>> -> memref<1x128x128xf32, #tpu.memory_space<vmem>>
    %dma_start3A_107 = tpu.memref_squeeze %dma_start3A_106 : memref<1x128x128xf32, #tpu.memory_space<vmem>> -> memref<128x128xf32, #tpu.memory_space<vmem>>
    %dma_start3A_108 = arith.constant 256 : i32
    %dma_start3A_109 = tpu.memref_slice %arg8[%dma_start3A_108] : memref<512xi32, #tpu.memory_space<vmem>> -> memref<128xi32, #tpu.memory_space<vmem>>
    %dma_start3A_110 = arith.constant 0 : i32
    %dma_start3A_111 = arith.constant 0 : i32
    %dma_start3A_112 = tpu.memref_slice %arg5[%dma_start3A_110, %dma_start3A_111] : memref<4096x128xf32, #tpu.memory_space<hbm>> -> memref<4096x128xf32, #tpu.memory_space<hbm>>
    tpu.enqueue_indirect_dma source(%dma_start3A_112 : memref<4096x128xf32, #tpu.memory_space<hbm>>) target(%dma_start3A_107 : memref<128x128xf32, #tpu.memory_space<vmem>>) offsets(%dma_start3A_109 : memref<128xi32, #tpu.memory_space<vmem>>) semaphore(%arg12 : memref<!tpu.dma_semaphore, #tpu.memory_space<semaphore_mem>>)
    %scan3A = arith.constant 0 : i32
    %scan3A_113 = arith.constant 0 : i32
    %scan3A_114 = arith.constant 128 : i32
    %scan3A_115 = arith.addi %scan3A_113, %scan3A_114 : i32
    %scan3A_116 = arith.constant 4 : i32
    scf.for %scan3A_328 = %scan3A_113 to %scan3A_115 step %scan3A_116  : i32 {
      %get3A = arith.constant 0 : i32
      %get3A_329 = arith.index_cast %get3A : i32 to index
      %get3A_330 = arith.index_cast %scan3A_328 : i32 to index
      %get3A_331 = arith.constant 0 : index
      %get3A_332 = tpu.vector_load %arg9[%get3A_329, %get3A_330, %get3A_331] {strides = array<i32>} : memref<3x128x128xf32, #tpu.memory_space<vmem>>, vector<16xf32>,
      %get3A_333 = arith.constant 0 : i32
      %get3A_334 = arith.index_cast %get3A_333 : i32 to index
      %get3A_335 = arith.index_cast %scan3A_328 : i32 to index
      %get3A_336 = arith.constant 0 : index
      %get3A_337 = tpu.vector_load %arg10[%get3A_334, %get3A_335, %get3A_336] {strides = array<i32>} : memref<3x128x128xf32, #tpu.memory_space<vmem>>, vector<16xf32>,
      %add3A_338 = arith.addf %get3A_332, %get3A_337 : vector<16xf32>
      %swap3A = arith.constant 0 : i32
      %swap3A_339 = arith.index_cast %swap3A : i32 to index
      %swap3A_340 = arith.index_cast %scan3A_328 : i32 to index
      %swap3A_341 = arith.constant 0 : index
      %swap3A_342 = tpu.vector_load %arg9[%swap3A_339, %swap3A_340, %swap3A_341] {strides = array<i32>} : memref<3x128x128xf32, #tpu.memory_space<vmem>>, vector<16xf32>,
      tpu.vector_store %arg9[%swap3A_339, %swap3A_340, %swap3A_341], %add3A_338 {strides = array<i32>} : memref<3x128x128xf32, #tpu.memory_space<vmem>>, vector<16xf32>,
      %get3A_343 = arith.constant 0 : i32
      %get3A_344 = arith.index_cast %get3A_343 : i32 to index
      %get3A_345 = arith.index_cast %scan3A_328 : i32 to index
      %get3A_346 = arith.constant 16 : index
      %get3A_347 = tpu.vector_load %arg9[%get3A_344, %get3A_345, %get3A_346] {strides = array<i32>} : memref<3x128x128xf32, #tpu.memory_space<vmem>>, vector<16xf32>,
      %get3A_348 = arith.constant 0 : i32
      %get3A_349 = arith.index_cast %get3A_348 : i32 to index
      %get3A_350 = arith.index_cast %scan3A_328 : i32 to index
      %get3A_351 = arith.constant 16 : index
      %get3A_352 = tpu.vector_load %arg10[%get3A_349, %get3A_350, %get3A_351] {strides = array<i32>} : memref<3x128x128xf32, #tpu.memory_space<vmem>>, vector<16xf32>,
      %add3A_353 = arith.addf %get3A_347, %get3A_352 : vector<16xf32>
      %swap3A_354 = arith.constant 0 : i32
      %swap3A_355 = arith.index_cast %swap3A_354 : i32 to index
      %swap3A_356 = arith.index_cast %scan3A_328 : i32 to index
      %swap3A_357 = arith.constant 16 : index
      %swap3A_358 = tpu.vector_load %arg9[%swap3A_355, %swap3A_356, %swap3A_357] {strides = array<i32>} : memref<3x128x128xf32, #tpu.memory_space<vmem>>, vector<16xf32>,
      tpu.vector_store %arg9[%swap3A_355, %swap3A_356, %swap3A_357], %add3A_353 {strides = array<i32>} : memref<3x128x128xf32, #tpu.memory_space<vmem>>, vector<16xf32>,
      %get3A_359 = arith.constant 0 : i32
      %get3A_360 = arith.index_cast %get3A_359 : i32 to index
      %get3A_361 = arith.index_cast %scan3A_328 : i32 to index
      %get3A_362 = arith.constant 32 : index
      %get3A_363 = tpu.vector_load %arg9[%get3A_360, %get3A_361, %get3A_362] {strides = array<i32>} : memref<3x128x128xf32, #tpu.memory_space<vmem>>, vector<16xf32>,
      %get3A_364 = arith.constant 0 : i32
      %get3A_365 = arith.index_cast %get3A_364 : i32 to index
      %get3A_366 = arith.index_cast %scan3A_328 : i32 to index
      %get3A_367 = arith.constant 32 : index
      %get3A_368 = tpu.vector_load %arg10[%get3A_365, %get3A_366, %get3A_367] {strides = array<i32>} : memref<3x128x128xf32, #tpu.memory_space<vmem>>, vector<16xf32>,
      %add3A_369 = arith.addf %get3A_363, %get3A_368 : vector<16xf32>
      %swap3A_370 = arith.constant 0 : i32
      %swap3A_371 = arith.index_cast %swap3A_370 : i32 to index
      %swap3A_372 = arith.index_cast %scan3A_328 : i32 to index
      %swap3A_373 = arith.constant 32 : index
      %swap3A_374 = tpu.vector_load %arg9[%swap3A_371, %swap3A_372, %swap3A_373] {strides = array<i32>} : memref<3x128x128xf32, #tpu.memory_space<vmem>>, vector<16xf32>,
      tpu.vector_store %arg9[%swap3A_371, %swap3A_372, %swap3A_373], %add3A_369 {strides = array<i32>} : memref<3x128x128xf32, #tpu.memory_space<vmem>>, vector<16xf32>,
      %get3A_375 = arith.constant 0 : i32
      %get3A_376 = arith.index_cast %get3A_375 : i32 to index
      %get3A_377 = arith.index_cast %scan3A_328 : i32 to index
      %get3A_378 = arith.constant 48 : index
      %get3A_379 = tpu.vector_load %arg9[%get3A_376, %get3A_377, %get3A_378] {strides = array<i32>} : memref<3x128x128xf32, #tpu.memory_space<vmem>>, vector<16xf32>,
      %get3A_380 = arith.constant 0 : i32
      %get3A_381 = arith.index_cast %get3A_380 : i32 to index
      %get3A_382 = arith.index_cast %scan3A_328 : i32 to index
      %get3A_383 = arith.constant 48 : index
      %get3A_384 = tpu.vector_load %arg10[%get3A_381, %get3A_382, %get3A_383] {strides = array<i32>} : memref<3x128x128xf32, #tpu.memory_space<vmem>>, vector<16xf32>,
      %add3A_385 = arith.addf %get3A_379, %get3A_384 : vector<16xf32>
      %swap3A_386 = arith.constant 0 : i32
      %swap3A_387 = arith.index_cast %swap3A_386 : i32 to index
      %swap3A_388 = arith.index_cast %scan3A_328 : i32 to index
      %swap3A_389 = arith.constant 48 : index
      %swap3A_390 = tpu.vector_load %arg9[%swap3A_387, %swap3A_388, %swap3A_389] {strides = array<i32>} : memref<3x128x128xf32, #tpu.memory_space<vmem>>, vector<16xf32>,
      tpu.vector_store %arg9[%swap3A_387, %swap3A_388, %swap3A_389], %add3A_385 {strides = array<i32>} : memref<3x128x128xf32, #tpu.memory_space<vmem>>, vector<16xf32>,
      %get3A_391 = arith.constant 0 : i32
      %get3A_392 = arith.index_cast %get3A_391 : i32 to index
      %get3A_393 = arith.index_cast %scan3A_328 : i32 to index
      %get3A_394 = arith.constant 64 : index
      %get3A_395 = tpu.vector_load %arg9[%get3A_392, %get3A_393, %get3A_394] {strides = array<i32>} : memref<3x128x128xf32, #tpu.memory_space<vmem>>, vector<16xf32>,
      %get3A_396 = arith.constant 0 : i32
      %get3A_397 = arith.index_cast %get3A_396 : i32 to index
      %get3A_398 = arith.index_cast %scan3A_328 : i32 to index
      %get3A_399 = arith.constant 64 : index
      %get3A_400 = tpu.vector_load %arg10[%get3A_397, %get3A_398, %get3A_399] {strides = array<i32>} : memref<3x128x128xf32, #tpu.memory_space<vmem>>, vector<16xf32>,
      %add3A_401 = arith.addf %get3A_395, %get3A_400 : vector<16xf32>
      %swap3A_402 = arith.constant 0 : i32
      %swap3A_403 = arith.index_cast %swap3A_402 : i32 to index
      %swap3A_404 = arith.index_cast %scan3A_328 : i32 to index
      %swap3A_405 = arith.constant 64 : index
      %swap3A_406 = tpu.vector_load %arg9[%swap3A_403, %swap3A_404, %swap3A_405] {strides = array<i32>} : memref<3x128x128xf32, #tpu.memory_space<vmem>>, vector<16xf32>,
      tpu.vector_store %arg9[%swap3A_403, %swap3A_404, %swap3A_405], %add3A_401 {strides = array<i32>} : memref<3x128x128xf32, #tpu.memory_space<vmem>>, vector<16xf32>,
      %get3A_407 = arith.constant 0 : i32
      %get3A_408 = arith.index_cast %get3A_407 : i32 to index
      %get3A_409 = arith.index_cast %scan3A_328 : i32 to index
      %get3A_410 = arith.constant 80 : index
      %get3A_411 = tpu.vector_load %arg9[%get3A_408, %get3A_409, %get3A_410] {strides = array<i32>} : memref<3x128x128xf32, #tpu.memory_space<vmem>>, vector<16xf32>,
      %get3A_412 = arith.constant 0 : i32
      %get3A_413 = arith.index_cast %get3A_412 : i32 to index
      %get3A_414 = arith.index_cast %scan3A_328 : i32 to index
      %get3A_415 = arith.constant 80 : index
      %get3A_416 = tpu.vector_load %arg10[%get3A_413, %get3A_414, %get3A_415] {strides = array<i32>} : memref<3x128x128xf32, #tpu.memory_space<vmem>>, vector<16xf32>,
      %add3A_417 = arith.addf %get3A_411, %get3A_416 : vector<16xf32>
      %swap3A_418 = arith.constant 0 : i32
      %swap3A_419 = arith.index_cast %swap3A_418 : i32 to index
      %swap3A_420 = arith.index_cast %scan3A_328 : i32 to index
      %swap3A_421 = arith.constant 80 : index
      %swap3A_422 = tpu.vector_load %arg9[%swap3A_419, %swap3A_420, %swap3A_421] {strides = array<i32>} : memref<3x128x128xf32, #tpu.memory_space<vmem>>, vector<16xf32>,
      tpu.vector_store %arg9[%swap3A_419, %swap3A_420, %swap3A_421], %add3A_417 {strides = array<i32>} : memref<3x128x128xf32, #tpu.memory_space<vmem>>, vector<16xf32>,
      %get3A_423 = arith.constant 0 : i32
      %get3A_424 = arith.index_cast %get3A_423 : i32 to index
      %get3A_425 = arith.index_cast %scan3A_328 : i32 to index
      %get3A_426 = arith.constant 96 : index
      %get3A_427 = tpu.vector_load %arg9[%get3A_424, %get3A_425, %get3A_426] {strides = array<i32>} : memref<3x128x128xf32, #tpu.memory_space<vmem>>, vector<16xf32>,
      %get3A_428 = arith.constant 0 : i32
      %get3A_429 = arith.index_cast %get3A_428 : i32 to index
      %get3A_430 = arith.index_cast %scan3A_328 : i32 to index
      %get3A_431 = arith.constant 96 : index
      %get3A_432 = tpu.vector_load %arg10[%get3A_429, %get3A_430, %get3A_431] {strides = array<i32>} : memref<3x128x128xf32, #tpu.memory_space<vmem>>, vector<16xf32>,
      %add3A_433 = arith.addf %get3A_427, %get3A_432 : vector<16xf32>
      %swap3A_434 = arith.constant 0 : i32
      %swap3A_435 = arith.index_cast %swap3A_434 : i32 to index
      %swap3A_436 = arith.index_cast %scan3A_328 : i32 to index
      %swap3A_437 = arith.constant 96 : index
      %swap3A_438 = tpu.vector_load %arg9[%swap3A_435, %swap3A_436, %swap3A_437] {strides = array<i32>} : memref<3x128x128xf32, #tpu.memory_space<vmem>>, vector<16xf32>,
      tpu.vector_store %arg9[%swap3A_435, %swap3A_436, %swap3A_437], %add3A_433 {strides = array<i32>} : memref<3x128x128xf32, #tpu.memory_space<vmem>>, vector<16xf32>,
      %get3A_439 = arith.constant 0 : i32
      %get3A_440 = arith.index_cast %get3A_439 : i32 to index
      %get3A_441 = arith.index_cast %scan3A_328 : i32 to index
      %get3A_442 = arith.constant 112 : index
      %get3A_443 = tpu.vector_load %arg9[%get3A_440, %get3A_441, %get3A_442] {strides = array<i32>} : memref<3x128x128xf32, #tpu.memory_space<vmem>>, vector<16xf32>,
      %get3A_444 = arith.constant 0 : i32
      %get3A_445 = arith.index_cast %get3A_444 : i32 to index
      %get3A_446 = arith.index_cast %scan3A_328 : i32 to index
      %get3A_447 = arith.constant 112 : index
      %get3A_448 = tpu.vector_load %arg10[%get3A_445, %get3A_446, %get3A_447] {strides = array<i32>} : memref<3x128x128xf32, #tpu.memory_space<vmem>>, vector<16xf32>,
      %add3A_449 = arith.addf %get3A_443, %get3A_448 : vector<16xf32>
      %swap3A_450 = arith.constant 0 : i32
      %swap3A_451 = arith.index_cast %swap3A_450 : i32 to index
      %swap3A_452 = arith.index_cast %scan3A_328 : i32 to index
      %swap3A_453 = arith.constant 112 : index
      %swap3A_454 = tpu.vector_load %arg9[%swap3A_451, %swap3A_452, %swap3A_453] {strides = array<i32>} : memref<3x128x128xf32, #tpu.memory_space<vmem>>, vector<16xf32>,
      tpu.vector_store %arg9[%swap3A_451, %swap3A_452, %swap3A_453], %add3A_449 {strides = array<i32>} : memref<3x128x128xf32, #tpu.memory_space<vmem>>, vector<16xf32>,
      %scan3A_455 = arith.constant 1 : i32
      %scan3A_456 = arith.addi %scan3A_328, %scan3A_455 : i32
      %get3A_457 = arith.constant 0 : i32
      %get3A_458 = arith.index_cast %get3A_457 : i32 to index
      %get3A_459 = arith.index_cast %scan3A_456 : i32 to index
      %get3A_460 = arith.constant 0 : index
      %get3A_461 = tpu.vector_load %arg9[%get3A_458, %get3A_459, %get3A_460] {strides = array<i32>} : memref<3x128x128xf32, #tpu.memory_space<vmem>>, vector<16xf32>,
      %get3A_462 = arith.constant 0 : i32
      %get3A_463 = arith.index_cast %get3A_462 : i32 to index
      %get3A_464 = arith.index_cast %scan3A_456 : i32 to index
      %get3A_465 = arith.constant 0 : index
      %get3A_466 = tpu.vector_load %arg10[%get3A_463, %get3A_464, %get3A_465] {strides = array<i32>} : memref<3x128x128xf32, #tpu.memory_space<vmem>>, vector<16xf32>,
      %add3A_467 = arith.addf %get3A_461, %get3A_466 : vector<16xf32>
      %swap3A_468 = arith.constant 0 : i32
      %swap3A_469 = arith.index_cast %swap3A_468 : i32 to index
      %swap3A_470 = arith.index_cast %scan3A_456 : i32 to index
      %swap3A_471 = arith.constant 0 : index
      %swap3A_472 = tpu.vector_load %arg9[%swap3A_469, %swap3A_470, %swap3A_471] {strides = array<i32>} : memref<3x128x128xf32, #tpu.memory_space<vmem>>, vector<16xf32>,
      tpu.vector_store %arg9[%swap3A_469, %swap3A_470, %swap3A_471], %add3A_467 {strides = array<i32>} : memref<3x128x128xf32, #tpu.memory_space<vmem>>, vector<16xf32>,
      %get3A_473 = arith.constant 0 : i32
      %get3A_474 = arith.index_cast %get3A_473 : i32 to index
      %get3A_475 = arith.index_cast %scan3A_456 : i32 to index
      %get3A_476 = arith.constant 16 : index
      %get3A_477 = tpu.vector_load %arg9[%get3A_474, %get3A_475, %get3A_476] {strides = array<i32>} : memref<3x128x128xf32, #tpu.memory_space<vmem>>, vector<16xf32>,
      %get3A_478 = arith.constant 0 : i32
      %get3A_479 = arith.index_cast %get3A_478 : i32 to index
      %get3A_480 = arith.index_cast %scan3A_456 : i32 to index
      %get3A_481 = arith.constant 16 : index
      %get3A_482 = tpu.vector_load %arg10[%get3A_479, %get3A_480, %get3A_481] {strides = array<i32>} : memref<3x128x128xf32, #tpu.memory_space<vmem>>, vector<16xf32>,
      %add3A_483 = arith.addf %get3A_477, %get3A_482 : vector<16xf32>
      %swap3A_484 = arith.constant 0 : i32
      %swap3A_485 = arith.index_cast %swap3A_484 : i32 to index
      %swap3A_486 = arith.index_cast %scan3A_456 : i32 to index
      %swap3A_487 = arith.constant 16 : index
      %swap3A_488 = tpu.vector_load %arg9[%swap3A_485, %swap3A_486, %swap3A_487] {strides = array<i32>} : memref<3x128x128xf32, #tpu.memory_space<vmem>>, vector<16xf32>,
      tpu.vector_store %arg9[%swap3A_485, %swap3A_486, %swap3A_487], %add3A_483 {strides = array<i32>} : memref<3x128x128xf32, #tpu.memory_space<vmem>>, vector<16xf32>,
      %get3A_489 = arith.constant 0 : i32
      %get3A_490 = arith.index_cast %get3A_489 : i32 to index
      %get3A_491 = arith.index_cast %scan3A_456 : i32 to index
      %get3A_492 = arith.constant 32 : index
      %get3A_493 = tpu.vector_load %arg9[%get3A_490, %get3A_491, %get3A_492] {strides = array<i32>} : memref<3x128x128xf32, #tpu.memory_space<vmem>>, vector<16xf32>,
      %get3A_494 = arith.constant 0 : i32
      %get3A_495 = arith.index_cast %get3A_494 : i32 to index
      %get3A_496 = arith.index_cast %scan3A_456 : i32 to index
      %get3A_497 = arith.constant 32 : index
      %get3A_498 = tpu.vector_load %arg10[%get3A_495, %get3A_496, %get3A_497] {strides = array<i32>} : memref<3x128x128xf32, #tpu.memory_space<vmem>>, vector<16xf32>,
      %add3A_499 = arith.addf %get3A_493, %get3A_498 : vector<16xf32>
      %swap3A_500 = arith.constant 0 : i32
      %swap3A_501 = arith.index_cast %swap3A_500 : i32 to index
      %swap3A_502 = arith.index_cast %scan3A_456 : i32 to index
      %swap3A_503 = arith.constant 32 : index
      %swap3A_504 = tpu.vector_load %arg9[%swap3A_501, %swap3A_502, %swap3A_503] {strides = array<i32>} : memref<3x128x128xf32, #tpu.memory_space<vmem>>, vector<16xf32>,
      tpu.vector_store %arg9[%swap3A_501, %swap3A_502, %swap3A_503], %add3A_499 {strides = array<i32>} : memref<3x128x128xf32, #tpu.memory_space<vmem>>, vector<16xf32>,
      %get3A_505 = arith.constant 0 : i32
      %get3A_506 = arith.index_cast %get3A_505 : i32 to index
      %get3A_507 = arith.index_cast %scan3A_456 : i32 to index
      %get3A_508 = arith.constant 48 : index
      %get3A_509 = tpu.vector_load %arg9[%get3A_506, %get3A_507, %get3A_508] {strides = array<i32>} : memref<3x128x128xf32, #tpu.memory_space<vmem>>, vector<16xf32>,
      %get3A_510 = arith.constant 0 : i32
      %get3A_511 = arith.index_cast %get3A_510 : i32 to index
      %get3A_512 = arith.index_cast %scan3A_456 : i32 to index
      %get3A_513 = arith.constant 48 : index
      %get3A_514 = tpu.vector_load %arg10[%get3A_511, %get3A_512, %get3A_513] {strides = array<i32>} : memref<3x128x128xf32, #tpu.memory_space<vmem>>, vector<16xf32>,
      %add3A_515 = arith.addf %get3A_509, %get3A_514 : vector<16xf32>
      %swap3A_516 = arith.constant 0 : i32
      %swap3A_517 = arith.index_cast %swap3A_516 : i32 to index
      %swap3A_518 = arith.index_cast %scan3A_456 : i32 to index
      %swap3A_519 = arith.constant 48 : index
      %swap3A_520 = tpu.vector_load %arg9[%swap3A_517, %swap3A_518, %swap3A_519] {strides = array<i32>} : memref<3x128x128xf32, #tpu.memory_space<vmem>>, vector<16xf32>,
      tpu.vector_store %arg9[%swap3A_517, %swap3A_518, %swap3A_519], %add3A_515 {strides = array<i32>} : memref<3x128x128xf32, #tpu.memory_space<vmem>>, vector<16xf32>,
      %get3A_521 = arith.constant 0 : i32
      %get3A_522 = arith.index_cast %get3A_521 : i32 to index
      %get3A_523 = arith.index_cast %scan3A_456 : i32 to index
      %get3A_524 = arith.constant 64 : index
      %get3A_525 = tpu.vector_load %arg9[%get3A_522, %get3A_523, %get3A_524] {strides = array<i32>} : memref<3x128x128xf32, #tpu.memory_space<vmem>>, vector<16xf32>,
      %get3A_526 = arith.constant 0 : i32
      %get3A_527 = arith.index_cast %get3A_526 : i32 to index
      %get3A_528 = arith.index_cast %scan3A_456 : i32 to index
      %get3A_529 = arith.constant 64 : index
      %get3A_530 = tpu.vector_load %arg10[%get3A_527, %get3A_528, %get3A_529] {strides = array<i32>} : memref<3x128x128xf32, #tpu.memory_space<vmem>>, vector<16xf32>,
      %add3A_531 = arith.addf %get3A_525, %get3A_530 : vector<16xf32>
      %swap3A_532 = arith.constant 0 : i32
      %swap3A_533 = arith.index_cast %swap3A_532 : i32 to index
      %swap3A_534 = arith.index_cast %scan3A_456 : i32 to index
      %swap3A_535 = arith.constant 64 : index
      %swap3A_536 = tpu.vector_load %arg9[%swap3A_533, %swap3A_534, %swap3A_535] {strides = array<i32>} : memref<3x128x128xf32, #tpu.memory_space<vmem>>, vector<16xf32>,
      tpu.vector_store %arg9[%swap3A_533, %swap3A_534, %swap3A_535], %add3A_531 {strides = array<i32>} : memref<3x128x128xf32, #tpu.memory_space<vmem>>, vector<16xf32>,
      %get3A_537 = arith.constant 0 : i32
      %get3A_538 = arith.index_cast %get3A_537 : i32 to index
      %get3A_539 = arith.index_cast %scan3A_456 : i32 to index
      %get3A_540 = arith.constant 80 : index
      %get3A_541 = tpu.vector_load %arg9[%get3A_538, %get3A_539, %get3A_540] {strides = array<i32>} : memref<3x128x128xf32, #tpu.memory_space<vmem>>, vector<16xf32>,
      %get3A_542 = arith.constant 0 : i32
      %get3A_543 = arith.index_cast %get3A_542 : i32 to index
      %get3A_544 = arith.index_cast %scan3A_456 : i32 to index
      %get3A_545 = arith.constant 80 : index
      %get3A_546 = tpu.vector_load %arg10[%get3A_543, %get3A_544, %get3A_545] {strides = array<i32>} : memref<3x128x128xf32, #tpu.memory_space<vmem>>, vector<16xf32>,
      %add3A_547 = arith.addf %get3A_541, %get3A_546 : vector<16xf32>
      %swap3A_548 = arith.constant 0 : i32
      %swap3A_549 = arith.index_cast %swap3A_548 : i32 to index
      %swap3A_550 = arith.index_cast %scan3A_456 : i32 to index
      %swap3A_551 = arith.constant 80 : index
      %swap3A_552 = tpu.vector_load %arg9[%swap3A_549, %swap3A_550, %swap3A_551] {strides = array<i32>} : memref<3x128x128xf32, #tpu.memory_space<vmem>>, vector<16xf32>,
      tpu.vector_store %arg9[%swap3A_549, %swap3A_550, %swap3A_551], %add3A_547 {strides = array<i32>} : memref<3x128x128xf32, #tpu.memory_space<vmem>>, vector<16xf32>,
      %get3A_553 = arith.constant 0 : i32
      %get3A_554 = arith.index_cast %get3A_553 : i32 to index
      %get3A_555 = arith.index_cast %scan3A_456 : i32 to index
      %get3A_556 = arith.constant 96 : index
      %get3A_557 = tpu.vector_load %arg9[%get3A_554, %get3A_555, %get3A_556] {strides = array<i32>} : memref<3x128x128xf32, #tpu.memory_space<vmem>>, vector<16xf32>,
      %get3A_558 = arith.constant 0 : i32
      %get3A_559 = arith.index_cast %get3A_558 : i32 to index
      %get3A_560 = arith.index_cast %scan3A_456 : i32 to index
      %get3A_561 = arith.constant 96 : index
      %get3A_562 = tpu.vector_load %arg10[%get3A_559, %get3A_560, %get3A_561] {strides = array<i32>} : memref<3x128x128xf32, #tpu.memory_space<vmem>>, vector<16xf32>,
      %add3A_563 = arith.addf %get3A_557, %get3A_562 : vector<16xf32>
      %swap3A_564 = arith.constant 0 : i32
      %swap3A_565 = arith.index_cast %swap3A_564 : i32 to index
      %swap3A_566 = arith.index_cast %scan3A_456 : i32 to index
      %swap3A_567 = arith.constant 96 : index
      %swap3A_568 = tpu.vector_load %arg9[%swap3A_565, %swap3A_566, %swap3A_567] {strides = array<i32>} : memref<3x128x128xf32, #tpu.memory_space<vmem>>, vector<16xf32>,
      tpu.vector_store %arg9[%swap3A_565, %swap3A_566, %swap3A_567], %add3A_563 {strides = array<i32>} : memref<3x128x128xf32, #tpu.memory_space<vmem>>, vector<16xf32>,
      %get3A_569 = arith.constant 0 : i32
      %get3A_570 = arith.index_cast %get3A_569 : i32 to index
      %get3A_571 = arith.index_cast %scan3A_456 : i32 to index
      %get3A_572 = arith.constant 112 : index
      %get3A_573 = tpu.vector_load %arg9[%get3A_570, %get3A_571, %get3A_572] {strides = array<i32>} : memref<3x128x128xf32, #tpu.memory_space<vmem>>, vector<16xf32>,
      %get3A_574 = arith.constant 0 : i32
      %get3A_575 = arith.index_cast %get3A_574 : i32 to index
      %get3A_576 = arith.index_cast %scan3A_456 : i32 to index
      %get3A_577 = arith.constant 112 : index
      %get3A_578 = tpu.vector_load %arg10[%get3A_575, %get3A_576, %get3A_577] {strides = array<i32>} : memref<3x128x128xf32, #tpu.memory_space<vmem>>, vector<16xf32>,
      %add3A_579 = arith.addf %get3A_573, %get3A_578 : vector<16xf32>
      %swap3A_580 = arith.constant 0 : i32
      %swap3A_581 = arith.index_cast %swap3A_580 : i32 to index
      %swap3A_582 = arith.index_cast %scan3A_456 : i32 to index
      %swap3A_583 = arith.constant 112 : index
      %swap3A_584 = tpu.vector_load %arg9[%swap3A_581, %swap3A_582, %swap3A_583] {strides = array<i32>} : memref<3x128x128xf32, #tpu.memory_space<vmem>>, vector<16xf32>,
      tpu.vector_store %arg9[%swap3A_581, %swap3A_582, %swap3A_583], %add3A_579 {strides = array<i32>} : memref<3x128x128xf32, #tpu.memory_space<vmem>>, vector<16xf32>,
      %scan3A_585 = arith.constant 2 : i32
      %scan3A_586 = arith.addi %scan3A_328, %scan3A_585 : i32
      %get3A_587 = arith.constant 0 : i32
      %get3A_588 = arith.index_cast %get3A_587 : i32 to index
      %get3A_589 = arith.index_cast %scan3A_586 : i32 to index
      %get3A_590 = arith.constant 0 : index
      %get3A_591 = tpu.vector_load %arg9[%get3A_588, %get3A_589, %get3A_590] {strides = array<i32>} : memref<3x128x128xf32, #tpu.memory_space<vmem>>, vector<16xf32>,
      %get3A_592 = arith.constant 0 : i32
      %get3A_593 = arith.index_cast %get3A_592 : i32 to index
      %get3A_594 = arith.index_cast %scan3A_586 : i32 to index
      %get3A_595 = arith.constant 0 : index
      %get3A_596 = tpu.vector_load %arg10[%get3A_593, %get3A_594, %get3A_595] {strides = array<i32>} : memref<3x128x128xf32, #tpu.memory_space<vmem>>, vector<16xf32>,
      %add3A_597 = arith.addf %get3A_591, %get3A_596 : vector<16xf32>
      %swap3A_598 = arith.constant 0 : i32
      %swap3A_599 = arith.index_cast %swap3A_598 : i32 to index
      %swap3A_600 = arith.index_cast %scan3A_586 : i32 to index
      %swap3A_601 = arith.constant 0 : index
      %swap3A_602 = tpu.vector_load %arg9[%swap3A_599, %swap3A_600, %swap3A_601] {strides = array<i32>} : memref<3x128x128xf32, #tpu.memory_space<vmem>>, vector<16xf32>,
      tpu.vector_store %arg9[%swap3A_599, %swap3A_600, %swap3A_601], %add3A_597 {strides = array<i32>} : memref<3x128x128xf32, #tpu.memory_space<vmem>>, vector<16xf32>,
      %get3A_603 = arith.constant 0 : i32
      %get3A_604 = arith.index_cast %get3A_603 : i32 to index
      %get3A_605 = arith.index_cast %scan3A_586 : i32 to index
      %get3A_606 = arith.constant 16 : index
      %get3A_607 = tpu.vector_load %arg9[%get3A_604, %get3A_605, %get3A_606] {strides = array<i32>} : memref<3x128x128xf32, #tpu.memory_space<vmem>>, vector<16xf32>,
      %get3A_608 = arith.constant 0 : i32
      %get3A_609 = arith.index_cast %get3A_608 : i32 to index
      %get3A_610 = arith.index_cast %scan3A_586 : i32 to index
      %get3A_611 = arith.constant 16 : index
      %get3A_612 = tpu.vector_load %arg10[%get3A_609, %get3A_610, %get3A_611] {strides = array<i32>} : memref<3x128x128xf32, #tpu.memory_space<vmem>>, vector<16xf32>,
      %add3A_613 = arith.addf %get3A_607, %get3A_612 : vector<16xf32>
      %swap3A_614 = arith.constant 0 : i32
      %swap3A_615 = arith.index_cast %swap3A_614 : i32 to index
      %swap3A_616 = arith.index_cast %scan3A_586 : i32 to index
      %swap3A_617 = arith.constant 16 : index
      %swap3A_618 = tpu.vector_load %arg9[%swap3A_615, %swap3A_616, %swap3A_617] {strides = array<i32>} : memref<3x128x128xf32, #tpu.memory_space<vmem>>, vector<16xf32>,
      tpu.vector_store %arg9[%swap3A_615, %swap3A_616, %swap3A_617], %add3A_613 {strides = array<i32>} : memref<3x128x128xf32, #tpu.memory_space<vmem>>, vector<16xf32>,
      %get3A_619 = arith.constant 0 : i32
      %get3A_620 = arith.index_cast %get3A_619 : i32 to index
      %get3A_621 = arith.index_cast %scan3A_586 : i32 to index
      %get3A_622 = arith.constant 32 : index
      %get3A_623 = tpu.vector_load %arg9[%get3A_620, %get3A_621, %get3A_622] {strides = array<i32>} : memref<3x128x128xf32, #tpu.memory_space<vmem>>, vector<16xf32>,
      %get3A_624 = arith.constant 0 : i32
      %get3A_625 = arith.index_cast %get3A_624 : i32 to index
      %get3A_626 = arith.index_cast %scan3A_586 : i32 to index
      %get3A_627 = arith.constant 32 : index
      %get3A_628 = tpu.vector_load %arg10[%get3A_625, %get3A_626, %get3A_627] {strides = array<i32>} : memref<3x128x128xf32, #tpu.memory_space<vmem>>, vector<16xf32>,
      %add3A_629 = arith.addf %get3A_623, %get3A_628 : vector<16xf32>
      %swap3A_630 = arith.constant 0 : i32
      %swap3A_631 = arith.index_cast %swap3A_630 : i32 to index
      %swap3A_632 = arith.index_cast %scan3A_586 : i32 to index
      %swap3A_633 = arith.constant 32 : index
      %swap3A_634 = tpu.vector_load %arg9[%swap3A_631, %swap3A_632, %swap3A_633] {strides = array<i32>} : memref<3x128x128xf32, #tpu.memory_space<vmem>>, vector<16xf32>,
      tpu.vector_store %arg9[%swap3A_631, %swap3A_632, %swap3A_633], %add3A_629 {strides = array<i32>} : memref<3x128x128xf32, #tpu.memory_space<vmem>>, vector<16xf32>,
      %get3A_635 = arith.constant 0 : i32
      %get3A_636 = arith.index_cast %get3A_635 : i32 to index
      %get3A_637 = arith.index_cast %scan3A_586 : i32 to index
      %get3A_638 = arith.constant 48 : index
      %get3A_639 = tpu.vector_load %arg9[%get3A_636, %get3A_637, %get3A_638] {strides = array<i32>} : memref<3x128x128xf32, #tpu.memory_space<vmem>>, vector<16xf32>,
      %get3A_640 = arith.constant 0 : i32
      %get3A_641 = arith.index_cast %get3A_640 : i32 to index
      %get3A_642 = arith.index_cast %scan3A_586 : i32 to index
      %get3A_643 = arith.constant 48 : index
      %get3A_644 = tpu.vector_load %arg10[%get3A_641, %get3A_642, %get3A_643] {strides = array<i32>} : memref<3x128x128xf32, #tpu.memory_space<vmem>>, vector<16xf32>,
      %add3A_645 = arith.addf %get3A_639, %get3A_644 : vector<16xf32>
      %swap3A_646 = arith.constant 0 : i32
      %swap3A_647 = arith.index_cast %swap3A_646 : i32 to index
      %swap3A_648 = arith.index_cast %scan3A_586 : i32 to index
      %swap3A_649 = arith.constant 48 : index
      %swap3A_650 = tpu.vector_load %arg9[%swap3A_647, %swap3A_648, %swap3A_649] {strides = array<i32>} : memref<3x128x128xf32, #tpu.memory_space<vmem>>, vector<16xf32>,
      tpu.vector_store %arg9[%swap3A_647, %swap3A_648, %swap3A_649], %add3A_645 {strides = array<i32>} : memref<3x128x128xf32, #tpu.memory_space<vmem>>, vector<16xf32>,
      %get3A_651 = arith.constant 0 : i32
      %get3A_652 = arith.index_cast %get3A_651 : i32 to index
      %get3A_653 = arith.index_cast %scan3A_586 : i32 to index
      %get3A_654 = arith.constant 64 : index
      %get3A_655 = tpu.vector_load %arg9[%get3A_652, %get3A_653, %get3A_654] {strides = array<i32>} : memref<3x128x128xf32, #tpu.memory_space<vmem>>, vector<16xf32>,
      %get3A_656 = arith.constant 0 : i32
      %get3A_657 = arith.index_cast %get3A_656 : i32 to index
      %get3A_658 = arith.index_cast %scan3A_586 : i32 to index
      %get3A_659 = arith.constant 64 : index
      %get3A_660 = tpu.vector_load %arg10[%get3A_657, %get3A_658, %get3A_659] {strides = array<i32>} : memref<3x128x128xf32, #tpu.memory_space<vmem>>, vector<16xf32>,
      %add3A_661 = arith.addf %get3A_655, %get3A_660 : vector<16xf32>
      %swap3A_662 = arith.constant 0 : i32
      %swap3A_663 = arith.index_cast %swap3A_662 : i32 to index
      %swap3A_664 = arith.index_cast %scan3A_586 : i32 to index
      %swap3A_665 = arith.constant 64 : index
      %swap3A_666 = tpu.vector_load %arg9[%swap3A_663, %swap3A_664, %swap3A_665] {strides = array<i32>} : memref<3x128x128xf32, #tpu.memory_space<vmem>>, vector<16xf32>,
      tpu.vector_store %arg9[%swap3A_663, %swap3A_664, %swap3A_665], %add3A_661 {strides = array<i32>} : memref<3x128x128xf32, #tpu.memory_space<vmem>>, vector<16xf32>,
      %get3A_667 = arith.constant 0 : i32
      %get3A_668 = arith.index_cast %get3A_667 : i32 to index
      %get3A_669 = arith.index_cast %scan3A_586 : i32 to index
      %get3A_670 = arith.constant 80 : index
      %get3A_671 = tpu.vector_load %arg9[%get3A_668, %get3A_669, %get3A_670] {strides = array<i32>} : memref<3x128x128xf32, #tpu.memory_space<vmem>>, vector<16xf32>,
      %get3A_672 = arith.constant 0 : i32
      %get3A_673 = arith.index_cast %get3A_672 : i32 to index
      %get3A_674 = arith.index_cast %scan3A_586 : i32 to index
      %get3A_675 = arith.constant 80 : index
      %get3A_676 = tpu.vector_load %arg10[%get3A_673, %get3A_674, %get3A_675] {strides = array<i32>} : memref<3x128x128xf32, #tpu.memory_space<vmem>>, vector<16xf32>,
      %add3A_677 = arith.addf %get3A_671, %get3A_676 : vector<16xf32>
      %swap3A_678 = arith.constant 0 : i32
      %swap3A_679 = arith.index_cast %swap3A_678 : i32 to index
      %swap3A_680 = arith.index_cast %scan3A_586 : i32 to index
      %swap3A_681 = arith.constant 80 : index
      %swap3A_682 = tpu.vector_load %arg9[%swap3A_679, %swap3A_680, %swap3A_681] {strides = array<i32>} : memref<3x128x128xf32, #tpu.memory_space<vmem>>, vector<16xf32>,
      tpu.vector_store %arg9[%swap3A_679, %swap3A_680, %swap3A_681], %add3A_677 {strides = array<i32>} : memref<3x128x128xf32, #tpu.memory_space<vmem>>, vector<16xf32>,
      %get3A_683 = arith.constant 0 : i32
      %get3A_684 = arith.index_cast %get3A_683 : i32 to index
      %get3A_685 = arith.index_cast %scan3A_586 : i32 to index
      %get3A_686 = arith.constant 96 : index
      %get3A_687 = tpu.vector_load %arg9[%get3A_684, %get3A_685, %get3A_686] {strides = array<i32>} : memref<3x128x128xf32, #tpu.memory_space<vmem>>, vector<16xf32>,
      %get3A_688 = arith.constant 0 : i32
      %get3A_689 = arith.index_cast %get3A_688 : i32 to index
      %get3A_690 = arith.index_cast %scan3A_586 : i32 to index
      %get3A_691 = arith.constant 96 : index
      %get3A_692 = tpu.vector_load %arg10[%get3A_689, %get3A_690, %get3A_691] {strides = array<i32>} : memref<3x128x128xf32, #tpu.memory_space<vmem>>, vector<16xf32>,
      %add3A_693 = arith.addf %get3A_687, %get3A_692 : vector<16xf32>
      %swap3A_694 = arith.constant 0 : i32
      %swap3A_695 = arith.index_cast %swap3A_694 : i32 to index
      %swap3A_696 = arith.index_cast %scan3A_586 : i32 to index
      %swap3A_697 = arith.constant 96 : index
      %swap3A_698 = tpu.vector_load %arg9[%swap3A_695, %swap3A_696, %swap3A_697] {strides = array<i32>} : memref<3x128x128xf32, #tpu.memory_space<vmem>>, vector<16xf32>,
      tpu.vector_store %arg9[%swap3A_695, %swap3A_696, %swap3A_697], %add3A_693 {strides = array<i32>} : memref<3x128x128xf32, #tpu.memory_space<vmem>>, vector<16xf32>,
      %get3A_699 = arith.constant 0 : i32
      %get3A_700 = arith.index_cast %get3A_699 : i32 to index
      %get3A_701 = arith.index_cast %scan3A_586 : i32 to index
      %get3A_702 = arith.constant 112 : index
      %get3A_703 = tpu.vector_load %arg9[%get3A_700, %get3A_701, %get3A_702] {strides = array<i32>} : memref<3x128x128xf32, #tpu.memory_space<vmem>>, vector<16xf32>,
      %get3A_704 = arith.constant 0 : i32
      %get3A_705 = arith.index_cast %get3A_704 : i32 to index
      %get3A_706 = arith.index_cast %scan3A_586 : i32 to index
      %get3A_707 = arith.constant 112 : index
      %get3A_708 = tpu.vector_load %arg10[%get3A_705, %get3A_706, %get3A_707] {strides = array<i32>} : memref<3x128x128xf32, #tpu.memory_space<vmem>>, vector<16xf32>,
      %add3A_709 = arith.addf %get3A_703, %get3A_708 : vector<16xf32>
      %swap3A_710 = arith.constant 0 : i32
      %swap3A_711 = arith.index_cast %swap3A_710 : i32 to index
      %swap3A_712 = arith.index_cast %scan3A_586 : i32 to index
      %swap3A_713 = arith.constant 112 : index
      %swap3A_714 = tpu.vector_load %arg9[%swap3A_711, %swap3A_712, %swap3A_713] {strides = array<i32>} : memref<3x128x128xf32, #tpu.memory_space<vmem>>, vector<16xf32>,
      tpu.vector_store %arg9[%swap3A_711, %swap3A_712, %swap3A_713], %add3A_709 {strides = array<i32>} : memref<3x128x128xf32, #tpu.memory_space<vmem>>, vector<16xf32>,
      %scan3A_715 = arith.constant 3 : i32
      %scan3A_716 = arith.addi %scan3A_328, %scan3A_715 : i32
      %get3A_717 = arith.constant 0 : i32
      %get3A_718 = arith.index_cast %get3A_717 : i32 to index
      %get3A_719 = arith.index_cast %scan3A_716 : i32 to index
      %get3A_720 = arith.constant 0 : index
      %get3A_721 = tpu.vector_load %arg9[%get3A_718, %get3A_719, %get3A_720] {strides = array<i32>} : memref<3x128x128xf32, #tpu.memory_space<vmem>>, vector<16xf32>,
      %get3A_722 = arith.constant 0 : i32
      %get3A_723 = arith.index_cast %get3A_722 : i32 to index
      %get3A_724 = arith.index_cast %scan3A_716 : i32 to index
      %get3A_725 = arith.constant 0 : index
      %get3A_726 = tpu.vector_load %arg10[%get3A_723, %get3A_724, %get3A_725] {strides = array<i32>} : memref<3x128x128xf32, #tpu.memory_space<vmem>>, vector<16xf32>,
      %add3A_727 = arith.addf %get3A_721, %get3A_726 : vector<16xf32>
      %swap3A_728 = arith.constant 0 : i32
      %swap3A_729 = arith.index_cast %swap3A_728 : i32 to index
      %swap3A_730 = arith.index_cast %scan3A_716 : i32 to index
      %swap3A_731 = arith.constant 0 : index
      %swap3A_732 = tpu.vector_load %arg9[%swap3A_729, %swap3A_730, %swap3A_731] {strides = array<i32>} : memref<3x128x128xf32, #tpu.memory_space<vmem>>, vector<16xf32>,
      tpu.vector_store %arg9[%swap3A_729, %swap3A_730, %swap3A_731], %add3A_727 {strides = array<i32>} : memref<3x128x128xf32, #tpu.memory_space<vmem>>, vector<16xf32>,
      %get3A_733 = arith.constant 0 : i32
      %get3A_734 = arith.index_cast %get3A_733 : i32 to index
      %get3A_735 = arith.index_cast %scan3A_716 : i32 to index
      %get3A_736 = arith.constant 16 : index
      %get3A_737 = tpu.vector_load %arg9[%get3A_734, %get3A_735, %get3A_736] {strides = array<i32>} : memref<3x128x128xf32, #tpu.memory_space<vmem>>, vector<16xf32>,
      %get3A_738 = arith.constant 0 : i32
      %get3A_739 = arith.index_cast %get3A_738 : i32 to index
      %get3A_740 = arith.index_cast %scan3A_716 : i32 to index
      %get3A_741 = arith.constant 16 : index
      %get3A_742 = tpu.vector_load %arg10[%get3A_739, %get3A_740, %get3A_741] {strides = array<i32>} : memref<3x128x128xf32, #tpu.memory_space<vmem>>, vector<16xf32>,
      %add3A_743 = arith.addf %get3A_737, %get3A_742 : vector<16xf32>
      %swap3A_744 = arith.constant 0 : i32
      %swap3A_745 = arith.index_cast %swap3A_744 : i32 to index
      %swap3A_746 = arith.index_cast %scan3A_716 : i32 to index
      %swap3A_747 = arith.constant 16 : index
      %swap3A_748 = tpu.vector_load %arg9[%swap3A_745, %swap3A_746, %swap3A_747] {strides = array<i32>} : memref<3x128x128xf32, #tpu.memory_space<vmem>>, vector<16xf32>,
      tpu.vector_store %arg9[%swap3A_745, %swap3A_746, %swap3A_747], %add3A_743 {strides = array<i32>} : memref<3x128x128xf32, #tpu.memory_space<vmem>>, vector<16xf32>,
      %get3A_749 = arith.constant 0 : i32
      %get3A_750 = arith.index_cast %get3A_749 : i32 to index
      %get3A_751 = arith.index_cast %scan3A_716 : i32 to index
      %get3A_752 = arith.constant 32 : index
      %get3A_753 = tpu.vector_load %arg9[%get3A_750, %get3A_751, %get3A_752] {strides = array<i32>} : memref<3x128x128xf32, #tpu.memory_space<vmem>>, vector<16xf32>,
      %get3A_754 = arith.constant 0 : i32
      %get3A_755 = arith.index_cast %get3A_754 : i32 to index
      %get3A_756 = arith.index_cast %scan3A_716 : i32 to index
      %get3A_757 = arith.constant 32 : index
      %get3A_758 = tpu.vector_load %arg10[%get3A_755, %get3A_756, %get3A_757] {strides = array<i32>} : memref<3x128x128xf32, #tpu.memory_space<vmem>>, vector<16xf32>,
      %add3A_759 = arith.addf %get3A_753, %get3A_758 : vector<16xf32>
      %swap3A_760 = arith.constant 0 : i32
      %swap3A_761 = arith.index_cast %swap3A_760 : i32 to index
      %swap3A_762 = arith.index_cast %scan3A_716 : i32 to index
      %swap3A_763 = arith.constant 32 : index
      %swap3A_764 = tpu.vector_load %arg9[%swap3A_761, %swap3A_762, %swap3A_763] {strides = array<i32>} : memref<3x128x128xf32, #tpu.memory_space<vmem>>, vector<16xf32>,
      tpu.vector_store %arg9[%swap3A_761, %swap3A_762, %swap3A_763], %add3A_759 {strides = array<i32>} : memref<3x128x128xf32, #tpu.memory_space<vmem>>, vector<16xf32>,
      %get3A_765 = arith.constant 0 : i32
      %get3A_766 = arith.index_cast %get3A_765 : i32 to index
      %get3A_767 = arith.index_cast %scan3A_716 : i32 to index
      %get3A_768 = arith.constant 48 : index
      %get3A_769 = tpu.vector_load %arg9[%get3A_766, %get3A_767, %get3A_768] {strides = array<i32>} : memref<3x128x128xf32, #tpu.memory_space<vmem>>, vector<16xf32>,
      %get3A_770 = arith.constant 0 : i32
      %get3A_771 = arith.index_cast %get3A_770 : i32 to index
      %get3A_772 = arith.index_cast %scan3A_716 : i32 to index
      %get3A_773 = arith.constant 48 : index
      %get3A_774 = tpu.vector_load %arg10[%get3A_771, %get3A_772, %get3A_773] {strides = array<i32>} : memref<3x128x128xf32, #tpu.memory_space<vmem>>, vector<16xf32>,
      %add3A_775 = arith.addf %get3A_769, %get3A_774 : vector<16xf32>
      %swap3A_776 = arith.constant 0 : i32
      %swap3A_777 = arith.index_cast %swap3A_776 : i32 to index
      %swap3A_778 = arith.index_cast %scan3A_716 : i32 to index
      %swap3A_779 = arith.constant 48 : index
      %swap3A_780 = tpu.vector_load %arg9[%swap3A_777, %swap3A_778, %swap3A_779] {strides = array<i32>} : memref<3x128x128xf32, #tpu.memory_space<vmem>>, vector<16xf32>,
      tpu.vector_store %arg9[%swap3A_777, %swap3A_778, %swap3A_779], %add3A_775 {strides = array<i32>} : memref<3x128x128xf32, #tpu.memory_space<vmem>>, vector<16xf32>,
      %get3A_781 = arith.constant 0 : i32
      %get3A_782 = arith.index_cast %get3A_781 : i32 to index
      %get3A_783 = arith.index_cast %scan3A_716 : i32 to index
      %get3A_784 = arith.constant 64 : index
      %get3A_785 = tpu.vector_load %arg9[%get3A_782, %get3A_783, %get3A_784] {strides = array<i32>} : memref<3x128x128xf32, #tpu.memory_space<vmem>>, vector<16xf32>,
      %get3A_786 = arith.constant 0 : i32
      %get3A_787 = arith.index_cast %get3A_786 : i32 to index
      %get3A_788 = arith.index_cast %scan3A_716 : i32 to index
      %get3A_789 = arith.constant 64 : index
      %get3A_790 = tpu.vector_load %arg10[%get3A_787, %get3A_788, %get3A_789] {strides = array<i32>} : memref<3x128x128xf32, #tpu.memory_space<vmem>>, vector<16xf32>,
      %add3A_791 = arith.addf %get3A_785, %get3A_790 : vector<16xf32>
      %swap3A_792 = arith.constant 0 : i32
      %swap3A_793 = arith.index_cast %swap3A_792 : i32 to index
      %swap3A_794 = arith.index_cast %scan3A_716 : i32 to index
      %swap3A_795 = arith.constant 64 : index
      %swap3A_796 = tpu.vector_load %arg9[%swap3A_793, %swap3A_794, %swap3A_795] {strides = array<i32>} : memref<3x128x128xf32, #tpu.memory_space<vmem>>, vector<16xf32>,
      tpu.vector_store %arg9[%swap3A_793, %swap3A_794, %swap3A_795], %add3A_791 {strides = array<i32>} : memref<3x128x128xf32, #tpu.memory_space<vmem>>, vector<16xf32>,
      %get3A_797 = arith.constant 0 : i32
      %get3A_798 = arith.index_cast %get3A_797 : i32 to index
      %get3A_799 = arith.index_cast %scan3A_716 : i32 to index
      %get3A_800 = arith.constant 80 : index
      %get3A_801 = tpu.vector_load %arg9[%get3A_798, %get3A_799, %get3A_800] {strides = array<i32>} : memref<3x128x128xf32, #tpu.memory_space<vmem>>, vector<16xf32>,
      %get3A_802 = arith.constant 0 : i32
      %get3A_803 = arith.index_cast %get3A_802 : i32 to index
      %get3A_804 = arith.index_cast %scan3A_716 : i32 to index
      %get3A_805 = arith.constant 80 : index
      %get3A_806 = tpu.vector_load %arg10[%get3A_803, %get3A_804, %get3A_805] {strides = array<i32>} : memref<3x128x128xf32, #tpu.memory_space<vmem>>, vector<16xf32>,
      %add3A_807 = arith.addf %get3A_801, %get3A_806 : vector<16xf32>
      %swap3A_808 = arith.constant 0 : i32
      %swap3A_809 = arith.index_cast %swap3A_808 : i32 to index
      %swap3A_810 = arith.index_cast %scan3A_716 : i32 to index
      %swap3A_811 = arith.constant 80 : index
      %swap3A_812 = tpu.vector_load %arg9[%swap3A_809, %swap3A_810, %swap3A_811] {strides = array<i32>} : memref<3x128x128xf32, #tpu.memory_space<vmem>>, vector<16xf32>,
      tpu.vector_store %arg9[%swap3A_809, %swap3A_810, %swap3A_811], %add3A_807 {strides = array<i32>} : memref<3x128x128xf32, #tpu.memory_space<vmem>>, vector<16xf32>,
      %get3A_813 = arith.constant 0 : i32
      %get3A_814 = arith.index_cast %get3A_813 : i32 to index
      %get3A_815 = arith.index_cast %scan3A_716 : i32 to index
      %get3A_816 = arith.constant 96 : index
      %get3A_817 = tpu.vector_load %arg9[%get3A_814, %get3A_815, %get3A_816] {strides = array<i32>} : memref<3x128x128xf32, #tpu.memory_space<vmem>>, vector<16xf32>,
      %get3A_818 = arith.constant 0 : i32
      %get3A_819 = arith.index_cast %get3A_818 : i32 to index
      %get3A_820 = arith.index_cast %scan3A_716 : i32 to index
      %get3A_821 = arith.constant 96 : index
      %get3A_822 = tpu.vector_load %arg10[%get3A_819, %get3A_820, %get3A_821] {strides = array<i32>} : memref<3x128x128xf32, #tpu.memory_space<vmem>>, vector<16xf32>,
      %add3A_823 = arith.addf %get3A_817, %get3A_822 : vector<16xf32>
      %swap3A_824 = arith.constant 0 : i32
      %swap3A_825 = arith.index_cast %swap3A_824 : i32 to index
      %swap3A_826 = arith.index_cast %scan3A_716 : i32 to index
      %swap3A_827 = arith.constant 96 : index
      %swap3A_828 = tpu.vector_load %arg9[%swap3A_825, %swap3A_826, %swap3A_827] {strides = array<i32>} : memref<3x128x128xf32, #tpu.memory_space<vmem>>, vector<16xf32>,
      tpu.vector_store %arg9[%swap3A_825, %swap3A_826, %swap3A_827], %add3A_823 {strides = array<i32>} : memref<3x128x128xf32, #tpu.memory_space<vmem>>, vector<16xf32>,
      %get3A_829 = arith.constant 0 : i32
      %get3A_830 = arith.index_cast %get3A_829 : i32 to index
      %get3A_831 = arith.index_cast %scan3A_716 : i32 to index
      %get3A_832 = arith.constant 112 : index
      %get3A_833 = tpu.vector_load %arg9[%get3A_830, %get3A_831, %get3A_832] {strides = array<i32>} : memref<3x128x128xf32, #tpu.memory_space<vmem>>, vector<16xf32>,
      %get3A_834 = arith.constant 0 : i32
      %get3A_835 = arith.index_cast %get3A_834 : i32 to index
      %get3A_836 = arith.index_cast %scan3A_716 : i32 to index
      %get3A_837 = arith.constant 112 : index
      %get3A_838 = tpu.vector_load %arg10[%get3A_835, %get3A_836, %get3A_837] {strides = array<i32>} : memref<3x128x128xf32, #tpu.memory_space<vmem>>, vector<16xf32>,
      %add3A_839 = arith.addf %get3A_833, %get3A_838 : vector<16xf32>
      %swap3A_840 = arith.constant 0 : i32
      %swap3A_841 = arith.index_cast %swap3A_840 : i32 to index
      %swap3A_842 = arith.index_cast %scan3A_716 : i32 to index
      %swap3A_843 = arith.constant 112 : index
      %swap3A_844 = tpu.vector_load %arg9[%swap3A_841, %swap3A_842, %swap3A_843] {strides = array<i32>} : memref<3x128x128xf32, #tpu.memory_space<vmem>>, vector<16xf32>,
      tpu.vector_store %arg9[%swap3A_841, %swap3A_842, %swap3A_843], %add3A_839 {strides = array<i32>} : memref<3x128x128xf32, #tpu.memory_space<vmem>>, vector<16xf32>,
    }
    %scan3A_117 = arith.constant 128 : i32
    %add3A_118 = arith.constant 0 : i32
    %add3A_119 = arith.addi %mul3A_2, %add3A_118 : i32
    %dma_start3A_120 = arith.constant 0 : i32
    %dma_start3A_121 = arith.constant 0 : i32
    %dma_start3A_122 = arith.constant 0 : i32
    %dma_start3A_123 = tpu.memref_slice %arg9[%dma_start3A_120, %dma_start3A_121, %dma_start3A_122] : memref<3x128x128xf32, #tpu.memory_space<vmem>> -> memref<1x128x128xf32, #tpu.memory_space<vmem>>
    %dma_start3A_124 = tpu.memref_squeeze %dma_start3A_123 : memref<1x128x128xf32, #tpu.memory_space<vmem>> -> memref<128x128xf32, #tpu.memory_space<vmem>>
    %dma_start3A_125 = arith.constant 0 : i32
    %dma_start3A_126 = tpu.memref_slice %arg6[%add3A_119, %dma_start3A_125] : memref<16384x128xf32, #tpu.memory_space<hbm>> -> memref<128x128xf32, #tpu.memory_space<hbm>>
    %dma_start3A_127 = arith.constant 0 : i32
    %dma_start3A_128 = tpu.memref_slice %arg6[%add3A_119, %dma_start3A_127] : memref<16384x128xf32, #tpu.memory_space<hbm>> -> memref<128x128xf32, #tpu.memory_space<hbm>>
    %dma_start3A_129 = arith.constant 0 : i32
    %dma_start3A_130 = arith.constant 0 : i32
    %dma_start3A_131 = tpu.memref_slice %arg9[%dma_start3A_120, %dma_start3A_129, %dma_start3A_130] : memref<3x128x128xf32, #tpu.memory_space<vmem>> -> memref<1x128x128xf32, #tpu.memory_space<vmem>>
    %dma_start3A_132 = tpu.memref_squeeze %dma_start3A_131 : memref<1x128x128xf32, #tpu.memory_space<vmem>> -> memref<128x128xf32, #tpu.memory_space<vmem>>
    tpu.enqueue_dma source(%dma_start3A_132 : memref<128x128xf32, #tpu.memory_space<vmem>>) target(%dma_start3A_128 : memref<128x128xf32, #tpu.memory_space<hbm>>) target_semaphore(%arg13 : memref<!tpu.dma_semaphore, #tpu.memory_space<semaphore_mem>>)
    %dma_wait3A_133 = arith.constant 1 : i32
    %dma_wait3A_134 = arith.constant 0 : i32
    %dma_wait3A_135 = arith.constant 0 : i32
    %dma_wait3A_136 = tpu.memref_slice %arg9[%dma_wait3A_133, %dma_wait3A_134, %dma_wait3A_135] : memref<3x128x128xf32, #tpu.memory_space<vmem>> -> memref<1x128x128xf32, #tpu.memory_space<vmem>>
    %dma_wait3A_137 = tpu.memref_squeeze %dma_wait3A_136 : memref<1x128x128xf32, #tpu.memory_space<vmem>> -> memref<128x128xf32, #tpu.memory_space<vmem>>
    %dma_wait3A_138 = arith.constant 128 : i32
    %dma_wait3A_139 = tpu.memref_slice %arg7[%dma_wait3A_138] : memref<512xi32, #tpu.memory_space<vmem>> -> memref<128xi32, #tpu.memory_space<vmem>>
    %dma_wait3A_140 = arith.constant 0 : i32
    %dma_wait3A_141 = arith.constant 0 : i32
    %dma_wait3A_142 = tpu.memref_slice %arg4[%dma_wait3A_140, %dma_wait3A_141] : memref<100000x128xf32, #tpu.memory_space<hbm>> -> memref<100000x128xf32, #tpu.memory_space<hbm>>
    tpu.wait_indirect_dma semaphore(%arg11 : memref<!tpu.dma_semaphore, #tpu.memory_space<semaphore_mem>>) src(%dma_wait3A_142 : memref<100000x128xf32, #tpu.memory_space<hbm>>) dst(%dma_wait3A_137 : memref<128x128xf32, #tpu.memory_space<vmem>>)
    %dma_wait3A_143 = arith.constant 1 : i32
    %dma_wait3A_144 = arith.constant 0 : i32
    %dma_wait3A_145 = arith.constant 0 : i32
    %dma_wait3A_146 = tpu.memref_slice %arg10[%dma_wait3A_143, %dma_wait3A_144, %dma_wait3A_145] : memref<3x128x128xf32, #tpu.memory_space<vmem>> -> memref<1x128x128xf32, #tpu.memory_space<vmem>>
    %dma_wait3A_147 = tpu.memref_squeeze %dma_wait3A_146 : memref<1x128x128xf32, #tpu.memory_space<vmem>> -> memref<128x128xf32, #tpu.memory_space<vmem>>
    %dma_wait3A_148 = arith.constant 128 : i32
    %dma_wait3A_149 = tpu.memref_slice %arg8[%dma_wait3A_148] : memref<512xi32, #tpu.memory_space<vmem>> -> memref<128xi32, #tpu.memory_space<vmem>>
    %dma_wait3A_150 = arith.constant 0 : i32
    %dma_wait3A_151 = arith.constant 0 : i32
    %dma_wait3A_152 = tpu.memref_slice %arg5[%dma_wait3A_150, %dma_wait3A_151] : memref<4096x128xf32, #tpu.memory_space<hbm>> -> memref<4096x128xf32, #tpu.memory_space<hbm>>
    tpu.wait_indirect_dma semaphore(%arg12 : memref<!tpu.dma_semaphore, #tpu.memory_space<semaphore_mem>>) src(%dma_wait3A_152 : memref<4096x128xf32, #tpu.memory_space<hbm>>) dst(%dma_wait3A_147 : memref<128x128xf32, #tpu.memory_space<vmem>>)
    %dma_wait3A_153 = arith.constant 0 : i32
    %dma_wait3A_154 = arith.constant 0 : i32
    %dma_wait3A_155 = arith.constant 0 : i32
    %dma_wait3A_156 = tpu.memref_slice %arg9[%dma_wait3A_153, %dma_wait3A_154, %dma_wait3A_155] : memref<3x128x128xf32, #tpu.memory_space<vmem>> -> memref<1x128x128xf32, #tpu.memory_space<vmem>>
    %dma_wait3A_157 = tpu.memref_squeeze %dma_wait3A_156 : memref<1x128x128xf32, #tpu.memory_space<vmem>> -> memref<128x128xf32, #tpu.memory_space<vmem>>
    %dma_wait3A_158 = arith.constant 0 : i32
    %dma_wait3A_159 = tpu.memref_slice %arg6[%add3A_119, %dma_wait3A_158] : memref<16384x128xf32, #tpu.memory_space<hbm>> -> memref<128x128xf32, #tpu.memory_space<hbm>>
    %dma_wait3A_160 = arith.constant 0 : i32
    %dma_wait3A_161 = tpu.memref_slice %arg6[%add3A_119, %dma_wait3A_160] : memref<16384x128xf32, #tpu.memory_space<hbm>> -> memref<128x128xf32, #tpu.memory_space<hbm>>
    %dma_wait3A_162 = arith.constant 0 : i32
    %dma_wait3A_163 = arith.constant 0 : i32
    %dma_wait3A_164 = tpu.memref_slice %arg9[%dma_wait3A_153, %dma_wait3A_162, %dma_wait3A_163] : memref<3x128x128xf32, #tpu.memory_space<vmem>> -> memref<1x128x128xf32, #tpu.memory_space<vmem>>
    %dma_wait3A_165 = tpu.memref_squeeze %dma_wait3A_164 : memref<1x128x128xf32, #tpu.memory_space<vmem>> -> memref<128x128xf32, #tpu.memory_space<vmem>>
    tpu.wait_dma2 semaphore(%arg13 : memref<!tpu.dma_semaphore, #tpu.memory_space<semaphore_mem>>) src(%dma_wait3A_165 : memref<128x128xf32, #tpu.memory_space<vmem>>) dst(%dma_wait3A_161 : memref<128x128xf32, #tpu.memory_space<hbm>>)
    %dma_start3A_166 = arith.constant 0 : i32
    %dma_start3A_167 = arith.constant 0 : i32
    %dma_start3A_168 = arith.constant 0 : i32
    %dma_start3A_169 = tpu.memref_slice %arg9[%dma_start3A_166, %dma_start3A_167, %dma_start3A_168] : memref<3x128x128xf32, #tpu.memory_space<vmem>> -> memref<1x128x128xf32, #tpu.memory_space<vmem>>
    %dma_start3A_170 = tpu.memref_squeeze %dma_start3A_169 : memref<1x128x128xf32, #tpu.memory_space<vmem>> -> memref<128x128xf32, #tpu.memory_space<vmem>>
    %dma_start3A_171 = arith.constant 384 : i32
    %dma_start3A_172 = tpu.memref_slice %arg7[%dma_start3A_171] : memref<512xi32, #tpu.memory_space<vmem>> -> memref<128xi32, #tpu.memory_space<vmem>>
    %dma_start3A_173 = arith.constant 0 : i32
    %dma_start3A_174 = arith.constant 0 : i32
    %dma_start3A_175 = tpu.memref_slice %arg4[%dma_start3A_173, %dma_start3A_174] : memref<100000x128xf32, #tpu.memory_space<hbm>> -> memref<100000x128xf32, #tpu.memory_space<hbm>>
    tpu.enqueue_indirect_dma source(%dma_start3A_175 : memref<100000x128xf32, #tpu.memory_space<hbm>>) target(%dma_start3A_170 : memref<128x128xf32, #tpu.memory_space<vmem>>) offsets(%dma_start3A_172 : memref<128xi32, #tpu.memory_space<vmem>>) semaphore(%arg11 : memref<!tpu.dma_semaphore, #tpu.memory_space<semaphore_mem>>)
    %dma_start3A_176 = arith.constant 0 : i32
    %dma_start3A_177 = arith.constant 0 : i32
    %dma_start3A_178 = arith.constant 0 : i32
    %dma_start3A_179 = tpu.memref_slice %arg10[%dma_start3A_176, %dma_start3A_177, %dma_start3A_178] : memref<3x128x128xf32, #tpu.memory_space<vmem>> -> memref<1x128x128xf32, #tpu.memory_space<vmem>>
    %dma_start3A_180 = tpu.memref_squeeze %dma_start3A_179 : memref<1x128x128xf32, #tpu.memory_space<vmem>> -> memref<128x128xf32, #tpu.memory_space<vmem>>
    %dma_start3A_181 = arith.constant 384 : i32
    %dma_start3A_182 = tpu.memref_slice %arg8[%dma_start3A_181] : memref<512xi32, #tpu.memory_space<vmem>> -> memref<128xi32, #tpu.memory_space<vmem>>
    %dma_start3A_183 = arith.constant 0 : i32
    %dma_start3A_184 = arith.constant 0 : i32
    %dma_start3A_185 = tpu.memref_slice %arg5[%dma_start3A_183, %dma_start3A_184] : memref<4096x128xf32, #tpu.memory_space<hbm>> -> memref<4096x128xf32, #tpu.memory_space<hbm>>
    tpu.enqueue_indirect_dma source(%dma_start3A_185 : memref<4096x128xf32, #tpu.memory_space<hbm>>) target(%dma_start3A_180 : memref<128x128xf32, #tpu.memory_space<vmem>>) offsets(%dma_start3A_182 : memref<128xi32, #tpu.memory_space<vmem>>) semaphore(%arg12 : memref<!tpu.dma_semaphore, #tpu.memory_space<semaphore_mem>>)
    %scan3A_186 = arith.constant 0 : i32
    %scan3A_187 = arith.constant 0 : i32
    %scan3A_188 = arith.constant 128 : i32
    %scan3A_189 = arith.addi %scan3A_187, %scan3A_188 : i32
    %scan3A_190 = arith.constant 4 : i32
    scf.for %scan3A_328 = %scan3A_187 to %scan3A_189 step %scan3A_190  : i32 {
      %get3A = arith.constant 1 : i32
      %get3A_329 = arith.index_cast %get3A : i32 to index
      %get3A_330 = arith.index_cast %scan3A_328 : i32 to index
      %get3A_331 = arith.constant 0 : index
      %get3A_332 = tpu.vector_load %arg9[%get3A_329, %get3A_330, %get3A_331] {strides = array<i32>} : memref<3x128x128xf32, #tpu.memory_space<vmem>>, vector<16xf32>,
      %get3A_333 = arith.constant 1 : i32
      %get3A_334 = arith.index_cast %get3A_333 : i32 to index
      %get3A_335 = arith.index_cast %scan3A_328 : i32 to index
      %get3A_336 = arith.constant 0 : index
      %get3A_337 = tpu.vector_load %arg10[%get3A_334, %get3A_335, %get3A_336] {strides = array<i32>} : memref<3x128x128xf32, #tpu.memory_space<vmem>>, vector<16xf32>,
      %add3A_338 = arith.addf %get3A_332, %get3A_337 : vector<16xf32>
      %swap3A = arith.constant 1 : i32
      %swap3A_339 = arith.index_cast %swap3A : i32 to index
      %swap3A_340 = arith.index_cast %scan3A_328 : i32 to index
      %swap3A_341 = arith.constant 0 : index
      %swap3A_342 = tpu.vector_load %arg9[%swap3A_339, %swap3A_340, %swap3A_341] {strides = array<i32>} : memref<3x128x128xf32, #tpu.memory_space<vmem>>, vector<16xf32>,
      tpu.vector_store %arg9[%swap3A_339, %swap3A_340, %swap3A_341], %add3A_338 {strides = array<i32>} : memref<3x128x128xf32, #tpu.memory_space<vmem>>, vector<16xf32>,
      %get3A_343 = arith.constant 1 : i32
      %get3A_344 = arith.index_cast %get3A_343 : i32 to index
      %get3A_345 = arith.index_cast %scan3A_328 : i32 to index
      %get3A_346 = arith.constant 16 : index
      %get3A_347 = tpu.vector_load %arg9[%get3A_344, %get3A_345, %get3A_346] {strides = array<i32>} : memref<3x128x128xf32, #tpu.memory_space<vmem>>, vector<16xf32>,
      %get3A_348 = arith.constant 1 : i32
      %get3A_349 = arith.index_cast %get3A_348 : i32 to index
      %get3A_350 = arith.index_cast %scan3A_328 : i32 to index
      %get3A_351 = arith.constant 16 : index
      %get3A_352 = tpu.vector_load %arg10[%get3A_349, %get3A_350, %get3A_351] {strides = array<i32>} : memref<3x128x128xf32, #tpu.memory_space<vmem>>, vector<16xf32>,
      %add3A_353 = arith.addf %get3A_347, %get3A_352 : vector<16xf32>
      %swap3A_354 = arith.constant 1 : i32
      %swap3A_355 = arith.index_cast %swap3A_354 : i32 to index
      %swap3A_356 = arith.index_cast %scan3A_328 : i32 to index
      %swap3A_357 = arith.constant 16 : index
      %swap3A_358 = tpu.vector_load %arg9[%swap3A_355, %swap3A_356, %swap3A_357] {strides = array<i32>} : memref<3x128x128xf32, #tpu.memory_space<vmem>>, vector<16xf32>,
      tpu.vector_store %arg9[%swap3A_355, %swap3A_356, %swap3A_357], %add3A_353 {strides = array<i32>} : memref<3x128x128xf32, #tpu.memory_space<vmem>>, vector<16xf32>,
      %get3A_359 = arith.constant 1 : i32
      %get3A_360 = arith.index_cast %get3A_359 : i32 to index
      %get3A_361 = arith.index_cast %scan3A_328 : i32 to index
      %get3A_362 = arith.constant 32 : index
      %get3A_363 = tpu.vector_load %arg9[%get3A_360, %get3A_361, %get3A_362] {strides = array<i32>} : memref<3x128x128xf32, #tpu.memory_space<vmem>>, vector<16xf32>,
      %get3A_364 = arith.constant 1 : i32
      %get3A_365 = arith.index_cast %get3A_364 : i32 to index
      %get3A_366 = arith.index_cast %scan3A_328 : i32 to index
      %get3A_367 = arith.constant 32 : index
      %get3A_368 = tpu.vector_load %arg10[%get3A_365, %get3A_366, %get3A_367] {strides = array<i32>} : memref<3x128x128xf32, #tpu.memory_space<vmem>>, vector<16xf32>,
      %add3A_369 = arith.addf %get3A_363, %get3A_368 : vector<16xf32>
      %swap3A_370 = arith.constant 1 : i32
      %swap3A_371 = arith.index_cast %swap3A_370 : i32 to index
      %swap3A_372 = arith.index_cast %scan3A_328 : i32 to index
      %swap3A_373 = arith.constant 32 : index
      %swap3A_374 = tpu.vector_load %arg9[%swap3A_371, %swap3A_372, %swap3A_373] {strides = array<i32>} : memref<3x128x128xf32, #tpu.memory_space<vmem>>, vector<16xf32>,
      tpu.vector_store %arg9[%swap3A_371, %swap3A_372, %swap3A_373], %add3A_369 {strides = array<i32>} : memref<3x128x128xf32, #tpu.memory_space<vmem>>, vector<16xf32>,
      %get3A_375 = arith.constant 1 : i32
      %get3A_376 = arith.index_cast %get3A_375 : i32 to index
      %get3A_377 = arith.index_cast %scan3A_328 : i32 to index
      %get3A_378 = arith.constant 48 : index
      %get3A_379 = tpu.vector_load %arg9[%get3A_376, %get3A_377, %get3A_378] {strides = array<i32>} : memref<3x128x128xf32, #tpu.memory_space<vmem>>, vector<16xf32>,
      %get3A_380 = arith.constant 1 : i32
      %get3A_381 = arith.index_cast %get3A_380 : i32 to index
      %get3A_382 = arith.index_cast %scan3A_328 : i32 to index
      %get3A_383 = arith.constant 48 : index
      %get3A_384 = tpu.vector_load %arg10[%get3A_381, %get3A_382, %get3A_383] {strides = array<i32>} : memref<3x128x128xf32, #tpu.memory_space<vmem>>, vector<16xf32>,
      %add3A_385 = arith.addf %get3A_379, %get3A_384 : vector<16xf32>
      %swap3A_386 = arith.constant 1 : i32
      %swap3A_387 = arith.index_cast %swap3A_386 : i32 to index
      %swap3A_388 = arith.index_cast %scan3A_328 : i32 to index
      %swap3A_389 = arith.constant 48 : index
      %swap3A_390 = tpu.vector_load %arg9[%swap3A_387, %swap3A_388, %swap3A_389] {strides = array<i32>} : memref<3x128x128xf32, #tpu.memory_space<vmem>>, vector<16xf32>,
      tpu.vector_store %arg9[%swap3A_387, %swap3A_388, %swap3A_389], %add3A_385 {strides = array<i32>} : memref<3x128x128xf32, #tpu.memory_space<vmem>>, vector<16xf32>,
      %get3A_391 = arith.constant 1 : i32
      %get3A_392 = arith.index_cast %get3A_391 : i32 to index
      %get3A_393 = arith.index_cast %scan3A_328 : i32 to index
      %get3A_394 = arith.constant 64 : index
      %get3A_395 = tpu.vector_load %arg9[%get3A_392, %get3A_393, %get3A_394] {strides = array<i32>} : memref<3x128x128xf32, #tpu.memory_space<vmem>>, vector<16xf32>,
      %get3A_396 = arith.constant 1 : i32
      %get3A_397 = arith.index_cast %get3A_396 : i32 to index
      %get3A_398 = arith.index_cast %scan3A_328 : i32 to index
      %get3A_399 = arith.constant 64 : index
      %get3A_400 = tpu.vector_load %arg10[%get3A_397, %get3A_398, %get3A_399] {strides = array<i32>} : memref<3x128x128xf32, #tpu.memory_space<vmem>>, vector<16xf32>,
      %add3A_401 = arith.addf %get3A_395, %get3A_400 : vector<16xf32>
      %swap3A_402 = arith.constant 1 : i32
      %swap3A_403 = arith.index_cast %swap3A_402 : i32 to index
      %swap3A_404 = arith.index_cast %scan3A_328 : i32 to index
      %swap3A_405 = arith.constant 64 : index
      %swap3A_406 = tpu.vector_load %arg9[%swap3A_403, %swap3A_404, %swap3A_405] {strides = array<i32>} : memref<3x128x128xf32, #tpu.memory_space<vmem>>, vector<16xf32>,
      tpu.vector_store %arg9[%swap3A_403, %swap3A_404, %swap3A_405], %add3A_401 {strides = array<i32>} : memref<3x128x128xf32, #tpu.memory_space<vmem>>, vector<16xf32>,
      %get3A_407 = arith.constant 1 : i32
      %get3A_408 = arith.index_cast %get3A_407 : i32 to index
      %get3A_409 = arith.index_cast %scan3A_328 : i32 to index
      %get3A_410 = arith.constant 80 : index
      %get3A_411 = tpu.vector_load %arg9[%get3A_408, %get3A_409, %get3A_410] {strides = array<i32>} : memref<3x128x128xf32, #tpu.memory_space<vmem>>, vector<16xf32>,
      %get3A_412 = arith.constant 1 : i32
      %get3A_413 = arith.index_cast %get3A_412 : i32 to index
      %get3A_414 = arith.index_cast %scan3A_328 : i32 to index
      %get3A_415 = arith.constant 80 : index
      %get3A_416 = tpu.vector_load %arg10[%get3A_413, %get3A_414, %get3A_415] {strides = array<i32>} : memref<3x128x128xf32, #tpu.memory_space<vmem>>, vector<16xf32>,
      %add3A_417 = arith.addf %get3A_411, %get3A_416 : vector<16xf32>
      %swap3A_418 = arith.constant 1 : i32
      %swap3A_419 = arith.index_cast %swap3A_418 : i32 to index
      %swap3A_420 = arith.index_cast %scan3A_328 : i32 to index
      %swap3A_421 = arith.constant 80 : index
      %swap3A_422 = tpu.vector_load %arg9[%swap3A_419, %swap3A_420, %swap3A_421] {strides = array<i32>} : memref<3x128x128xf32, #tpu.memory_space<vmem>>, vector<16xf32>,
      tpu.vector_store %arg9[%swap3A_419, %swap3A_420, %swap3A_421], %add3A_417 {strides = array<i32>} : memref<3x128x128xf32, #tpu.memory_space<vmem>>, vector<16xf32>,
      %get3A_423 = arith.constant 1 : i32
      %get3A_424 = arith.index_cast %get3A_423 : i32 to index
      %get3A_425 = arith.index_cast %scan3A_328 : i32 to index
      %get3A_426 = arith.constant 96 : index
      %get3A_427 = tpu.vector_load %arg9[%get3A_424, %get3A_425, %get3A_426] {strides = array<i32>} : memref<3x128x128xf32, #tpu.memory_space<vmem>>, vector<16xf32>,
      %get3A_428 = arith.constant 1 : i32
      %get3A_429 = arith.index_cast %get3A_428 : i32 to index
      %get3A_430 = arith.index_cast %scan3A_328 : i32 to index
      %get3A_431 = arith.constant 96 : index
      %get3A_432 = tpu.vector_load %arg10[%get3A_429, %get3A_430, %get3A_431] {strides = array<i32>} : memref<3x128x128xf32, #tpu.memory_space<vmem>>, vector<16xf32>,
      %add3A_433 = arith.addf %get3A_427, %get3A_432 : vector<16xf32>
      %swap3A_434 = arith.constant 1 : i32
      %swap3A_435 = arith.index_cast %swap3A_434 : i32 to index
      %swap3A_436 = arith.index_cast %scan3A_328 : i32 to index
      %swap3A_437 = arith.constant 96 : index
      %swap3A_438 = tpu.vector_load %arg9[%swap3A_435, %swap3A_436, %swap3A_437] {strides = array<i32>} : memref<3x128x128xf32, #tpu.memory_space<vmem>>, vector<16xf32>,
      tpu.vector_store %arg9[%swap3A_435, %swap3A_436, %swap3A_437], %add3A_433 {strides = array<i32>} : memref<3x128x128xf32, #tpu.memory_space<vmem>>, vector<16xf32>,
      %get3A_439 = arith.constant 1 : i32
      %get3A_440 = arith.index_cast %get3A_439 : i32 to index
      %get3A_441 = arith.index_cast %scan3A_328 : i32 to index
      %get3A_442 = arith.constant 112 : index
      %get3A_443 = tpu.vector_load %arg9[%get3A_440, %get3A_441, %get3A_442] {strides = array<i32>} : memref<3x128x128xf32, #tpu.memory_space<vmem>>, vector<16xf32>,
      %get3A_444 = arith.constant 1 : i32
      %get3A_445 = arith.index_cast %get3A_444 : i32 to index
      %get3A_446 = arith.index_cast %scan3A_328 : i32 to index
      %get3A_447 = arith.constant 112 : index
      %get3A_448 = tpu.vector_load %arg10[%get3A_445, %get3A_446, %get3A_447] {strides = array<i32>} : memref<3x128x128xf32, #tpu.memory_space<vmem>>, vector<16xf32>,
      %add3A_449 = arith.addf %get3A_443, %get3A_448 : vector<16xf32>
      %swap3A_450 = arith.constant 1 : i32
      %swap3A_451 = arith.index_cast %swap3A_450 : i32 to index
      %swap3A_452 = arith.index_cast %scan3A_328 : i32 to index
      %swap3A_453 = arith.constant 112 : index
      %swap3A_454 = tpu.vector_load %arg9[%swap3A_451, %swap3A_452, %swap3A_453] {strides = array<i32>} : memref<3x128x128xf32, #tpu.memory_space<vmem>>, vector<16xf32>,
      tpu.vector_store %arg9[%swap3A_451, %swap3A_452, %swap3A_453], %add3A_449 {strides = array<i32>} : memref<3x128x128xf32, #tpu.memory_space<vmem>>, vector<16xf32>,
      %scan3A_455 = arith.constant 1 : i32
      %scan3A_456 = arith.addi %scan3A_328, %scan3A_455 : i32
      %get3A_457 = arith.constant 1 : i32
      %get3A_458 = arith.index_cast %get3A_457 : i32 to index
      %get3A_459 = arith.index_cast %scan3A_456 : i32 to index
      %get3A_460 = arith.constant 0 : index
      %get3A_461 = tpu.vector_load %arg9[%get3A_458, %get3A_459, %get3A_460] {strides = array<i32>} : memref<3x128x128xf32, #tpu.memory_space<vmem>>, vector<16xf32>,
      %get3A_462 = arith.constant 1 : i32
      %get3A_463 = arith.index_cast %get3A_462 : i32 to index
      %get3A_464 = arith.index_cast %scan3A_456 : i32 to index
      %get3A_465 = arith.constant 0 : index
      %get3A_466 = tpu.vector_load %arg10[%get3A_463, %get3A_464, %get3A_465] {strides = array<i32>} : memref<3x128x128xf32, #tpu.memory_space<vmem>>, vector<16xf32>,
      %add3A_467 = arith.addf %get3A_461, %get3A_466 : vector<16xf32>
      %swap3A_468 = arith.constant 1 : i32
      %swap3A_469 = arith.index_cast %swap3A_468 : i32 to index
      %swap3A_470 = arith.index_cast %scan3A_456 : i32 to index
      %swap3A_471 = arith.constant 0 : index
      %swap3A_472 = tpu.vector_load %arg9[%swap3A_469, %swap3A_470, %swap3A_471] {strides = array<i32>} : memref<3x128x128xf32, #tpu.memory_space<vmem>>, vector<16xf32>,
      tpu.vector_store %arg9[%swap3A_469, %swap3A_470, %swap3A_471], %add3A_467 {strides = array<i32>} : memref<3x128x128xf32, #tpu.memory_space<vmem>>, vector<16xf32>,
      %get3A_473 = arith.constant 1 : i32
      %get3A_474 = arith.index_cast %get3A_473 : i32 to index
      %get3A_475 = arith.index_cast %scan3A_456 : i32 to index
      %get3A_476 = arith.constant 16 : index
      %get3A_477 = tpu.vector_load %arg9[%get3A_474, %get3A_475, %get3A_476] {strides = array<i32>} : memref<3x128x128xf32, #tpu.memory_space<vmem>>, vector<16xf32>,
      %get3A_478 = arith.constant 1 : i32
      %get3A_479 = arith.index_cast %get3A_478 : i32 to index
      %get3A_480 = arith.index_cast %scan3A_456 : i32 to index
      %get3A_481 = arith.constant 16 : index
      %get3A_482 = tpu.vector_load %arg10[%get3A_479, %get3A_480, %get3A_481] {strides = array<i32>} : memref<3x128x128xf32, #tpu.memory_space<vmem>>, vector<16xf32>,
      %add3A_483 = arith.addf %get3A_477, %get3A_482 : vector<16xf32>
      %swap3A_484 = arith.constant 1 : i32
      %swap3A_485 = arith.index_cast %swap3A_484 : i32 to index
      %swap3A_486 = arith.index_cast %scan3A_456 : i32 to index
      %swap3A_487 = arith.constant 16 : index
      %swap3A_488 = tpu.vector_load %arg9[%swap3A_485, %swap3A_486, %swap3A_487] {strides = array<i32>} : memref<3x128x128xf32, #tpu.memory_space<vmem>>, vector<16xf32>,
      tpu.vector_store %arg9[%swap3A_485, %swap3A_486, %swap3A_487], %add3A_483 {strides = array<i32>} : memref<3x128x128xf32, #tpu.memory_space<vmem>>, vector<16xf32>,
      %get3A_489 = arith.constant 1 : i32
      %get3A_490 = arith.index_cast %get3A_489 : i32 to index
      %get3A_491 = arith.index_cast %scan3A_456 : i32 to index
      %get3A_492 = arith.constant 32 : index
      %get3A_493 = tpu.vector_load %arg9[%get3A_490, %get3A_491, %get3A_492] {strides = array<i32>} : memref<3x128x128xf32, #tpu.memory_space<vmem>>, vector<16xf32>,
      %get3A_494 = arith.constant 1 : i32
      %get3A_495 = arith.index_cast %get3A_494 : i32 to index
      %get3A_496 = arith.index_cast %scan3A_456 : i32 to index
      %get3A_497 = arith.constant 32 : index
      %get3A_498 = tpu.vector_load %arg10[%get3A_495, %get3A_496, %get3A_497] {strides = array<i32>} : memref<3x128x128xf32, #tpu.memory_space<vmem>>, vector<16xf32>,
      %add3A_499 = arith.addf %get3A_493, %get3A_498 : vector<16xf32>
      %swap3A_500 = arith.constant 1 : i32
      %swap3A_501 = arith.index_cast %swap3A_500 : i32 to index
      %swap3A_502 = arith.index_cast %scan3A_456 : i32 to index
      %swap3A_503 = arith.constant 32 : index
      %swap3A_504 = tpu.vector_load %arg9[%swap3A_501, %swap3A_502, %swap3A_503] {strides = array<i32>} : memref<3x128x128xf32, #tpu.memory_space<vmem>>, vector<16xf32>,
      tpu.vector_store %arg9[%swap3A_501, %swap3A_502, %swap3A_503], %add3A_499 {strides = array<i32>} : memref<3x128x128xf32, #tpu.memory_space<vmem>>, vector<16xf32>,
      %get3A_505 = arith.constant 1 : i32
      %get3A_506 = arith.index_cast %get3A_505 : i32 to index
      %get3A_507 = arith.index_cast %scan3A_456 : i32 to index
      %get3A_508 = arith.constant 48 : index
      %get3A_509 = tpu.vector_load %arg9[%get3A_506, %get3A_507, %get3A_508] {strides = array<i32>} : memref<3x128x128xf32, #tpu.memory_space<vmem>>, vector<16xf32>,
      %get3A_510 = arith.constant 1 : i32
      %get3A_511 = arith.index_cast %get3A_510 : i32 to index
      %get3A_512 = arith.index_cast %scan3A_456 : i32 to index
      %get3A_513 = arith.constant 48 : index
      %get3A_514 = tpu.vector_load %arg10[%get3A_511, %get3A_512, %get3A_513] {strides = array<i32>} : memref<3x128x128xf32, #tpu.memory_space<vmem>>, vector<16xf32>,
      %add3A_515 = arith.addf %get3A_509, %get3A_514 : vector<16xf32>
      %swap3A_516 = arith.constant 1 : i32
      %swap3A_517 = arith.index_cast %swap3A_516 : i32 to index
      %swap3A_518 = arith.index_cast %scan3A_456 : i32 to index
      %swap3A_519 = arith.constant 48 : index
      %swap3A_520 = tpu.vector_load %arg9[%swap3A_517, %swap3A_518, %swap3A_519] {strides = array<i32>} : memref<3x128x128xf32, #tpu.memory_space<vmem>>, vector<16xf32>,
      tpu.vector_store %arg9[%swap3A_517, %swap3A_518, %swap3A_519], %add3A_515 {strides = array<i32>} : memref<3x128x128xf32, #tpu.memory_space<vmem>>, vector<16xf32>,
      %get3A_521 = arith.constant 1 : i32
      %get3A_522 = arith.index_cast %get3A_521 : i32 to index
      %get3A_523 = arith.index_cast %scan3A_456 : i32 to index
      %get3A_524 = arith.constant 64 : index
      %get3A_525 = tpu.vector_load %arg9[%get3A_522, %get3A_523, %get3A_524] {strides = array<i32>} : memref<3x128x128xf32, #tpu.memory_space<vmem>>, vector<16xf32>,
      %get3A_526 = arith.constant 1 : i32
      %get3A_527 = arith.index_cast %get3A_526 : i32 to index
      %get3A_528 = arith.index_cast %scan3A_456 : i32 to index
      %get3A_529 = arith.constant 64 : index
      %get3A_530 = tpu.vector_load %arg10[%get3A_527, %get3A_528, %get3A_529] {strides = array<i32>} : memref<3x128x128xf32, #tpu.memory_space<vmem>>, vector<16xf32>,
      %add3A_531 = arith.addf %get3A_525, %get3A_530 : vector<16xf32>
      %swap3A_532 = arith.constant 1 : i32
      %swap3A_533 = arith.index_cast %swap3A_532 : i32 to index
      %swap3A_534 = arith.index_cast %scan3A_456 : i32 to index
      %swap3A_535 = arith.constant 64 : index
      %swap3A_536 = tpu.vector_load %arg9[%swap3A_533, %swap3A_534, %swap3A_535] {strides = array<i32>} : memref<3x128x128xf32, #tpu.memory_space<vmem>>, vector<16xf32>,
      tpu.vector_store %arg9[%swap3A_533, %swap3A_534, %swap3A_535], %add3A_531 {strides = array<i32>} : memref<3x128x128xf32, #tpu.memory_space<vmem>>, vector<16xf32>,
      %get3A_537 = arith.constant 1 : i32
      %get3A_538 = arith.index_cast %get3A_537 : i32 to index
      %get3A_539 = arith.index_cast %scan3A_456 : i32 to index
      %get3A_540 = arith.constant 80 : index
      %get3A_541 = tpu.vector_load %arg9[%get3A_538, %get3A_539, %get3A_540] {strides = array<i32>} : memref<3x128x128xf32, #tpu.memory_space<vmem>>, vector<16xf32>,
      %get3A_542 = arith.constant 1 : i32
      %get3A_543 = arith.index_cast %get3A_542 : i32 to index
      %get3A_544 = arith.index_cast %scan3A_456 : i32 to index
      %get3A_545 = arith.constant 80 : index
      %get3A_546 = tpu.vector_load %arg10[%get3A_543, %get3A_544, %get3A_545] {strides = array<i32>} : memref<3x128x128xf32, #tpu.memory_space<vmem>>, vector<16xf32>,
      %add3A_547 = arith.addf %get3A_541, %get3A_546 : vector<16xf32>
      %swap3A_548 = arith.constant 1 : i32
      %swap3A_549 = arith.index_cast %swap3A_548 : i32 to index
      %swap3A_550 = arith.index_cast %scan3A_456 : i32 to index
      %swap3A_551 = arith.constant 80 : index
      %swap3A_552 = tpu.vector_load %arg9[%swap3A_549, %swap3A_550, %swap3A_551] {strides = array<i32>} : memref<3x128x128xf32, #tpu.memory_space<vmem>>, vector<16xf32>,
      tpu.vector_store %arg9[%swap3A_549, %swap3A_550, %swap3A_551], %add3A_547 {strides = array<i32>} : memref<3x128x128xf32, #tpu.memory_space<vmem>>, vector<16xf32>,
      %get3A_553 = arith.constant 1 : i32
      %get3A_554 = arith.index_cast %get3A_553 : i32 to index
      %get3A_555 = arith.index_cast %scan3A_456 : i32 to index
      %get3A_556 = arith.constant 96 : index
      %get3A_557 = tpu.vector_load %arg9[%get3A_554, %get3A_555, %get3A_556] {strides = array<i32>} : memref<3x128x128xf32, #tpu.memory_space<vmem>>, vector<16xf32>,
      %get3A_558 = arith.constant 1 : i32
      %get3A_559 = arith.index_cast %get3A_558 : i32 to index
      %get3A_560 = arith.index_cast %scan3A_456 : i32 to index
      %get3A_561 = arith.constant 96 : index
      %get3A_562 = tpu.vector_load %arg10[%get3A_559, %get3A_560, %get3A_561] {strides = array<i32>} : memref<3x128x128xf32, #tpu.memory_space<vmem>>, vector<16xf32>,
      %add3A_563 = arith.addf %get3A_557, %get3A_562 : vector<16xf32>
      %swap3A_564 = arith.constant 1 : i32
      %swap3A_565 = arith.index_cast %swap3A_564 : i32 to index
      %swap3A_566 = arith.index_cast %scan3A_456 : i32 to index
      %swap3A_567 = arith.constant 96 : index
      %swap3A_568 = tpu.vector_load %arg9[%swap3A_565, %swap3A_566, %swap3A_567] {strides = array<i32>} : memref<3x128x128xf32, #tpu.memory_space<vmem>>, vector<16xf32>,
      tpu.vector_store %arg9[%swap3A_565, %swap3A_566, %swap3A_567], %add3A_563 {strides = array<i32>} : memref<3x128x128xf32, #tpu.memory_space<vmem>>, vector<16xf32>,
      %get3A_569 = arith.constant 1 : i32
      %get3A_570 = arith.index_cast %get3A_569 : i32 to index
      %get3A_571 = arith.index_cast %scan3A_456 : i32 to index
      %get3A_572 = arith.constant 112 : index
      %get3A_573 = tpu.vector_load %arg9[%get3A_570, %get3A_571, %get3A_572] {strides = array<i32>} : memref<3x128x128xf32, #tpu.memory_space<vmem>>, vector<16xf32>,
      %get3A_574 = arith.constant 1 : i32
      %get3A_575 = arith.index_cast %get3A_574 : i32 to index
      %get3A_576 = arith.index_cast %scan3A_456 : i32 to index
      %get3A_577 = arith.constant 112 : index
      %get3A_578 = tpu.vector_load %arg10[%get3A_575, %get3A_576, %get3A_577] {strides = array<i32>} : memref<3x128x128xf32, #tpu.memory_space<vmem>>, vector<16xf32>,
      %add3A_579 = arith.addf %get3A_573, %get3A_578 : vector<16xf32>
      %swap3A_580 = arith.constant 1 : i32
      %swap3A_581 = arith.index_cast %swap3A_580 : i32 to index
      %swap3A_582 = arith.index_cast %scan3A_456 : i32 to index
      %swap3A_583 = arith.constant 112 : index
      %swap3A_584 = tpu.vector_load %arg9[%swap3A_581, %swap3A_582, %swap3A_583] {strides = array<i32>} : memref<3x128x128xf32, #tpu.memory_space<vmem>>, vector<16xf32>,
      tpu.vector_store %arg9[%swap3A_581, %swap3A_582, %swap3A_583], %add3A_579 {strides = array<i32>} : memref<3x128x128xf32, #tpu.memory_space<vmem>>, vector<16xf32>,
      %scan3A_585 = arith.constant 2 : i32
      %scan3A_586 = arith.addi %scan3A_328, %scan3A_585 : i32
      %get3A_587 = arith.constant 1 : i32
      %get3A_588 = arith.index_cast %get3A_587 : i32 to index
      %get3A_589 = arith.index_cast %scan3A_586 : i32 to index
      %get3A_590 = arith.constant 0 : index
      %get3A_591 = tpu.vector_load %arg9[%get3A_588, %get3A_589, %get3A_590] {strides = array<i32>} : memref<3x128x128xf32, #tpu.memory_space<vmem>>, vector<16xf32>,
      %get3A_592 = arith.constant 1 : i32
      %get3A_593 = arith.index_cast %get3A_592 : i32 to index
      %get3A_594 = arith.index_cast %scan3A_586 : i32 to index
      %get3A_595 = arith.constant 0 : index
      %get3A_596 = tpu.vector_load %arg10[%get3A_593, %get3A_594, %get3A_595] {strides = array<i32>} : memref<3x128x128xf32, #tpu.memory_space<vmem>>, vector<16xf32>,
      %add3A_597 = arith.addf %get3A_591, %get3A_596 : vector<16xf32>
      %swap3A_598 = arith.constant 1 : i32
      %swap3A_599 = arith.index_cast %swap3A_598 : i32 to index
      %swap3A_600 = arith.index_cast %scan3A_586 : i32 to index
      %swap3A_601 = arith.constant 0 : index
      %swap3A_602 = tpu.vector_load %arg9[%swap3A_599, %swap3A_600, %swap3A_601] {strides = array<i32>} : memref<3x128x128xf32, #tpu.memory_space<vmem>>, vector<16xf32>,
      tpu.vector_store %arg9[%swap3A_599, %swap3A_600, %swap3A_601], %add3A_597 {strides = array<i32>} : memref<3x128x128xf32, #tpu.memory_space<vmem>>, vector<16xf32>,
      %get3A_603 = arith.constant 1 : i32
      %get3A_604 = arith.index_cast %get3A_603 : i32 to index
      %get3A_605 = arith.index_cast %scan3A_586 : i32 to index
      %get3A_606 = arith.constant 16 : index
      %get3A_607 = tpu.vector_load %arg9[%get3A_604, %get3A_605, %get3A_606] {strides = array<i32>} : memref<3x128x128xf32, #tpu.memory_space<vmem>>, vector<16xf32>,
      %get3A_608 = arith.constant 1 : i32
      %get3A_609 = arith.index_cast %get3A_608 : i32 to index
      %get3A_610 = arith.index_cast %scan3A_586 : i32 to index
      %get3A_611 = arith.constant 16 : index
      %get3A_612 = tpu.vector_load %arg10[%get3A_609, %get3A_610, %get3A_611] {strides = array<i32>} : memref<3x128x128xf32, #tpu.memory_space<vmem>>, vector<16xf32>,
      %add3A_613 = arith.addf %get3A_607, %get3A_612 : vector<16xf32>
      %swap3A_614 = arith.constant 1 : i32
      %swap3A_615 = arith.index_cast %swap3A_614 : i32 to index
      %swap3A_616 = arith.index_cast %scan3A_586 : i32 to index
      %swap3A_617 = arith.constant 16 : index
      %swap3A_618 = tpu.vector_load %arg9[%swap3A_615, %swap3A_616, %swap3A_617] {strides = array<i32>} : memref<3x128x128xf32, #tpu.memory_space<vmem>>, vector<16xf32>,
      tpu.vector_store %arg9[%swap3A_615, %swap3A_616, %swap3A_617], %add3A_613 {strides = array<i32>} : memref<3x128x128xf32, #tpu.memory_space<vmem>>, vector<16xf32>,
      %get3A_619 = arith.constant 1 : i32
      %get3A_620 = arith.index_cast %get3A_619 : i32 to index
      %get3A_621 = arith.index_cast %scan3A_586 : i32 to index
      %get3A_622 = arith.constant 32 : index
      %get3A_623 = tpu.vector_load %arg9[%get3A_620, %get3A_621, %get3A_622] {strides = array<i32>} : memref<3x128x128xf32, #tpu.memory_space<vmem>>, vector<16xf32>,
      %get3A_624 = arith.constant 1 : i32
      %get3A_625 = arith.index_cast %get3A_624 : i32 to index
      %get3A_626 = arith.index_cast %scan3A_586 : i32 to index
      %get3A_627 = arith.constant 32 : index
      %get3A_628 = tpu.vector_load %arg10[%get3A_625, %get3A_626, %get3A_627] {strides = array<i32>} : memref<3x128x128xf32, #tpu.memory_space<vmem>>, vector<16xf32>,
      %add3A_629 = arith.addf %get3A_623, %get3A_628 : vector<16xf32>
      %swap3A_630 = arith.constant 1 : i32
      %swap3A_631 = arith.index_cast %swap3A_630 : i32 to index
      %swap3A_632 = arith.index_cast %scan3A_586 : i32 to index
      %swap3A_633 = arith.constant 32 : index
      %swap3A_634 = tpu.vector_load %arg9[%swap3A_631, %swap3A_632, %swap3A_633] {strides = array<i32>} : memref<3x128x128xf32, #tpu.memory_space<vmem>>, vector<16xf32>,
      tpu.vector_store %arg9[%swap3A_631, %swap3A_632, %swap3A_633], %add3A_629 {strides = array<i32>} : memref<3x128x128xf32, #tpu.memory_space<vmem>>, vector<16xf32>,
      %get3A_635 = arith.constant 1 : i32
      %get3A_636 = arith.index_cast %get3A_635 : i32 to index
      %get3A_637 = arith.index_cast %scan3A_586 : i32 to index
      %get3A_638 = arith.constant 48 : index
      %get3A_639 = tpu.vector_load %arg9[%get3A_636, %get3A_637, %get3A_638] {strides = array<i32>} : memref<3x128x128xf32, #tpu.memory_space<vmem>>, vector<16xf32>,
      %get3A_640 = arith.constant 1 : i32
      %get3A_641 = arith.index_cast %get3A_640 : i32 to index
      %get3A_642 = arith.index_cast %scan3A_586 : i32 to index
      %get3A_643 = arith.constant 48 : index
      %get3A_644 = tpu.vector_load %arg10[%get3A_641, %get3A_642, %get3A_643] {strides = array<i32>} : memref<3x128x128xf32, #tpu.memory_space<vmem>>, vector<16xf32>,
      %add3A_645 = arith.addf %get3A_639, %get3A_644 : vector<16xf32>
      %swap3A_646 = arith.constant 1 : i32
      %swap3A_647 = arith.index_cast %swap3A_646 : i32 to index
      %swap3A_648 = arith.index_cast %scan3A_586 : i32 to index
      %swap3A_649 = arith.constant 48 : index
      %swap3A_650 = tpu.vector_load %arg9[%swap3A_647, %swap3A_648, %swap3A_649] {strides = array<i32>} : memref<3x128x128xf32, #tpu.memory_space<vmem>>, vector<16xf32>,
      tpu.vector_store %arg9[%swap3A_647, %swap3A_648, %swap3A_649], %add3A_645 {strides = array<i32>} : memref<3x128x128xf32, #tpu.memory_space<vmem>>, vector<16xf32>,
      %get3A_651 = arith.constant 1 : i32
      %get3A_652 = arith.index_cast %get3A_651 : i32 to index
      %get3A_653 = arith.index_cast %scan3A_586 : i32 to index
      %get3A_654 = arith.constant 64 : index
      %get3A_655 = tpu.vector_load %arg9[%get3A_652, %get3A_653, %get3A_654] {strides = array<i32>} : memref<3x128x128xf32, #tpu.memory_space<vmem>>, vector<16xf32>,
      %get3A_656 = arith.constant 1 : i32
      %get3A_657 = arith.index_cast %get3A_656 : i32 to index
      %get3A_658 = arith.index_cast %scan3A_586 : i32 to index
      %get3A_659 = arith.constant 64 : index
      %get3A_660 = tpu.vector_load %arg10[%get3A_657, %get3A_658, %get3A_659] {strides = array<i32>} : memref<3x128x128xf32, #tpu.memory_space<vmem>>, vector<16xf32>,
      %add3A_661 = arith.addf %get3A_655, %get3A_660 : vector<16xf32>
      %swap3A_662 = arith.constant 1 : i32
      %swap3A_663 = arith.index_cast %swap3A_662 : i32 to index
      %swap3A_664 = arith.index_cast %scan3A_586 : i32 to index
      %swap3A_665 = arith.constant 64 : index
      %swap3A_666 = tpu.vector_load %arg9[%swap3A_663, %swap3A_664, %swap3A_665] {strides = array<i32>} : memref<3x128x128xf32, #tpu.memory_space<vmem>>, vector<16xf32>,
      tpu.vector_store %arg9[%swap3A_663, %swap3A_664, %swap3A_665], %add3A_661 {strides = array<i32>} : memref<3x128x128xf32, #tpu.memory_space<vmem>>, vector<16xf32>,
      %get3A_667 = arith.constant 1 : i32
      %get3A_668 = arith.index_cast %get3A_667 : i32 to index
      %get3A_669 = arith.index_cast %scan3A_586 : i32 to index
      %get3A_670 = arith.constant 80 : index
      %get3A_671 = tpu.vector_load %arg9[%get3A_668, %get3A_669, %get3A_670] {strides = array<i32>} : memref<3x128x128xf32, #tpu.memory_space<vmem>>, vector<16xf32>,
      %get3A_672 = arith.constant 1 : i32
      %get3A_673 = arith.index_cast %get3A_672 : i32 to index
      %get3A_674 = arith.index_cast %scan3A_586 : i32 to index
      %get3A_675 = arith.constant 80 : index
      %get3A_676 = tpu.vector_load %arg10[%get3A_673, %get3A_674, %get3A_675] {strides = array<i32>} : memref<3x128x128xf32, #tpu.memory_space<vmem>>, vector<16xf32>,
      %add3A_677 = arith.addf %get3A_671, %get3A_676 : vector<16xf32>
      %swap3A_678 = arith.constant 1 : i32
      %swap3A_679 = arith.index_cast %swap3A_678 : i32 to index
      %swap3A_680 = arith.index_cast %scan3A_586 : i32 to index
      %swap3A_681 = arith.constant 80 : index
      %swap3A_682 = tpu.vector_load %arg9[%swap3A_679, %swap3A_680, %swap3A_681] {strides = array<i32>} : memref<3x128x128xf32, #tpu.memory_space<vmem>>, vector<16xf32>,
      tpu.vector_store %arg9[%swap3A_679, %swap3A_680, %swap3A_681], %add3A_677 {strides = array<i32>} : memref<3x128x128xf32, #tpu.memory_space<vmem>>, vector<16xf32>,
      %get3A_683 = arith.constant 1 : i32
      %get3A_684 = arith.index_cast %get3A_683 : i32 to index
      %get3A_685 = arith.index_cast %scan3A_586 : i32 to index
      %get3A_686 = arith.constant 96 : index
      %get3A_687 = tpu.vector_load %arg9[%get3A_684, %get3A_685, %get3A_686] {strides = array<i32>} : memref<3x128x128xf32, #tpu.memory_space<vmem>>, vector<16xf32>,
      %get3A_688 = arith.constant 1 : i32
      %get3A_689 = arith.index_cast %get3A_688 : i32 to index
      %get3A_690 = arith.index_cast %scan3A_586 : i32 to index
      %get3A_691 = arith.constant 96 : index
      %get3A_692 = tpu.vector_load %arg10[%get3A_689, %get3A_690, %get3A_691] {strides = array<i32>} : memref<3x128x128xf32, #tpu.memory_space<vmem>>, vector<16xf32>,
      %add3A_693 = arith.addf %get3A_687, %get3A_692 : vector<16xf32>
      %swap3A_694 = arith.constant 1 : i32
      %swap3A_695 = arith.index_cast %swap3A_694 : i32 to index
      %swap3A_696 = arith.index_cast %scan3A_586 : i32 to index
      %swap3A_697 = arith.constant 96 : index
      %swap3A_698 = tpu.vector_load %arg9[%swap3A_695, %swap3A_696, %swap3A_697] {strides = array<i32>} : memref<3x128x128xf32, #tpu.memory_space<vmem>>, vector<16xf32>,
      tpu.vector_store %arg9[%swap3A_695, %swap3A_696, %swap3A_697], %add3A_693 {strides = array<i32>} : memref<3x128x128xf32, #tpu.memory_space<vmem>>, vector<16xf32>,
      %get3A_699 = arith.constant 1 : i32
      %get3A_700 = arith.index_cast %get3A_699 : i32 to index
      %get3A_701 = arith.index_cast %scan3A_586 : i32 to index
      %get3A_702 = arith.constant 112 : index
      %get3A_703 = tpu.vector_load %arg9[%get3A_700, %get3A_701, %get3A_702] {strides = array<i32>} : memref<3x128x128xf32, #tpu.memory_space<vmem>>, vector<16xf32>,
      %get3A_704 = arith.constant 1 : i32
      %get3A_705 = arith.index_cast %get3A_704 : i32 to index
      %get3A_706 = arith.index_cast %scan3A_586 : i32 to index
      %get3A_707 = arith.constant 112 : index
      %get3A_708 = tpu.vector_load %arg10[%get3A_705, %get3A_706, %get3A_707] {strides = array<i32>} : memref<3x128x128xf32, #tpu.memory_space<vmem>>, vector<16xf32>,
      %add3A_709 = arith.addf %get3A_703, %get3A_708 : vector<16xf32>
      %swap3A_710 = arith.constant 1 : i32
      %swap3A_711 = arith.index_cast %swap3A_710 : i32 to index
      %swap3A_712 = arith.index_cast %scan3A_586 : i32 to index
      %swap3A_713 = arith.constant 112 : index
      %swap3A_714 = tpu.vector_load %arg9[%swap3A_711, %swap3A_712, %swap3A_713] {strides = array<i32>} : memref<3x128x128xf32, #tpu.memory_space<vmem>>, vector<16xf32>,
      tpu.vector_store %arg9[%swap3A_711, %swap3A_712, %swap3A_713], %add3A_709 {strides = array<i32>} : memref<3x128x128xf32, #tpu.memory_space<vmem>>, vector<16xf32>,
      %scan3A_715 = arith.constant 3 : i32
      %scan3A_716 = arith.addi %scan3A_328, %scan3A_715 : i32
      %get3A_717 = arith.constant 1 : i32
      %get3A_718 = arith.index_cast %get3A_717 : i32 to index
      %get3A_719 = arith.index_cast %scan3A_716 : i32 to index
      %get3A_720 = arith.constant 0 : index
      %get3A_721 = tpu.vector_load %arg9[%get3A_718, %get3A_719, %get3A_720] {strides = array<i32>} : memref<3x128x128xf32, #tpu.memory_space<vmem>>, vector<16xf32>,
      %get3A_722 = arith.constant 1 : i32
      %get3A_723 = arith.index_cast %get3A_722 : i32 to index
      %get3A_724 = arith.index_cast %scan3A_716 : i32 to index
      %get3A_725 = arith.constant 0 : index
      %get3A_726 = tpu.vector_load %arg10[%get3A_723, %get3A_724, %get3A_725] {strides = array<i32>} : memref<3x128x128xf32, #tpu.memory_space<vmem>>, vector<16xf32>,
      %add3A_727 = arith.addf %get3A_721, %get3A_726 : vector<16xf32>
      %swap3A_728 = arith.constant 1 : i32
      %swap3A_729 = arith.index_cast %swap3A_728 : i32 to index
      %swap3A_730 = arith.index_cast %scan3A_716 : i32 to index
      %swap3A_731 = arith.constant 0 : index
      %swap3A_732 = tpu.vector_load %arg9[%swap3A_729, %swap3A_730, %swap3A_731] {strides = array<i32>} : memref<3x128x128xf32, #tpu.memory_space<vmem>>, vector<16xf32>,
      tpu.vector_store %arg9[%swap3A_729, %swap3A_730, %swap3A_731], %add3A_727 {strides = array<i32>} : memref<3x128x128xf32, #tpu.memory_space<vmem>>, vector<16xf32>,
      %get3A_733 = arith.constant 1 : i32
      %get3A_734 = arith.index_cast %get3A_733 : i32 to index
      %get3A_735 = arith.index_cast %scan3A_716 : i32 to index
      %get3A_736 = arith.constant 16 : index
      %get3A_737 = tpu.vector_load %arg9[%get3A_734, %get3A_735, %get3A_736] {strides = array<i32>} : memref<3x128x128xf32, #tpu.memory_space<vmem>>, vector<16xf32>,
      %get3A_738 = arith.constant 1 : i32
      %get3A_739 = arith.index_cast %get3A_738 : i32 to index
      %get3A_740 = arith.index_cast %scan3A_716 : i32 to index
      %get3A_741 = arith.constant 16 : index
      %get3A_742 = tpu.vector_load %arg10[%get3A_739, %get3A_740, %get3A_741] {strides = array<i32>} : memref<3x128x128xf32, #tpu.memory_space<vmem>>, vector<16xf32>,
      %add3A_743 = arith.addf %get3A_737, %get3A_742 : vector<16xf32>
      %swap3A_744 = arith.constant 1 : i32
      %swap3A_745 = arith.index_cast %swap3A_744 : i32 to index
      %swap3A_746 = arith.index_cast %scan3A_716 : i32 to index
      %swap3A_747 = arith.constant 16 : index
      %swap3A_748 = tpu.vector_load %arg9[%swap3A_745, %swap3A_746, %swap3A_747] {strides = array<i32>} : memref<3x128x128xf32, #tpu.memory_space<vmem>>, vector<16xf32>,
      tpu.vector_store %arg9[%swap3A_745, %swap3A_746, %swap3A_747], %add3A_743 {strides = array<i32>} : memref<3x128x128xf32, #tpu.memory_space<vmem>>, vector<16xf32>,
      %get3A_749 = arith.constant 1 : i32
      %get3A_750 = arith.index_cast %get3A_749 : i32 to index
      %get3A_751 = arith.index_cast %scan3A_716 : i32 to index
      %get3A_752 = arith.constant 32 : index
      %get3A_753 = tpu.vector_load %arg9[%get3A_750, %get3A_751, %get3A_752] {strides = array<i32>} : memref<3x128x128xf32, #tpu.memory_space<vmem>>, vector<16xf32>,
      %get3A_754 = arith.constant 1 : i32
      %get3A_755 = arith.index_cast %get3A_754 : i32 to index
      %get3A_756 = arith.index_cast %scan3A_716 : i32 to index
      %get3A_757 = arith.constant 32 : index
      %get3A_758 = tpu.vector_load %arg10[%get3A_755, %get3A_756, %get3A_757] {strides = array<i32>} : memref<3x128x128xf32, #tpu.memory_space<vmem>>, vector<16xf32>,
      %add3A_759 = arith.addf %get3A_753, %get3A_758 : vector<16xf32>
      %swap3A_760 = arith.constant 1 : i32
      %swap3A_761 = arith.index_cast %swap3A_760 : i32 to index
      %swap3A_762 = arith.index_cast %scan3A_716 : i32 to index
      %swap3A_763 = arith.constant 32 : index
      %swap3A_764 = tpu.vector_load %arg9[%swap3A_761, %swap3A_762, %swap3A_763] {strides = array<i32>} : memref<3x128x128xf32, #tpu.memory_space<vmem>>, vector<16xf32>,
      tpu.vector_store %arg9[%swap3A_761, %swap3A_762, %swap3A_763], %add3A_759 {strides = array<i32>} : memref<3x128x128xf32, #tpu.memory_space<vmem>>, vector<16xf32>,
      %get3A_765 = arith.constant 1 : i32
      %get3A_766 = arith.index_cast %get3A_765 : i32 to index
      %get3A_767 = arith.index_cast %scan3A_716 : i32 to index
      %get3A_768 = arith.constant 48 : index
      %get3A_769 = tpu.vector_load %arg9[%get3A_766, %get3A_767, %get3A_768] {strides = array<i32>} : memref<3x128x128xf32, #tpu.memory_space<vmem>>, vector<16xf32>,
      %get3A_770 = arith.constant 1 : i32
      %get3A_771 = arith.index_cast %get3A_770 : i32 to index
      %get3A_772 = arith.index_cast %scan3A_716 : i32 to index
      %get3A_773 = arith.constant 48 : index
      %get3A_774 = tpu.vector_load %arg10[%get3A_771, %get3A_772, %get3A_773] {strides = array<i32>} : memref<3x128x128xf32, #tpu.memory_space<vmem>>, vector<16xf32>,
      %add3A_775 = arith.addf %get3A_769, %get3A_774 : vector<16xf32>
      %swap3A_776 = arith.constant 1 : i32
      %swap3A_777 = arith.index_cast %swap3A_776 : i32 to index
      %swap3A_778 = arith.index_cast %scan3A_716 : i32 to index
      %swap3A_779 = arith.constant 48 : index
      %swap3A_780 = tpu.vector_load %arg9[%swap3A_777, %swap3A_778, %swap3A_779] {strides = array<i32>} : memref<3x128x128xf32, #tpu.memory_space<vmem>>, vector<16xf32>,
      tpu.vector_store %arg9[%swap3A_777, %swap3A_778, %swap3A_779], %add3A_775 {strides = array<i32>} : memref<3x128x128xf32, #tpu.memory_space<vmem>>, vector<16xf32>,
      %get3A_781 = arith.constant 1 : i32
      %get3A_782 = arith.index_cast %get3A_781 : i32 to index
      %get3A_783 = arith.index_cast %scan3A_716 : i32 to index
      %get3A_784 = arith.constant 64 : index
      %get3A_785 = tpu.vector_load %arg9[%get3A_782, %get3A_783, %get3A_784] {strides = array<i32>} : memref<3x128x128xf32, #tpu.memory_space<vmem>>, vector<16xf32>,
      %get3A_786 = arith.constant 1 : i32
      %get3A_787 = arith.index_cast %get3A_786 : i32 to index
      %get3A_788 = arith.index_cast %scan3A_716 : i32 to index
      %get3A_789 = arith.constant 64 : index
      %get3A_790 = tpu.vector_load %arg10[%get3A_787, %get3A_788, %get3A_789] {strides = array<i32>} : memref<3x128x128xf32, #tpu.memory_space<vmem>>, vector<16xf32>,
      %add3A_791 = arith.addf %get3A_785, %get3A_790 : vector<16xf32>
      %swap3A_792 = arith.constant 1 : i32
      %swap3A_793 = arith.index_cast %swap3A_792 : i32 to index
      %swap3A_794 = arith.index_cast %scan3A_716 : i32 to index
      %swap3A_795 = arith.constant 64 : index
      %swap3A_796 = tpu.vector_load %arg9[%swap3A_793, %swap3A_794, %swap3A_795] {strides = array<i32>} : memref<3x128x128xf32, #tpu.memory_space<vmem>>, vector<16xf32>,
      tpu.vector_store %arg9[%swap3A_793, %swap3A_794, %swap3A_795], %add3A_791 {strides = array<i32>} : memref<3x128x128xf32, #tpu.memory_space<vmem>>, vector<16xf32>,
      %get3A_797 = arith.constant 1 : i32
      %get3A_798 = arith.index_cast %get3A_797 : i32 to index
      %get3A_799 = arith.index_cast %scan3A_716 : i32 to index
      %get3A_800 = arith.constant 80 : index
      %get3A_801 = tpu.vector_load %arg9[%get3A_798, %get3A_799, %get3A_800] {strides = array<i32>} : memref<3x128x128xf32, #tpu.memory_space<vmem>>, vector<16xf32>,
      %get3A_802 = arith.constant 1 : i32
      %get3A_803 = arith.index_cast %get3A_802 : i32 to index
      %get3A_804 = arith.index_cast %scan3A_716 : i32 to index
      %get3A_805 = arith.constant 80 : index
      %get3A_806 = tpu.vector_load %arg10[%get3A_803, %get3A_804, %get3A_805] {strides = array<i32>} : memref<3x128x128xf32, #tpu.memory_space<vmem>>, vector<16xf32>,
      %add3A_807 = arith.addf %get3A_801, %get3A_806 : vector<16xf32>
      %swap3A_808 = arith.constant 1 : i32
      %swap3A_809 = arith.index_cast %swap3A_808 : i32 to index
      %swap3A_810 = arith.index_cast %scan3A_716 : i32 to index
      %swap3A_811 = arith.constant 80 : index
      %swap3A_812 = tpu.vector_load %arg9[%swap3A_809, %swap3A_810, %swap3A_811] {strides = array<i32>} : memref<3x128x128xf32, #tpu.memory_space<vmem>>, vector<16xf32>,
      tpu.vector_store %arg9[%swap3A_809, %swap3A_810, %swap3A_811], %add3A_807 {strides = array<i32>} : memref<3x128x128xf32, #tpu.memory_space<vmem>>, vector<16xf32>,
      %get3A_813 = arith.constant 1 : i32
      %get3A_814 = arith.index_cast %get3A_813 : i32 to index
      %get3A_815 = arith.index_cast %scan3A_716 : i32 to index
      %get3A_816 = arith.constant 96 : index
      %get3A_817 = tpu.vector_load %arg9[%get3A_814, %get3A_815, %get3A_816] {strides = array<i32>} : memref<3x128x128xf32, #tpu.memory_space<vmem>>, vector<16xf32>,
      %get3A_818 = arith.constant 1 : i32
      %get3A_819 = arith.index_cast %get3A_818 : i32 to index
      %get3A_820 = arith.index_cast %scan3A_716 : i32 to index
      %get3A_821 = arith.constant 96 : index
      %get3A_822 = tpu.vector_load %arg10[%get3A_819, %get3A_820, %get3A_821] {strides = array<i32>} : memref<3x128x128xf32, #tpu.memory_space<vmem>>, vector<16xf32>,
      %add3A_823 = arith.addf %get3A_817, %get3A_822 : vector<16xf32>
      %swap3A_824 = arith.constant 1 : i32
      %swap3A_825 = arith.index_cast %swap3A_824 : i32 to index
      %swap3A_826 = arith.index_cast %scan3A_716 : i32 to index
      %swap3A_827 = arith.constant 96 : index
      %swap3A_828 = tpu.vector_load %arg9[%swap3A_825, %swap3A_826, %swap3A_827] {strides = array<i32>} : memref<3x128x128xf32, #tpu.memory_space<vmem>>, vector<16xf32>,
      tpu.vector_store %arg9[%swap3A_825, %swap3A_826, %swap3A_827], %add3A_823 {strides = array<i32>} : memref<3x128x128xf32, #tpu.memory_space<vmem>>, vector<16xf32>,
      %get3A_829 = arith.constant 1 : i32
      %get3A_830 = arith.index_cast %get3A_829 : i32 to index
      %get3A_831 = arith.index_cast %scan3A_716 : i32 to index
      %get3A_832 = arith.constant 112 : index
      %get3A_833 = tpu.vector_load %arg9[%get3A_830, %get3A_831, %get3A_832] {strides = array<i32>} : memref<3x128x128xf32, #tpu.memory_space<vmem>>, vector<16xf32>,
      %get3A_834 = arith.constant 1 : i32
      %get3A_835 = arith.index_cast %get3A_834 : i32 to index
      %get3A_836 = arith.index_cast %scan3A_716 : i32 to index
      %get3A_837 = arith.constant 112 : index
      %get3A_838 = tpu.vector_load %arg10[%get3A_835, %get3A_836, %get3A_837] {strides = array<i32>} : memref<3x128x128xf32, #tpu.memory_space<vmem>>, vector<16xf32>,
      %add3A_839 = arith.addf %get3A_833, %get3A_838 : vector<16xf32>
      %swap3A_840 = arith.constant 1 : i32
      %swap3A_841 = arith.index_cast %swap3A_840 : i32 to index
      %swap3A_842 = arith.index_cast %scan3A_716 : i32 to index
      %swap3A_843 = arith.constant 112 : index
      %swap3A_844 = tpu.vector_load %arg9[%swap3A_841, %swap3A_842, %swap3A_843] {strides = array<i32>} : memref<3x128x128xf32, #tpu.memory_space<vmem>>, vector<16xf32>,
      tpu.vector_store %arg9[%swap3A_841, %swap3A_842, %swap3A_843], %add3A_839 {strides = array<i32>} : memref<3x128x128xf32, #tpu.memory_space<vmem>>, vector<16xf32>,
    }
    %scan3A_191 = arith.constant 128 : i32
    %add3A_192 = arith.constant 128 : i32
    %add3A_193 = arith.addi %mul3A_2, %add3A_192 : i32
    %dma_start3A_194 = arith.constant 1 : i32
    %dma_start3A_195 = arith.constant 0 : i32
    %dma_start3A_196 = arith.constant 0 : i32
    %dma_start3A_197 = tpu.memref_slice %arg9[%dma_start3A_194, %dma_start3A_195, %dma_start3A_196] : memref<3x128x128xf32, #tpu.memory_space<vmem>> -> memref<1x128x128xf32, #tpu.memory_space<vmem>>
    %dma_start3A_198 = tpu.memref_squeeze %dma_start3A_197 : memref<1x128x128xf32, #tpu.memory_space<vmem>> -> memref<128x128xf32, #tpu.memory_space<vmem>>
    %dma_start3A_199 = arith.constant 0 : i32
    %dma_start3A_200 = tpu.memref_slice %arg6[%add3A_193, %dma_start3A_199] : memref<16384x128xf32, #tpu.memory_space<hbm>> -> memref<128x128xf32, #tpu.memory_space<hbm>>
    %dma_start3A_201 = arith.constant 0 : i32
    %dma_start3A_202 = tpu.memref_slice %arg6[%add3A_193, %dma_start3A_201] : memref<16384x128xf32, #tpu.memory_space<hbm>> -> memref<128x128xf32, #tpu.memory_space<hbm>>
    %dma_start3A_203 = arith.constant 0 : i32
    %dma_start3A_204 = arith.constant 0 : i32
    %dma_start3A_205 = tpu.memref_slice %arg9[%dma_start3A_194, %dma_start3A_203, %dma_start3A_204] : memref<3x128x128xf32, #tpu.memory_space<vmem>> -> memref<1x128x128xf32, #tpu.memory_space<vmem>>
    %dma_start3A_206 = tpu.memref_squeeze %dma_start3A_205 : memref<1x128x128xf32, #tpu.memory_space<vmem>> -> memref<128x128xf32, #tpu.memory_space<vmem>>
    tpu.enqueue_dma source(%dma_start3A_206 : memref<128x128xf32, #tpu.memory_space<vmem>>) target(%dma_start3A_202 : memref<128x128xf32, #tpu.memory_space<hbm>>) target_semaphore(%arg13 : memref<!tpu.dma_semaphore, #tpu.memory_space<semaphore_mem>>)
    %dma_wait3A_207 = arith.constant 2 : i32
    %dma_wait3A_208 = arith.constant 0 : i32
    %dma_wait3A_209 = arith.constant 0 : i32
    %dma_wait3A_210 = tpu.memref_slice %arg9[%dma_wait3A_207, %dma_wait3A_208, %dma_wait3A_209] : memref<3x128x128xf32, #tpu.memory_space<vmem>> -> memref<1x128x128xf32, #tpu.memory_space<vmem>>
    %dma_wait3A_211 = tpu.memref_squeeze %dma_wait3A_210 : memref<1x128x128xf32, #tpu.memory_space<vmem>> -> memref<128x128xf32, #tpu.memory_space<vmem>>
    %dma_wait3A_212 = arith.constant 256 : i32
    %dma_wait3A_213 = tpu.memref_slice %arg7[%dma_wait3A_212] : memref<512xi32, #tpu.memory_space<vmem>> -> memref<128xi32, #tpu.memory_space<vmem>>
    %dma_wait3A_214 = arith.constant 0 : i32
    %dma_wait3A_215 = arith.constant 0 : i32
    %dma_wait3A_216 = tpu.memref_slice %arg4[%dma_wait3A_214, %dma_wait3A_215] : memref<100000x128xf32, #tpu.memory_space<hbm>> -> memref<100000x128xf32, #tpu.memory_space<hbm>>
    tpu.wait_indirect_dma semaphore(%arg11 : memref<!tpu.dma_semaphore, #tpu.memory_space<semaphore_mem>>) src(%dma_wait3A_216 : memref<100000x128xf32, #tpu.memory_space<hbm>>) dst(%dma_wait3A_211 : memref<128x128xf32, #tpu.memory_space<vmem>>)
    %dma_wait3A_217 = arith.constant 2 : i32
    %dma_wait3A_218 = arith.constant 0 : i32
    %dma_wait3A_219 = arith.constant 0 : i32
    %dma_wait3A_220 = tpu.memref_slice %arg10[%dma_wait3A_217, %dma_wait3A_218, %dma_wait3A_219] : memref<3x128x128xf32, #tpu.memory_space<vmem>> -> memref<1x128x128xf32, #tpu.memory_space<vmem>>
    %dma_wait3A_221 = tpu.memref_squeeze %dma_wait3A_220 : memref<1x128x128xf32, #tpu.memory_space<vmem>> -> memref<128x128xf32, #tpu.memory_space<vmem>>
    %dma_wait3A_222 = arith.constant 256 : i32
    %dma_wait3A_223 = tpu.memref_slice %arg8[%dma_wait3A_222] : memref<512xi32, #tpu.memory_space<vmem>> -> memref<128xi32, #tpu.memory_space<vmem>>
    %dma_wait3A_224 = arith.constant 0 : i32
    %dma_wait3A_225 = arith.constant 0 : i32
    %dma_wait3A_226 = tpu.memref_slice %arg5[%dma_wait3A_224, %dma_wait3A_225] : memref<4096x128xf32, #tpu.memory_space<hbm>> -> memref<4096x128xf32, #tpu.memory_space<hbm>>
    tpu.wait_indirect_dma semaphore(%arg12 : memref<!tpu.dma_semaphore, #tpu.memory_space<semaphore_mem>>) src(%dma_wait3A_226 : memref<4096x128xf32, #tpu.memory_space<hbm>>) dst(%dma_wait3A_221 : memref<128x128xf32, #tpu.memory_space<vmem>>)
    %scan3A_227 = arith.constant 0 : i32
    %scan3A_228 = arith.constant 0 : i32
    %scan3A_229 = arith.constant 128 : i32
    %scan3A_230 = arith.addi %scan3A_228, %scan3A_229 : i32
    %scan3A_231 = arith.constant 4 : i32
    scf.for %scan3A_328 = %scan3A_228 to %scan3A_230 step %scan3A_231  : i32 {
      %get3A = arith.constant 2 : i32
      %get3A_329 = arith.index_cast %get3A : i32 to index
      %get3A_330 = arith.index_cast %scan3A_328 : i32 to index
      %get3A_331 = arith.constant 0 : index
      %get3A_332 = tpu.vector_load %arg9[%get3A_329, %get3A_330, %get3A_331] {strides = array<i32>} : memref<3x128x128xf32, #tpu.memory_space<vmem>>, vector<16xf32>,
      %get3A_333 = arith.constant 2 : i32
      %get3A_334 = arith.index_cast %get3A_333 : i32 to index
      %get3A_335 = arith.index_cast %scan3A_328 : i32 to index
      %get3A_336 = arith.constant 0 : index
      %get3A_337 = tpu.vector_load %arg10[%get3A_334, %get3A_335, %get3A_336] {strides = array<i32>} : memref<3x128x128xf32, #tpu.memory_space<vmem>>, vector<16xf32>,
      %add3A_338 = arith.addf %get3A_332, %get3A_337 : vector<16xf32>
      %swap3A = arith.constant 2 : i32
      %swap3A_339 = arith.index_cast %swap3A : i32 to index
      %swap3A_340 = arith.index_cast %scan3A_328 : i32 to index
      %swap3A_341 = arith.constant 0 : index
      %swap3A_342 = tpu.vector_load %arg9[%swap3A_339, %swap3A_340, %swap3A_341] {strides = array<i32>} : memref<3x128x128xf32, #tpu.memory_space<vmem>>, vector<16xf32>,
      tpu.vector_store %arg9[%swap3A_339, %swap3A_340, %swap3A_341], %add3A_338 {strides = array<i32>} : memref<3x128x128xf32, #tpu.memory_space<vmem>>, vector<16xf32>,
      %get3A_343 = arith.constant 2 : i32
      %get3A_344 = arith.index_cast %get3A_343 : i32 to index
      %get3A_345 = arith.index_cast %scan3A_328 : i32 to index
      %get3A_346 = arith.constant 16 : index
      %get3A_347 = tpu.vector_load %arg9[%get3A_344, %get3A_345, %get3A_346] {strides = array<i32>} : memref<3x128x128xf32, #tpu.memory_space<vmem>>, vector<16xf32>,
      %get3A_348 = arith.constant 2 : i32
      %get3A_349 = arith.index_cast %get3A_348 : i32 to index
      %get3A_350 = arith.index_cast %scan3A_328 : i32 to index
      %get3A_351 = arith.constant 16 : index
      %get3A_352 = tpu.vector_load %arg10[%get3A_349, %get3A_350, %get3A_351] {strides = array<i32>} : memref<3x128x128xf32, #tpu.memory_space<vmem>>, vector<16xf32>,
      %add3A_353 = arith.addf %get3A_347, %get3A_352 : vector<16xf32>
      %swap3A_354 = arith.constant 2 : i32
      %swap3A_355 = arith.index_cast %swap3A_354 : i32 to index
      %swap3A_356 = arith.index_cast %scan3A_328 : i32 to index
      %swap3A_357 = arith.constant 16 : index
      %swap3A_358 = tpu.vector_load %arg9[%swap3A_355, %swap3A_356, %swap3A_357] {strides = array<i32>} : memref<3x128x128xf32, #tpu.memory_space<vmem>>, vector<16xf32>,
      tpu.vector_store %arg9[%swap3A_355, %swap3A_356, %swap3A_357], %add3A_353 {strides = array<i32>} : memref<3x128x128xf32, #tpu.memory_space<vmem>>, vector<16xf32>,
      %get3A_359 = arith.constant 2 : i32
      %get3A_360 = arith.index_cast %get3A_359 : i32 to index
      %get3A_361 = arith.index_cast %scan3A_328 : i32 to index
      %get3A_362 = arith.constant 32 : index
      %get3A_363 = tpu.vector_load %arg9[%get3A_360, %get3A_361, %get3A_362] {strides = array<i32>} : memref<3x128x128xf32, #tpu.memory_space<vmem>>, vector<16xf32>,
      %get3A_364 = arith.constant 2 : i32
      %get3A_365 = arith.index_cast %get3A_364 : i32 to index
      %get3A_366 = arith.index_cast %scan3A_328 : i32 to index
      %get3A_367 = arith.constant 32 : index
      %get3A_368 = tpu.vector_load %arg10[%get3A_365, %get3A_366, %get3A_367] {strides = array<i32>} : memref<3x128x128xf32, #tpu.memory_space<vmem>>, vector<16xf32>,
      %add3A_369 = arith.addf %get3A_363, %get3A_368 : vector<16xf32>
      %swap3A_370 = arith.constant 2 : i32
      %swap3A_371 = arith.index_cast %swap3A_370 : i32 to index
      %swap3A_372 = arith.index_cast %scan3A_328 : i32 to index
      %swap3A_373 = arith.constant 32 : index
      %swap3A_374 = tpu.vector_load %arg9[%swap3A_371, %swap3A_372, %swap3A_373] {strides = array<i32>} : memref<3x128x128xf32, #tpu.memory_space<vmem>>, vector<16xf32>,
      tpu.vector_store %arg9[%swap3A_371, %swap3A_372, %swap3A_373], %add3A_369 {strides = array<i32>} : memref<3x128x128xf32, #tpu.memory_space<vmem>>, vector<16xf32>,
      %get3A_375 = arith.constant 2 : i32
      %get3A_376 = arith.index_cast %get3A_375 : i32 to index
      %get3A_377 = arith.index_cast %scan3A_328 : i32 to index
      %get3A_378 = arith.constant 48 : index
      %get3A_379 = tpu.vector_load %arg9[%get3A_376, %get3A_377, %get3A_378] {strides = array<i32>} : memref<3x128x128xf32, #tpu.memory_space<vmem>>, vector<16xf32>,
      %get3A_380 = arith.constant 2 : i32
      %get3A_381 = arith.index_cast %get3A_380 : i32 to index
      %get3A_382 = arith.index_cast %scan3A_328 : i32 to index
      %get3A_383 = arith.constant 48 : index
      %get3A_384 = tpu.vector_load %arg10[%get3A_381, %get3A_382, %get3A_383] {strides = array<i32>} : memref<3x128x128xf32, #tpu.memory_space<vmem>>, vector<16xf32>,
      %add3A_385 = arith.addf %get3A_379, %get3A_384 : vector<16xf32>
      %swap3A_386 = arith.constant 2 : i32
      %swap3A_387 = arith.index_cast %swap3A_386 : i32 to index
      %swap3A_388 = arith.index_cast %scan3A_328 : i32 to index
      %swap3A_389 = arith.constant 48 : index
      %swap3A_390 = tpu.vector_load %arg9[%swap3A_387, %swap3A_388, %swap3A_389] {strides = array<i32>} : memref<3x128x128xf32, #tpu.memory_space<vmem>>, vector<16xf32>,
      tpu.vector_store %arg9[%swap3A_387, %swap3A_388, %swap3A_389], %add3A_385 {strides = array<i32>} : memref<3x128x128xf32, #tpu.memory_space<vmem>>, vector<16xf32>,
      %get3A_391 = arith.constant 2 : i32
      %get3A_392 = arith.index_cast %get3A_391 : i32 to index
      %get3A_393 = arith.index_cast %scan3A_328 : i32 to index
      %get3A_394 = arith.constant 64 : index
      %get3A_395 = tpu.vector_load %arg9[%get3A_392, %get3A_393, %get3A_394] {strides = array<i32>} : memref<3x128x128xf32, #tpu.memory_space<vmem>>, vector<16xf32>,
      %get3A_396 = arith.constant 2 : i32
      %get3A_397 = arith.index_cast %get3A_396 : i32 to index
      %get3A_398 = arith.index_cast %scan3A_328 : i32 to index
      %get3A_399 = arith.constant 64 : index
      %get3A_400 = tpu.vector_load %arg10[%get3A_397, %get3A_398, %get3A_399] {strides = array<i32>} : memref<3x128x128xf32, #tpu.memory_space<vmem>>, vector<16xf32>,
      %add3A_401 = arith.addf %get3A_395, %get3A_400 : vector<16xf32>
      %swap3A_402 = arith.constant 2 : i32
      %swap3A_403 = arith.index_cast %swap3A_402 : i32 to index
      %swap3A_404 = arith.index_cast %scan3A_328 : i32 to index
      %swap3A_405 = arith.constant 64 : index
      %swap3A_406 = tpu.vector_load %arg9[%swap3A_403, %swap3A_404, %swap3A_405] {strides = array<i32>} : memref<3x128x128xf32, #tpu.memory_space<vmem>>, vector<16xf32>,
      tpu.vector_store %arg9[%swap3A_403, %swap3A_404, %swap3A_405], %add3A_401 {strides = array<i32>} : memref<3x128x128xf32, #tpu.memory_space<vmem>>, vector<16xf32>,
      %get3A_407 = arith.constant 2 : i32
      %get3A_408 = arith.index_cast %get3A_407 : i32 to index
      %get3A_409 = arith.index_cast %scan3A_328 : i32 to index
      %get3A_410 = arith.constant 80 : index
      %get3A_411 = tpu.vector_load %arg9[%get3A_408, %get3A_409, %get3A_410] {strides = array<i32>} : memref<3x128x128xf32, #tpu.memory_space<vmem>>, vector<16xf32>,
      %get3A_412 = arith.constant 2 : i32
      %get3A_413 = arith.index_cast %get3A_412 : i32 to index
      %get3A_414 = arith.index_cast %scan3A_328 : i32 to index
      %get3A_415 = arith.constant 80 : index
      %get3A_416 = tpu.vector_load %arg10[%get3A_413, %get3A_414, %get3A_415] {strides = array<i32>} : memref<3x128x128xf32, #tpu.memory_space<vmem>>, vector<16xf32>,
      %add3A_417 = arith.addf %get3A_411, %get3A_416 : vector<16xf32>
      %swap3A_418 = arith.constant 2 : i32
      %swap3A_419 = arith.index_cast %swap3A_418 : i32 to index
      %swap3A_420 = arith.index_cast %scan3A_328 : i32 to index
      %swap3A_421 = arith.constant 80 : index
      %swap3A_422 = tpu.vector_load %arg9[%swap3A_419, %swap3A_420, %swap3A_421] {strides = array<i32>} : memref<3x128x128xf32, #tpu.memory_space<vmem>>, vector<16xf32>,
      tpu.vector_store %arg9[%swap3A_419, %swap3A_420, %swap3A_421], %add3A_417 {strides = array<i32>} : memref<3x128x128xf32, #tpu.memory_space<vmem>>, vector<16xf32>,
      %get3A_423 = arith.constant 2 : i32
      %get3A_424 = arith.index_cast %get3A_423 : i32 to index
      %get3A_425 = arith.index_cast %scan3A_328 : i32 to index
      %get3A_426 = arith.constant 96 : index
      %get3A_427 = tpu.vector_load %arg9[%get3A_424, %get3A_425, %get3A_426] {strides = array<i32>} : memref<3x128x128xf32, #tpu.memory_space<vmem>>, vector<16xf32>,
      %get3A_428 = arith.constant 2 : i32
      %get3A_429 = arith.index_cast %get3A_428 : i32 to index
      %get3A_430 = arith.index_cast %scan3A_328 : i32 to index
      %get3A_431 = arith.constant 96 : index
      %get3A_432 = tpu.vector_load %arg10[%get3A_429, %get3A_430, %get3A_431] {strides = array<i32>} : memref<3x128x128xf32, #tpu.memory_space<vmem>>, vector<16xf32>,
      %add3A_433 = arith.addf %get3A_427, %get3A_432 : vector<16xf32>
      %swap3A_434 = arith.constant 2 : i32
      %swap3A_435 = arith.index_cast %swap3A_434 : i32 to index
      %swap3A_436 = arith.index_cast %scan3A_328 : i32 to index
      %swap3A_437 = arith.constant 96 : index
      %swap3A_438 = tpu.vector_load %arg9[%swap3A_435, %swap3A_436, %swap3A_437] {strides = array<i32>} : memref<3x128x128xf32, #tpu.memory_space<vmem>>, vector<16xf32>,
      tpu.vector_store %arg9[%swap3A_435, %swap3A_436, %swap3A_437], %add3A_433 {strides = array<i32>} : memref<3x128x128xf32, #tpu.memory_space<vmem>>, vector<16xf32>,
      %get3A_439 = arith.constant 2 : i32
      %get3A_440 = arith.index_cast %get3A_439 : i32 to index
      %get3A_441 = arith.index_cast %scan3A_328 : i32 to index
      %get3A_442 = arith.constant 112 : index
      %get3A_443 = tpu.vector_load %arg9[%get3A_440, %get3A_441, %get3A_442] {strides = array<i32>} : memref<3x128x128xf32, #tpu.memory_space<vmem>>, vector<16xf32>,
      %get3A_444 = arith.constant 2 : i32
      %get3A_445 = arith.index_cast %get3A_444 : i32 to index
      %get3A_446 = arith.index_cast %scan3A_328 : i32 to index
      %get3A_447 = arith.constant 112 : index
      %get3A_448 = tpu.vector_load %arg10[%get3A_445, %get3A_446, %get3A_447] {strides = array<i32>} : memref<3x128x128xf32, #tpu.memory_space<vmem>>, vector<16xf32>,
      %add3A_449 = arith.addf %get3A_443, %get3A_448 : vector<16xf32>
      %swap3A_450 = arith.constant 2 : i32
      %swap3A_451 = arith.index_cast %swap3A_450 : i32 to index
      %swap3A_452 = arith.index_cast %scan3A_328 : i32 to index
      %swap3A_453 = arith.constant 112 : index
      %swap3A_454 = tpu.vector_load %arg9[%swap3A_451, %swap3A_452, %swap3A_453] {strides = array<i32>} : memref<3x128x128xf32, #tpu.memory_space<vmem>>, vector<16xf32>,
      tpu.vector_store %arg9[%swap3A_451, %swap3A_452, %swap3A_453], %add3A_449 {strides = array<i32>} : memref<3x128x128xf32, #tpu.memory_space<vmem>>, vector<16xf32>,
      %scan3A_455 = arith.constant 1 : i32
      %scan3A_456 = arith.addi %scan3A_328, %scan3A_455 : i32
      %get3A_457 = arith.constant 2 : i32
      %get3A_458 = arith.index_cast %get3A_457 : i32 to index
      %get3A_459 = arith.index_cast %scan3A_456 : i32 to index
      %get3A_460 = arith.constant 0 : index
      %get3A_461 = tpu.vector_load %arg9[%get3A_458, %get3A_459, %get3A_460] {strides = array<i32>} : memref<3x128x128xf32, #tpu.memory_space<vmem>>, vector<16xf32>,
      %get3A_462 = arith.constant 2 : i32
      %get3A_463 = arith.index_cast %get3A_462 : i32 to index
      %get3A_464 = arith.index_cast %scan3A_456 : i32 to index
      %get3A_465 = arith.constant 0 : index
      %get3A_466 = tpu.vector_load %arg10[%get3A_463, %get3A_464, %get3A_465] {strides = array<i32>} : memref<3x128x128xf32, #tpu.memory_space<vmem>>, vector<16xf32>,
      %add3A_467 = arith.addf %get3A_461, %get3A_466 : vector<16xf32>
      %swap3A_468 = arith.constant 2 : i32
      %swap3A_469 = arith.index_cast %swap3A_468 : i32 to index
      %swap3A_470 = arith.index_cast %scan3A_456 : i32 to index
      %swap3A_471 = arith.constant 0 : index
      %swap3A_472 = tpu.vector_load %arg9[%swap3A_469, %swap3A_470, %swap3A_471] {strides = array<i32>} : memref<3x128x128xf32, #tpu.memory_space<vmem>>, vector<16xf32>,
      tpu.vector_store %arg9[%swap3A_469, %swap3A_470, %swap3A_471], %add3A_467 {strides = array<i32>} : memref<3x128x128xf32, #tpu.memory_space<vmem>>, vector<16xf32>,
      %get3A_473 = arith.constant 2 : i32
      %get3A_474 = arith.index_cast %get3A_473 : i32 to index
      %get3A_475 = arith.index_cast %scan3A_456 : i32 to index
      %get3A_476 = arith.constant 16 : index
      %get3A_477 = tpu.vector_load %arg9[%get3A_474, %get3A_475, %get3A_476] {strides = array<i32>} : memref<3x128x128xf32, #tpu.memory_space<vmem>>, vector<16xf32>,
      %get3A_478 = arith.constant 2 : i32
      %get3A_479 = arith.index_cast %get3A_478 : i32 to index
      %get3A_480 = arith.index_cast %scan3A_456 : i32 to index
      %get3A_481 = arith.constant 16 : index
      %get3A_482 = tpu.vector_load %arg10[%get3A_479, %get3A_480, %get3A_481] {strides = array<i32>} : memref<3x128x128xf32, #tpu.memory_space<vmem>>, vector<16xf32>,
      %add3A_483 = arith.addf %get3A_477, %get3A_482 : vector<16xf32>
      %swap3A_484 = arith.constant 2 : i32
      %swap3A_485 = arith.index_cast %swap3A_484 : i32 to index
      %swap3A_486 = arith.index_cast %scan3A_456 : i32 to index
      %swap3A_487 = arith.constant 16 : index
      %swap3A_488 = tpu.vector_load %arg9[%swap3A_485, %swap3A_486, %swap3A_487] {strides = array<i32>} : memref<3x128x128xf32, #tpu.memory_space<vmem>>, vector<16xf32>,
      tpu.vector_store %arg9[%swap3A_485, %swap3A_486, %swap3A_487], %add3A_483 {strides = array<i32>} : memref<3x128x128xf32, #tpu.memory_space<vmem>>, vector<16xf32>,
      %get3A_489 = arith.constant 2 : i32
      %get3A_490 = arith.index_cast %get3A_489 : i32 to index
      %get3A_491 = arith.index_cast %scan3A_456 : i32 to index
      %get3A_492 = arith.constant 32 : index
      %get3A_493 = tpu.vector_load %arg9[%get3A_490, %get3A_491, %get3A_492] {strides = array<i32>} : memref<3x128x128xf32, #tpu.memory_space<vmem>>, vector<16xf32>,
      %get3A_494 = arith.constant 2 : i32
      %get3A_495 = arith.index_cast %get3A_494 : i32 to index
      %get3A_496 = arith.index_cast %scan3A_456 : i32 to index
      %get3A_497 = arith.constant 32 : index
      %get3A_498 = tpu.vector_load %arg10[%get3A_495, %get3A_496, %get3A_497] {strides = array<i32>} : memref<3x128x128xf32, #tpu.memory_space<vmem>>, vector<16xf32>,
      %add3A_499 = arith.addf %get3A_493, %get3A_498 : vector<16xf32>
      %swap3A_500 = arith.constant 2 : i32
      %swap3A_501 = arith.index_cast %swap3A_500 : i32 to index
      %swap3A_502 = arith.index_cast %scan3A_456 : i32 to index
      %swap3A_503 = arith.constant 32 : index
      %swap3A_504 = tpu.vector_load %arg9[%swap3A_501, %swap3A_502, %swap3A_503] {strides = array<i32>} : memref<3x128x128xf32, #tpu.memory_space<vmem>>, vector<16xf32>,
      tpu.vector_store %arg9[%swap3A_501, %swap3A_502, %swap3A_503], %add3A_499 {strides = array<i32>} : memref<3x128x128xf32, #tpu.memory_space<vmem>>, vector<16xf32>,
      %get3A_505 = arith.constant 2 : i32
      %get3A_506 = arith.index_cast %get3A_505 : i32 to index
      %get3A_507 = arith.index_cast %scan3A_456 : i32 to index
      %get3A_508 = arith.constant 48 : index
      %get3A_509 = tpu.vector_load %arg9[%get3A_506, %get3A_507, %get3A_508] {strides = array<i32>} : memref<3x128x128xf32, #tpu.memory_space<vmem>>, vector<16xf32>,
      %get3A_510 = arith.constant 2 : i32
      %get3A_511 = arith.index_cast %get3A_510 : i32 to index
      %get3A_512 = arith.index_cast %scan3A_456 : i32 to index
      %get3A_513 = arith.constant 48 : index
      %get3A_514 = tpu.vector_load %arg10[%get3A_511, %get3A_512, %get3A_513] {strides = array<i32>} : memref<3x128x128xf32, #tpu.memory_space<vmem>>, vector<16xf32>,
      %add3A_515 = arith.addf %get3A_509, %get3A_514 : vector<16xf32>
      %swap3A_516 = arith.constant 2 : i32
      %swap3A_517 = arith.index_cast %swap3A_516 : i32 to index
      %swap3A_518 = arith.index_cast %scan3A_456 : i32 to index
      %swap3A_519 = arith.constant 48 : index
      %swap3A_520 = tpu.vector_load %arg9[%swap3A_517, %swap3A_518, %swap3A_519] {strides = array<i32>} : memref<3x128x128xf32, #tpu.memory_space<vmem>>, vector<16xf32>,
      tpu.vector_store %arg9[%swap3A_517, %swap3A_518, %swap3A_519], %add3A_515 {strides = array<i32>} : memref<3x128x128xf32, #tpu.memory_space<vmem>>, vector<16xf32>,
      %get3A_521 = arith.constant 2 : i32
      %get3A_522 = arith.index_cast %get3A_521 : i32 to index
      %get3A_523 = arith.index_cast %scan3A_456 : i32 to index
      %get3A_524 = arith.constant 64 : index
      %get3A_525 = tpu.vector_load %arg9[%get3A_522, %get3A_523, %get3A_524] {strides = array<i32>} : memref<3x128x128xf32, #tpu.memory_space<vmem>>, vector<16xf32>,
      %get3A_526 = arith.constant 2 : i32
      %get3A_527 = arith.index_cast %get3A_526 : i32 to index
      %get3A_528 = arith.index_cast %scan3A_456 : i32 to index
      %get3A_529 = arith.constant 64 : index
      %get3A_530 = tpu.vector_load %arg10[%get3A_527, %get3A_528, %get3A_529] {strides = array<i32>} : memref<3x128x128xf32, #tpu.memory_space<vmem>>, vector<16xf32>,
      %add3A_531 = arith.addf %get3A_525, %get3A_530 : vector<16xf32>
      %swap3A_532 = arith.constant 2 : i32
      %swap3A_533 = arith.index_cast %swap3A_532 : i32 to index
      %swap3A_534 = arith.index_cast %scan3A_456 : i32 to index
      %swap3A_535 = arith.constant 64 : index
      %swap3A_536 = tpu.vector_load %arg9[%swap3A_533, %swap3A_534, %swap3A_535] {strides = array<i32>} : memref<3x128x128xf32, #tpu.memory_space<vmem>>, vector<16xf32>,
      tpu.vector_store %arg9[%swap3A_533, %swap3A_534, %swap3A_535], %add3A_531 {strides = array<i32>} : memref<3x128x128xf32, #tpu.memory_space<vmem>>, vector<16xf32>,
      %get3A_537 = arith.constant 2 : i32
      %get3A_538 = arith.index_cast %get3A_537 : i32 to index
      %get3A_539 = arith.index_cast %scan3A_456 : i32 to index
      %get3A_540 = arith.constant 80 : index
      %get3A_541 = tpu.vector_load %arg9[%get3A_538, %get3A_539, %get3A_540] {strides = array<i32>} : memref<3x128x128xf32, #tpu.memory_space<vmem>>, vector<16xf32>,
      %get3A_542 = arith.constant 2 : i32
      %get3A_543 = arith.index_cast %get3A_542 : i32 to index
      %get3A_544 = arith.index_cast %scan3A_456 : i32 to index
      %get3A_545 = arith.constant 80 : index
      %get3A_546 = tpu.vector_load %arg10[%get3A_543, %get3A_544, %get3A_545] {strides = array<i32>} : memref<3x128x128xf32, #tpu.memory_space<vmem>>, vector<16xf32>,
      %add3A_547 = arith.addf %get3A_541, %get3A_546 : vector<16xf32>
      %swap3A_548 = arith.constant 2 : i32
      %swap3A_549 = arith.index_cast %swap3A_548 : i32 to index
      %swap3A_550 = arith.index_cast %scan3A_456 : i32 to index
      %swap3A_551 = arith.constant 80 : index
      %swap3A_552 = tpu.vector_load %arg9[%swap3A_549, %swap3A_550, %swap3A_551] {strides = array<i32>} : memref<3x128x128xf32, #tpu.memory_space<vmem>>, vector<16xf32>,
      tpu.vector_store %arg9[%swap3A_549, %swap3A_550, %swap3A_551], %add3A_547 {strides = array<i32>} : memref<3x128x128xf32, #tpu.memory_space<vmem>>, vector<16xf32>,
      %get3A_553 = arith.constant 2 : i32
      %get3A_554 = arith.index_cast %get3A_553 : i32 to index
      %get3A_555 = arith.index_cast %scan3A_456 : i32 to index
      %get3A_556 = arith.constant 96 : index
      %get3A_557 = tpu.vector_load %arg9[%get3A_554, %get3A_555, %get3A_556] {strides = array<i32>} : memref<3x128x128xf32, #tpu.memory_space<vmem>>, vector<16xf32>,
      %get3A_558 = arith.constant 2 : i32
      %get3A_559 = arith.index_cast %get3A_558 : i32 to index
      %get3A_560 = arith.index_cast %scan3A_456 : i32 to index
      %get3A_561 = arith.constant 96 : index
      %get3A_562 = tpu.vector_load %arg10[%get3A_559, %get3A_560, %get3A_561] {strides = array<i32>} : memref<3x128x128xf32, #tpu.memory_space<vmem>>, vector<16xf32>,
      %add3A_563 = arith.addf %get3A_557, %get3A_562 : vector<16xf32>
      %swap3A_564 = arith.constant 2 : i32
      %swap3A_565 = arith.index_cast %swap3A_564 : i32 to index
      %swap3A_566 = arith.index_cast %scan3A_456 : i32 to index
      %swap3A_567 = arith.constant 96 : index
      %swap3A_568 = tpu.vector_load %arg9[%swap3A_565, %swap3A_566, %swap3A_567] {strides = array<i32>} : memref<3x128x128xf32, #tpu.memory_space<vmem>>, vector<16xf32>,
      tpu.vector_store %arg9[%swap3A_565, %swap3A_566, %swap3A_567], %add3A_563 {strides = array<i32>} : memref<3x128x128xf32, #tpu.memory_space<vmem>>, vector<16xf32>,
      %get3A_569 = arith.constant 2 : i32
      %get3A_570 = arith.index_cast %get3A_569 : i32 to index
      %get3A_571 = arith.index_cast %scan3A_456 : i32 to index
      %get3A_572 = arith.constant 112 : index
      %get3A_573 = tpu.vector_load %arg9[%get3A_570, %get3A_571, %get3A_572] {strides = array<i32>} : memref<3x128x128xf32, #tpu.memory_space<vmem>>, vector<16xf32>,
      %get3A_574 = arith.constant 2 : i32
      %get3A_575 = arith.index_cast %get3A_574 : i32 to index
      %get3A_576 = arith.index_cast %scan3A_456 : i32 to index
      %get3A_577 = arith.constant 112 : index
      %get3A_578 = tpu.vector_load %arg10[%get3A_575, %get3A_576, %get3A_577] {strides = array<i32>} : memref<3x128x128xf32, #tpu.memory_space<vmem>>, vector<16xf32>,
      %add3A_579 = arith.addf %get3A_573, %get3A_578 : vector<16xf32>
      %swap3A_580 = arith.constant 2 : i32
      %swap3A_581 = arith.index_cast %swap3A_580 : i32 to index
      %swap3A_582 = arith.index_cast %scan3A_456 : i32 to index
      %swap3A_583 = arith.constant 112 : index
      %swap3A_584 = tpu.vector_load %arg9[%swap3A_581, %swap3A_582, %swap3A_583] {strides = array<i32>} : memref<3x128x128xf32, #tpu.memory_space<vmem>>, vector<16xf32>,
      tpu.vector_store %arg9[%swap3A_581, %swap3A_582, %swap3A_583], %add3A_579 {strides = array<i32>} : memref<3x128x128xf32, #tpu.memory_space<vmem>>, vector<16xf32>,
      %scan3A_585 = arith.constant 2 : i32
      %scan3A_586 = arith.addi %scan3A_328, %scan3A_585 : i32
      %get3A_587 = arith.constant 2 : i32
      %get3A_588 = arith.index_cast %get3A_587 : i32 to index
      %get3A_589 = arith.index_cast %scan3A_586 : i32 to index
      %get3A_590 = arith.constant 0 : index
      %get3A_591 = tpu.vector_load %arg9[%get3A_588, %get3A_589, %get3A_590] {strides = array<i32>} : memref<3x128x128xf32, #tpu.memory_space<vmem>>, vector<16xf32>,
      %get3A_592 = arith.constant 2 : i32
      %get3A_593 = arith.index_cast %get3A_592 : i32 to index
      %get3A_594 = arith.index_cast %scan3A_586 : i32 to index
      %get3A_595 = arith.constant 0 : index
      %get3A_596 = tpu.vector_load %arg10[%get3A_593, %get3A_594, %get3A_595] {strides = array<i32>} : memref<3x128x128xf32, #tpu.memory_space<vmem>>, vector<16xf32>,
      %add3A_597 = arith.addf %get3A_591, %get3A_596 : vector<16xf32>
      %swap3A_598 = arith.constant 2 : i32
      %swap3A_599 = arith.index_cast %swap3A_598 : i32 to index
      %swap3A_600 = arith.index_cast %scan3A_586 : i32 to index
      %swap3A_601 = arith.constant 0 : index
      %swap3A_602 = tpu.vector_load %arg9[%swap3A_599, %swap3A_600, %swap3A_601] {strides = array<i32>} : memref<3x128x128xf32, #tpu.memory_space<vmem>>, vector<16xf32>,
      tpu.vector_store %arg9[%swap3A_599, %swap3A_600, %swap3A_601], %add3A_597 {strides = array<i32>} : memref<3x128x128xf32, #tpu.memory_space<vmem>>, vector<16xf32>,
      %get3A_603 = arith.constant 2 : i32
      %get3A_604 = arith.index_cast %get3A_603 : i32 to index
      %get3A_605 = arith.index_cast %scan3A_586 : i32 to index
      %get3A_606 = arith.constant 16 : index
      %get3A_607 = tpu.vector_load %arg9[%get3A_604, %get3A_605, %get3A_606] {strides = array<i32>} : memref<3x128x128xf32, #tpu.memory_space<vmem>>, vector<16xf32>,
      %get3A_608 = arith.constant 2 : i32
      %get3A_609 = arith.index_cast %get3A_608 : i32 to index
      %get3A_610 = arith.index_cast %scan3A_586 : i32 to index
      %get3A_611 = arith.constant 16 : index
      %get3A_612 = tpu.vector_load %arg10[%get3A_609, %get3A_610, %get3A_611] {strides = array<i32>} : memref<3x128x128xf32, #tpu.memory_space<vmem>>, vector<16xf32>,
      %add3A_613 = arith.addf %get3A_607, %get3A_612 : vector<16xf32>
      %swap3A_614 = arith.constant 2 : i32
      %swap3A_615 = arith.index_cast %swap3A_614 : i32 to index
      %swap3A_616 = arith.index_cast %scan3A_586 : i32 to index
      %swap3A_617 = arith.constant 16 : index
      %swap3A_618 = tpu.vector_load %arg9[%swap3A_615, %swap3A_616, %swap3A_617] {strides = array<i32>} : memref<3x128x128xf32, #tpu.memory_space<vmem>>, vector<16xf32>,
      tpu.vector_store %arg9[%swap3A_615, %swap3A_616, %swap3A_617], %add3A_613 {strides = array<i32>} : memref<3x128x128xf32, #tpu.memory_space<vmem>>, vector<16xf32>,
      %get3A_619 = arith.constant 2 : i32
      %get3A_620 = arith.index_cast %get3A_619 : i32 to index
      %get3A_621 = arith.index_cast %scan3A_586 : i32 to index
      %get3A_622 = arith.constant 32 : index
      %get3A_623 = tpu.vector_load %arg9[%get3A_620, %get3A_621, %get3A_622] {strides = array<i32>} : memref<3x128x128xf32, #tpu.memory_space<vmem>>, vector<16xf32>,
      %get3A_624 = arith.constant 2 : i32
      %get3A_625 = arith.index_cast %get3A_624 : i32 to index
      %get3A_626 = arith.index_cast %scan3A_586 : i32 to index
      %get3A_627 = arith.constant 32 : index
      %get3A_628 = tpu.vector_load %arg10[%get3A_625, %get3A_626, %get3A_627] {strides = array<i32>} : memref<3x128x128xf32, #tpu.memory_space<vmem>>, vector<16xf32>,
      %add3A_629 = arith.addf %get3A_623, %get3A_628 : vector<16xf32>
      %swap3A_630 = arith.constant 2 : i32
      %swap3A_631 = arith.index_cast %swap3A_630 : i32 to index
      %swap3A_632 = arith.index_cast %scan3A_586 : i32 to index
      %swap3A_633 = arith.constant 32 : index
      %swap3A_634 = tpu.vector_load %arg9[%swap3A_631, %swap3A_632, %swap3A_633] {strides = array<i32>} : memref<3x128x128xf32, #tpu.memory_space<vmem>>, vector<16xf32>,
      tpu.vector_store %arg9[%swap3A_631, %swap3A_632, %swap3A_633], %add3A_629 {strides = array<i32>} : memref<3x128x128xf32, #tpu.memory_space<vmem>>, vector<16xf32>,
      %get3A_635 = arith.constant 2 : i32
      %get3A_636 = arith.index_cast %get3A_635 : i32 to index
      %get3A_637 = arith.index_cast %scan3A_586 : i32 to index
      %get3A_638 = arith.constant 48 : index
      %get3A_639 = tpu.vector_load %arg9[%get3A_636, %get3A_637, %get3A_638] {strides = array<i32>} : memref<3x128x128xf32, #tpu.memory_space<vmem>>, vector<16xf32>,
      %get3A_640 = arith.constant 2 : i32
      %get3A_641 = arith.index_cast %get3A_640 : i32 to index
      %get3A_642 = arith.index_cast %scan3A_586 : i32 to index
      %get3A_643 = arith.constant 48 : index
      %get3A_644 = tpu.vector_load %arg10[%get3A_641, %get3A_642, %get3A_643] {strides = array<i32>} : memref<3x128x128xf32, #tpu.memory_space<vmem>>, vector<16xf32>,
      %add3A_645 = arith.addf %get3A_639, %get3A_644 : vector<16xf32>
      %swap3A_646 = arith.constant 2 : i32
      %swap3A_647 = arith.index_cast %swap3A_646 : i32 to index
      %swap3A_648 = arith.index_cast %scan3A_586 : i32 to index
      %swap3A_649 = arith.constant 48 : index
      %swap3A_650 = tpu.vector_load %arg9[%swap3A_647, %swap3A_648, %swap3A_649] {strides = array<i32>} : memref<3x128x128xf32, #tpu.memory_space<vmem>>, vector<16xf32>,
      tpu.vector_store %arg9[%swap3A_647, %swap3A_648, %swap3A_649], %add3A_645 {strides = array<i32>} : memref<3x128x128xf32, #tpu.memory_space<vmem>>, vector<16xf32>,
      %get3A_651 = arith.constant 2 : i32
      %get3A_652 = arith.index_cast %get3A_651 : i32 to index
      %get3A_653 = arith.index_cast %scan3A_586 : i32 to index
      %get3A_654 = arith.constant 64 : index
      %get3A_655 = tpu.vector_load %arg9[%get3A_652, %get3A_653, %get3A_654] {strides = array<i32>} : memref<3x128x128xf32, #tpu.memory_space<vmem>>, vector<16xf32>,
      %get3A_656 = arith.constant 2 : i32
      %get3A_657 = arith.index_cast %get3A_656 : i32 to index
      %get3A_658 = arith.index_cast %scan3A_586 : i32 to index
      %get3A_659 = arith.constant 64 : index
      %get3A_660 = tpu.vector_load %arg10[%get3A_657, %get3A_658, %get3A_659] {strides = array<i32>} : memref<3x128x128xf32, #tpu.memory_space<vmem>>, vector<16xf32>,
      %add3A_661 = arith.addf %get3A_655, %get3A_660 : vector<16xf32>
      %swap3A_662 = arith.constant 2 : i32
      %swap3A_663 = arith.index_cast %swap3A_662 : i32 to index
      %swap3A_664 = arith.index_cast %scan3A_586 : i32 to index
      %swap3A_665 = arith.constant 64 : index
      %swap3A_666 = tpu.vector_load %arg9[%swap3A_663, %swap3A_664, %swap3A_665] {strides = array<i32>} : memref<3x128x128xf32, #tpu.memory_space<vmem>>, vector<16xf32>,
      tpu.vector_store %arg9[%swap3A_663, %swap3A_664, %swap3A_665], %add3A_661 {strides = array<i32>} : memref<3x128x128xf32, #tpu.memory_space<vmem>>, vector<16xf32>,
      %get3A_667 = arith.constant 2 : i32
      %get3A_668 = arith.index_cast %get3A_667 : i32 to index
      %get3A_669 = arith.index_cast %scan3A_586 : i32 to index
      %get3A_670 = arith.constant 80 : index
      %get3A_671 = tpu.vector_load %arg9[%get3A_668, %get3A_669, %get3A_670] {strides = array<i32>} : memref<3x128x128xf32, #tpu.memory_space<vmem>>, vector<16xf32>,
      %get3A_672 = arith.constant 2 : i32
      %get3A_673 = arith.index_cast %get3A_672 : i32 to index
      %get3A_674 = arith.index_cast %scan3A_586 : i32 to index
      %get3A_675 = arith.constant 80 : index
      %get3A_676 = tpu.vector_load %arg10[%get3A_673, %get3A_674, %get3A_675] {strides = array<i32>} : memref<3x128x128xf32, #tpu.memory_space<vmem>>, vector<16xf32>,
      %add3A_677 = arith.addf %get3A_671, %get3A_676 : vector<16xf32>
      %swap3A_678 = arith.constant 2 : i32
      %swap3A_679 = arith.index_cast %swap3A_678 : i32 to index
      %swap3A_680 = arith.index_cast %scan3A_586 : i32 to index
      %swap3A_681 = arith.constant 80 : index
      %swap3A_682 = tpu.vector_load %arg9[%swap3A_679, %swap3A_680, %swap3A_681] {strides = array<i32>} : memref<3x128x128xf32, #tpu.memory_space<vmem>>, vector<16xf32>,
      tpu.vector_store %arg9[%swap3A_679, %swap3A_680, %swap3A_681], %add3A_677 {strides = array<i32>} : memref<3x128x128xf32, #tpu.memory_space<vmem>>, vector<16xf32>,
      %get3A_683 = arith.constant 2 : i32
      %get3A_684 = arith.index_cast %get3A_683 : i32 to index
      %get3A_685 = arith.index_cast %scan3A_586 : i32 to index
      %get3A_686 = arith.constant 96 : index
      %get3A_687 = tpu.vector_load %arg9[%get3A_684, %get3A_685, %get3A_686] {strides = array<i32>} : memref<3x128x128xf32, #tpu.memory_space<vmem>>, vector<16xf32>,
      %get3A_688 = arith.constant 2 : i32
      %get3A_689 = arith.index_cast %get3A_688 : i32 to index
      %get3A_690 = arith.index_cast %scan3A_586 : i32 to index
      %get3A_691 = arith.constant 96 : index
      %get3A_692 = tpu.vector_load %arg10[%get3A_689, %get3A_690, %get3A_691] {strides = array<i32>} : memref<3x128x128xf32, #tpu.memory_space<vmem>>, vector<16xf32>,
      %add3A_693 = arith.addf %get3A_687, %get3A_692 : vector<16xf32>
      %swap3A_694 = arith.constant 2 : i32
      %swap3A_695 = arith.index_cast %swap3A_694 : i32 to index
      %swap3A_696 = arith.index_cast %scan3A_586 : i32 to index
      %swap3A_697 = arith.constant 96 : index
      %swap3A_698 = tpu.vector_load %arg9[%swap3A_695, %swap3A_696, %swap3A_697] {strides = array<i32>} : memref<3x128x128xf32, #tpu.memory_space<vmem>>, vector<16xf32>,
      tpu.vector_store %arg9[%swap3A_695, %swap3A_696, %swap3A_697], %add3A_693 {strides = array<i32>} : memref<3x128x128xf32, #tpu.memory_space<vmem>>, vector<16xf32>,
      %get3A_699 = arith.constant 2 : i32
      %get3A_700 = arith.index_cast %get3A_699 : i32 to index
      %get3A_701 = arith.index_cast %scan3A_586 : i32 to index
      %get3A_702 = arith.constant 112 : index
      %get3A_703 = tpu.vector_load %arg9[%get3A_700, %get3A_701, %get3A_702] {strides = array<i32>} : memref<3x128x128xf32, #tpu.memory_space<vmem>>, vector<16xf32>,
      %get3A_704 = arith.constant 2 : i32
      %get3A_705 = arith.index_cast %get3A_704 : i32 to index
      %get3A_706 = arith.index_cast %scan3A_586 : i32 to index
      %get3A_707 = arith.constant 112 : index
      %get3A_708 = tpu.vector_load %arg10[%get3A_705, %get3A_706, %get3A_707] {strides = array<i32>} : memref<3x128x128xf32, #tpu.memory_space<vmem>>, vector<16xf32>,
      %add3A_709 = arith.addf %get3A_703, %get3A_708 : vector<16xf32>
      %swap3A_710 = arith.constant 2 : i32
      %swap3A_711 = arith.index_cast %swap3A_710 : i32 to index
      %swap3A_712 = arith.index_cast %scan3A_586 : i32 to index
      %swap3A_713 = arith.constant 112 : index
      %swap3A_714 = tpu.vector_load %arg9[%swap3A_711, %swap3A_712, %swap3A_713] {strides = array<i32>} : memref<3x128x128xf32, #tpu.memory_space<vmem>>, vector<16xf32>,
      tpu.vector_store %arg9[%swap3A_711, %swap3A_712, %swap3A_713], %add3A_709 {strides = array<i32>} : memref<3x128x128xf32, #tpu.memory_space<vmem>>, vector<16xf32>,
      %scan3A_715 = arith.constant 3 : i32
      %scan3A_716 = arith.addi %scan3A_328, %scan3A_715 : i32
      %get3A_717 = arith.constant 2 : i32
      %get3A_718 = arith.index_cast %get3A_717 : i32 to index
      %get3A_719 = arith.index_cast %scan3A_716 : i32 to index
      %get3A_720 = arith.constant 0 : index
      %get3A_721 = tpu.vector_load %arg9[%get3A_718, %get3A_719, %get3A_720] {strides = array<i32>} : memref<3x128x128xf32, #tpu.memory_space<vmem>>, vector<16xf32>,
      %get3A_722 = arith.constant 2 : i32
      %get3A_723 = arith.index_cast %get3A_722 : i32 to index
      %get3A_724 = arith.index_cast %scan3A_716 : i32 to index
      %get3A_725 = arith.constant 0 : index
      %get3A_726 = tpu.vector_load %arg10[%get3A_723, %get3A_724, %get3A_725] {strides = array<i32>} : memref<3x128x128xf32, #tpu.memory_space<vmem>>, vector<16xf32>,
      %add3A_727 = arith.addf %get3A_721, %get3A_726 : vector<16xf32>
      %swap3A_728 = arith.constant 2 : i32
      %swap3A_729 = arith.index_cast %swap3A_728 : i32 to index
      %swap3A_730 = arith.index_cast %scan3A_716 : i32 to index
      %swap3A_731 = arith.constant 0 : index
      %swap3A_732 = tpu.vector_load %arg9[%swap3A_729, %swap3A_730, %swap3A_731] {strides = array<i32>} : memref<3x128x128xf32, #tpu.memory_space<vmem>>, vector<16xf32>,
      tpu.vector_store %arg9[%swap3A_729, %swap3A_730, %swap3A_731], %add3A_727 {strides = array<i32>} : memref<3x128x128xf32, #tpu.memory_space<vmem>>, vector<16xf32>,
      %get3A_733 = arith.constant 2 : i32
      %get3A_734 = arith.index_cast %get3A_733 : i32 to index
      %get3A_735 = arith.index_cast %scan3A_716 : i32 to index
      %get3A_736 = arith.constant 16 : index
      %get3A_737 = tpu.vector_load %arg9[%get3A_734, %get3A_735, %get3A_736] {strides = array<i32>} : memref<3x128x128xf32, #tpu.memory_space<vmem>>, vector<16xf32>,
      %get3A_738 = arith.constant 2 : i32
      %get3A_739 = arith.index_cast %get3A_738 : i32 to index
      %get3A_740 = arith.index_cast %scan3A_716 : i32 to index
      %get3A_741 = arith.constant 16 : index
      %get3A_742 = tpu.vector_load %arg10[%get3A_739, %get3A_740, %get3A_741] {strides = array<i32>} : memref<3x128x128xf32, #tpu.memory_space<vmem>>, vector<16xf32>,
      %add3A_743 = arith.addf %get3A_737, %get3A_742 : vector<16xf32>
      %swap3A_744 = arith.constant 2 : i32
      %swap3A_745 = arith.index_cast %swap3A_744 : i32 to index
      %swap3A_746 = arith.index_cast %scan3A_716 : i32 to index
      %swap3A_747 = arith.constant 16 : index
      %swap3A_748 = tpu.vector_load %arg9[%swap3A_745, %swap3A_746, %swap3A_747] {strides = array<i32>} : memref<3x128x128xf32, #tpu.memory_space<vmem>>, vector<16xf32>,
      tpu.vector_store %arg9[%swap3A_745, %swap3A_746, %swap3A_747], %add3A_743 {strides = array<i32>} : memref<3x128x128xf32, #tpu.memory_space<vmem>>, vector<16xf32>,
      %get3A_749 = arith.constant 2 : i32
      %get3A_750 = arith.index_cast %get3A_749 : i32 to index
      %get3A_751 = arith.index_cast %scan3A_716 : i32 to index
      %get3A_752 = arith.constant 32 : index
      %get3A_753 = tpu.vector_load %arg9[%get3A_750, %get3A_751, %get3A_752] {strides = array<i32>} : memref<3x128x128xf32, #tpu.memory_space<vmem>>, vector<16xf32>,
      %get3A_754 = arith.constant 2 : i32
      %get3A_755 = arith.index_cast %get3A_754 : i32 to index
      %get3A_756 = arith.index_cast %scan3A_716 : i32 to index
      %get3A_757 = arith.constant 32 : index
      %get3A_758 = tpu.vector_load %arg10[%get3A_755, %get3A_756, %get3A_757] {strides = array<i32>} : memref<3x128x128xf32, #tpu.memory_space<vmem>>, vector<16xf32>,
      %add3A_759 = arith.addf %get3A_753, %get3A_758 : vector<16xf32>
      %swap3A_760 = arith.constant 2 : i32
      %swap3A_761 = arith.index_cast %swap3A_760 : i32 to index
      %swap3A_762 = arith.index_cast %scan3A_716 : i32 to index
      %swap3A_763 = arith.constant 32 : index
      %swap3A_764 = tpu.vector_load %arg9[%swap3A_761, %swap3A_762, %swap3A_763] {strides = array<i32>} : memref<3x128x128xf32, #tpu.memory_space<vmem>>, vector<16xf32>,
      tpu.vector_store %arg9[%swap3A_761, %swap3A_762, %swap3A_763], %add3A_759 {strides = array<i32>} : memref<3x128x128xf32, #tpu.memory_space<vmem>>, vector<16xf32>,
      %get3A_765 = arith.constant 2 : i32
      %get3A_766 = arith.index_cast %get3A_765 : i32 to index
      %get3A_767 = arith.index_cast %scan3A_716 : i32 to index
      %get3A_768 = arith.constant 48 : index
      %get3A_769 = tpu.vector_load %arg9[%get3A_766, %get3A_767, %get3A_768] {strides = array<i32>} : memref<3x128x128xf32, #tpu.memory_space<vmem>>, vector<16xf32>,
      %get3A_770 = arith.constant 2 : i32
      %get3A_771 = arith.index_cast %get3A_770 : i32 to index
      %get3A_772 = arith.index_cast %scan3A_716 : i32 to index
      %get3A_773 = arith.constant 48 : index
      %get3A_774 = tpu.vector_load %arg10[%get3A_771, %get3A_772, %get3A_773] {strides = array<i32>} : memref<3x128x128xf32, #tpu.memory_space<vmem>>, vector<16xf32>,
      %add3A_775 = arith.addf %get3A_769, %get3A_774 : vector<16xf32>
      %swap3A_776 = arith.constant 2 : i32
      %swap3A_777 = arith.index_cast %swap3A_776 : i32 to index
      %swap3A_778 = arith.index_cast %scan3A_716 : i32 to index
      %swap3A_779 = arith.constant 48 : index
      %swap3A_780 = tpu.vector_load %arg9[%swap3A_777, %swap3A_778, %swap3A_779] {strides = array<i32>} : memref<3x128x128xf32, #tpu.memory_space<vmem>>, vector<16xf32>,
      tpu.vector_store %arg9[%swap3A_777, %swap3A_778, %swap3A_779], %add3A_775 {strides = array<i32>} : memref<3x128x128xf32, #tpu.memory_space<vmem>>, vector<16xf32>,
      %get3A_781 = arith.constant 2 : i32
      %get3A_782 = arith.index_cast %get3A_781 : i32 to index
      %get3A_783 = arith.index_cast %scan3A_716 : i32 to index
      %get3A_784 = arith.constant 64 : index
      %get3A_785 = tpu.vector_load %arg9[%get3A_782, %get3A_783, %get3A_784] {strides = array<i32>} : memref<3x128x128xf32, #tpu.memory_space<vmem>>, vector<16xf32>,
      %get3A_786 = arith.constant 2 : i32
      %get3A_787 = arith.index_cast %get3A_786 : i32 to index
      %get3A_788 = arith.index_cast %scan3A_716 : i32 to index
      %get3A_789 = arith.constant 64 : index
      %get3A_790 = tpu.vector_load %arg10[%get3A_787, %get3A_788, %get3A_789] {strides = array<i32>} : memref<3x128x128xf32, #tpu.memory_space<vmem>>, vector<16xf32>,
      %add3A_791 = arith.addf %get3A_785, %get3A_790 : vector<16xf32>
      %swap3A_792 = arith.constant 2 : i32
      %swap3A_793 = arith.index_cast %swap3A_792 : i32 to index
      %swap3A_794 = arith.index_cast %scan3A_716 : i32 to index
      %swap3A_795 = arith.constant 64 : index
      %swap3A_796 = tpu.vector_load %arg9[%swap3A_793, %swap3A_794, %swap3A_795] {strides = array<i32>} : memref<3x128x128xf32, #tpu.memory_space<vmem>>, vector<16xf32>,
      tpu.vector_store %arg9[%swap3A_793, %swap3A_794, %swap3A_795], %add3A_791 {strides = array<i32>} : memref<3x128x128xf32, #tpu.memory_space<vmem>>, vector<16xf32>,
      %get3A_797 = arith.constant 2 : i32
      %get3A_798 = arith.index_cast %get3A_797 : i32 to index
      %get3A_799 = arith.index_cast %scan3A_716 : i32 to index
      %get3A_800 = arith.constant 80 : index
      %get3A_801 = tpu.vector_load %arg9[%get3A_798, %get3A_799, %get3A_800] {strides = array<i32>} : memref<3x128x128xf32, #tpu.memory_space<vmem>>, vector<16xf32>,
      %get3A_802 = arith.constant 2 : i32
      %get3A_803 = arith.index_cast %get3A_802 : i32 to index
      %get3A_804 = arith.index_cast %scan3A_716 : i32 to index
      %get3A_805 = arith.constant 80 : index
      %get3A_806 = tpu.vector_load %arg10[%get3A_803, %get3A_804, %get3A_805] {strides = array<i32>} : memref<3x128x128xf32, #tpu.memory_space<vmem>>, vector<16xf32>,
      %add3A_807 = arith.addf %get3A_801, %get3A_806 : vector<16xf32>
      %swap3A_808 = arith.constant 2 : i32
      %swap3A_809 = arith.index_cast %swap3A_808 : i32 to index
      %swap3A_810 = arith.index_cast %scan3A_716 : i32 to index
      %swap3A_811 = arith.constant 80 : index
      %swap3A_812 = tpu.vector_load %arg9[%swap3A_809, %swap3A_810, %swap3A_811] {strides = array<i32>} : memref<3x128x128xf32, #tpu.memory_space<vmem>>, vector<16xf32>,
      tpu.vector_store %arg9[%swap3A_809, %swap3A_810, %swap3A_811], %add3A_807 {strides = array<i32>} : memref<3x128x128xf32, #tpu.memory_space<vmem>>, vector<16xf32>,
      %get3A_813 = arith.constant 2 : i32
      %get3A_814 = arith.index_cast %get3A_813 : i32 to index
      %get3A_815 = arith.index_cast %scan3A_716 : i32 to index
      %get3A_816 = arith.constant 96 : index
      %get3A_817 = tpu.vector_load %arg9[%get3A_814, %get3A_815, %get3A_816] {strides = array<i32>} : memref<3x128x128xf32, #tpu.memory_space<vmem>>, vector<16xf32>,
      %get3A_818 = arith.constant 2 : i32
      %get3A_819 = arith.index_cast %get3A_818 : i32 to index
      %get3A_820 = arith.index_cast %scan3A_716 : i32 to index
      %get3A_821 = arith.constant 96 : index
      %get3A_822 = tpu.vector_load %arg10[%get3A_819, %get3A_820, %get3A_821] {strides = array<i32>} : memref<3x128x128xf32, #tpu.memory_space<vmem>>, vector<16xf32>,
      %add3A_823 = arith.addf %get3A_817, %get3A_822 : vector<16xf32>
      %swap3A_824 = arith.constant 2 : i32
      %swap3A_825 = arith.index_cast %swap3A_824 : i32 to index
      %swap3A_826 = arith.index_cast %scan3A_716 : i32 to index
      %swap3A_827 = arith.constant 96 : index
      %swap3A_828 = tpu.vector_load %arg9[%swap3A_825, %swap3A_826, %swap3A_827] {strides = array<i32>} : memref<3x128x128xf32, #tpu.memory_space<vmem>>, vector<16xf32>,
      tpu.vector_store %arg9[%swap3A_825, %swap3A_826, %swap3A_827], %add3A_823 {strides = array<i32>} : memref<3x128x128xf32, #tpu.memory_space<vmem>>, vector<16xf32>,
      %get3A_829 = arith.constant 2 : i32
      %get3A_830 = arith.index_cast %get3A_829 : i32 to index
      %get3A_831 = arith.index_cast %scan3A_716 : i32 to index
      %get3A_832 = arith.constant 112 : index
      %get3A_833 = tpu.vector_load %arg9[%get3A_830, %get3A_831, %get3A_832] {strides = array<i32>} : memref<3x128x128xf32, #tpu.memory_space<vmem>>, vector<16xf32>,
      %get3A_834 = arith.constant 2 : i32
      %get3A_835 = arith.index_cast %get3A_834 : i32 to index
      %get3A_836 = arith.index_cast %scan3A_716 : i32 to index
      %get3A_837 = arith.constant 112 : index
      %get3A_838 = tpu.vector_load %arg10[%get3A_835, %get3A_836, %get3A_837] {strides = array<i32>} : memref<3x128x128xf32, #tpu.memory_space<vmem>>, vector<16xf32>,
      %add3A_839 = arith.addf %get3A_833, %get3A_838 : vector<16xf32>
      %swap3A_840 = arith.constant 2 : i32
      %swap3A_841 = arith.index_cast %swap3A_840 : i32 to index
      %swap3A_842 = arith.index_cast %scan3A_716 : i32 to index
      %swap3A_843 = arith.constant 112 : index
      %swap3A_844 = tpu.vector_load %arg9[%swap3A_841, %swap3A_842, %swap3A_843] {strides = array<i32>} : memref<3x128x128xf32, #tpu.memory_space<vmem>>, vector<16xf32>,
      tpu.vector_store %arg9[%swap3A_841, %swap3A_842, %swap3A_843], %add3A_839 {strides = array<i32>} : memref<3x128x128xf32, #tpu.memory_space<vmem>>, vector<16xf32>,
    }
    %scan3A_232 = arith.constant 128 : i32
    %add3A_233 = arith.constant 256 : i32
    %add3A_234 = arith.addi %mul3A_2, %add3A_233 : i32
    %dma_start3A_235 = arith.constant 2 : i32
    %dma_start3A_236 = arith.constant 0 : i32
    %dma_start3A_237 = arith.constant 0 : i32
    %dma_start3A_238 = tpu.memref_slice %arg9[%dma_start3A_235, %dma_start3A_236, %dma_start3A_237] : memref<3x128x128xf32, #tpu.memory_space<vmem>> -> memref<1x128x128xf32, #tpu.memory_space<vmem>>
    %dma_start3A_239 = tpu.memref_squeeze %dma_start3A_238 : memref<1x128x128xf32, #tpu.memory_space<vmem>> -> memref<128x128xf32, #tpu.memory_space<vmem>>
    %dma_start3A_240 = arith.constant 0 : i32
    %dma_start3A_241 = tpu.memref_slice %arg6[%add3A_234, %dma_start3A_240] : memref<16384x128xf32, #tpu.memory_space<hbm>> -> memref<128x128xf32, #tpu.memory_space<hbm>>
    %dma_start3A_242 = arith.constant 0 : i32
    %dma_start3A_243 = tpu.memref_slice %arg6[%add3A_234, %dma_start3A_242] : memref<16384x128xf32, #tpu.memory_space<hbm>> -> memref<128x128xf32, #tpu.memory_space<hbm>>
    %dma_start3A_244 = arith.constant 0 : i32
    %dma_start3A_245 = arith.constant 0 : i32
    %dma_start3A_246 = tpu.memref_slice %arg9[%dma_start3A_235, %dma_start3A_244, %dma_start3A_245] : memref<3x128x128xf32, #tpu.memory_space<vmem>> -> memref<1x128x128xf32, #tpu.memory_space<vmem>>
    %dma_start3A_247 = tpu.memref_squeeze %dma_start3A_246 : memref<1x128x128xf32, #tpu.memory_space<vmem>> -> memref<128x128xf32, #tpu.memory_space<vmem>>
    tpu.enqueue_dma source(%dma_start3A_247 : memref<128x128xf32, #tpu.memory_space<vmem>>) target(%dma_start3A_243 : memref<128x128xf32, #tpu.memory_space<hbm>>) target_semaphore(%arg13 : memref<!tpu.dma_semaphore, #tpu.memory_space<semaphore_mem>>)
    %dma_wait3A_248 = arith.constant 0 : i32
    %dma_wait3A_249 = arith.constant 0 : i32
    %dma_wait3A_250 = arith.constant 0 : i32
    %dma_wait3A_251 = tpu.memref_slice %arg9[%dma_wait3A_248, %dma_wait3A_249, %dma_wait3A_250] : memref<3x128x128xf32, #tpu.memory_space<vmem>> -> memref<1x128x128xf32, #tpu.memory_space<vmem>>
    %dma_wait3A_252 = tpu.memref_squeeze %dma_wait3A_251 : memref<1x128x128xf32, #tpu.memory_space<vmem>> -> memref<128x128xf32, #tpu.memory_space<vmem>>
    %dma_wait3A_253 = arith.constant 384 : i32
    %dma_wait3A_254 = tpu.memref_slice %arg7[%dma_wait3A_253] : memref<512xi32, #tpu.memory_space<vmem>> -> memref<128xi32, #tpu.memory_space<vmem>>
    %dma_wait3A_255 = arith.constant 0 : i32
    %dma_wait3A_256 = arith.constant 0 : i32
    %dma_wait3A_257 = tpu.memref_slice %arg4[%dma_wait3A_255, %dma_wait3A_256] : memref<100000x128xf32, #tpu.memory_space<hbm>> -> memref<100000x128xf32, #tpu.memory_space<hbm>>
    tpu.wait_indirect_dma semaphore(%arg11 : memref<!tpu.dma_semaphore, #tpu.memory_space<semaphore_mem>>) src(%dma_wait3A_257 : memref<100000x128xf32, #tpu.memory_space<hbm>>) dst(%dma_wait3A_252 : memref<128x128xf32, #tpu.memory_space<vmem>>)
    %dma_wait3A_258 = arith.constant 0 : i32
    %dma_wait3A_259 = arith.constant 0 : i32
    %dma_wait3A_260 = arith.constant 0 : i32
    %dma_wait3A_261 = tpu.memref_slice %arg10[%dma_wait3A_258, %dma_wait3A_259, %dma_wait3A_260] : memref<3x128x128xf32, #tpu.memory_space<vmem>> -> memref<1x128x128xf32, #tpu.memory_space<vmem>>
    %dma_wait3A_262 = tpu.memref_squeeze %dma_wait3A_261 : memref<1x128x128xf32, #tpu.memory_space<vmem>> -> memref<128x128xf32, #tpu.memory_space<vmem>>
    %dma_wait3A_263 = arith.constant 384 : i32
    %dma_wait3A_264 = tpu.memref_slice %arg8[%dma_wait3A_263] : memref<512xi32, #tpu.memory_space<vmem>> -> memref<128xi32, #tpu.memory_space<vmem>>
    %dma_wait3A_265 = arith.constant 0 : i32
    %dma_wait3A_266 = arith.constant 0 : i32
    %dma_wait3A_267 = tpu.memref_slice %arg5[%dma_wait3A_265, %dma_wait3A_266] : memref<4096x128xf32, #tpu.memory_space<hbm>> -> memref<4096x128xf32, #tpu.memory_space<hbm>>
    tpu.wait_indirect_dma semaphore(%arg12 : memref<!tpu.dma_semaphore, #tpu.memory_space<semaphore_mem>>) src(%dma_wait3A_267 : memref<4096x128xf32, #tpu.memory_space<hbm>>) dst(%dma_wait3A_262 : memref<128x128xf32, #tpu.memory_space<vmem>>)
    %scan3A_268 = arith.constant 0 : i32
    %scan3A_269 = arith.constant 0 : i32
    %scan3A_270 = arith.constant 128 : i32
    %scan3A_271 = arith.addi %scan3A_269, %scan3A_270 : i32
    %scan3A_272 = arith.constant 4 : i32
    scf.for %scan3A_328 = %scan3A_269 to %scan3A_271 step %scan3A_272  : i32 {
      %get3A = arith.constant 0 : i32
      %get3A_329 = arith.index_cast %get3A : i32 to index
      %get3A_330 = arith.index_cast %scan3A_328 : i32 to index
      %get3A_331 = arith.constant 0 : index
      %get3A_332 = tpu.vector_load %arg9[%get3A_329, %get3A_330, %get3A_331] {strides = array<i32>} : memref<3x128x128xf32, #tpu.memory_space<vmem>>, vector<16xf32>,
      %get3A_333 = arith.constant 0 : i32
      %get3A_334 = arith.index_cast %get3A_333 : i32 to index
      %get3A_335 = arith.index_cast %scan3A_328 : i32 to index
      %get3A_336 = arith.constant 0 : index
      %get3A_337 = tpu.vector_load %arg10[%get3A_334, %get3A_335, %get3A_336] {strides = array<i32>} : memref<3x128x128xf32, #tpu.memory_space<vmem>>, vector<16xf32>,
      %add3A_338 = arith.addf %get3A_332, %get3A_337 : vector<16xf32>
      %swap3A = arith.constant 0 : i32
      %swap3A_339 = arith.index_cast %swap3A : i32 to index
      %swap3A_340 = arith.index_cast %scan3A_328 : i32 to index
      %swap3A_341 = arith.constant 0 : index
      %swap3A_342 = tpu.vector_load %arg9[%swap3A_339, %swap3A_340, %swap3A_341] {strides = array<i32>} : memref<3x128x128xf32, #tpu.memory_space<vmem>>, vector<16xf32>,
      tpu.vector_store %arg9[%swap3A_339, %swap3A_340, %swap3A_341], %add3A_338 {strides = array<i32>} : memref<3x128x128xf32, #tpu.memory_space<vmem>>, vector<16xf32>,
      %get3A_343 = arith.constant 0 : i32
      %get3A_344 = arith.index_cast %get3A_343 : i32 to index
      %get3A_345 = arith.index_cast %scan3A_328 : i32 to index
      %get3A_346 = arith.constant 16 : index
      %get3A_347 = tpu.vector_load %arg9[%get3A_344, %get3A_345, %get3A_346] {strides = array<i32>} : memref<3x128x128xf32, #tpu.memory_space<vmem>>, vector<16xf32>,
      %get3A_348 = arith.constant 0 : i32
      %get3A_349 = arith.index_cast %get3A_348 : i32 to index
      %get3A_350 = arith.index_cast %scan3A_328 : i32 to index
      %get3A_351 = arith.constant 16 : index
      %get3A_352 = tpu.vector_load %arg10[%get3A_349, %get3A_350, %get3A_351] {strides = array<i32>} : memref<3x128x128xf32, #tpu.memory_space<vmem>>, vector<16xf32>,
      %add3A_353 = arith.addf %get3A_347, %get3A_352 : vector<16xf32>
      %swap3A_354 = arith.constant 0 : i32
      %swap3A_355 = arith.index_cast %swap3A_354 : i32 to index
      %swap3A_356 = arith.index_cast %scan3A_328 : i32 to index
      %swap3A_357 = arith.constant 16 : index
      %swap3A_358 = tpu.vector_load %arg9[%swap3A_355, %swap3A_356, %swap3A_357] {strides = array<i32>} : memref<3x128x128xf32, #tpu.memory_space<vmem>>, vector<16xf32>,
      tpu.vector_store %arg9[%swap3A_355, %swap3A_356, %swap3A_357], %add3A_353 {strides = array<i32>} : memref<3x128x128xf32, #tpu.memory_space<vmem>>, vector<16xf32>,
      %get3A_359 = arith.constant 0 : i32
      %get3A_360 = arith.index_cast %get3A_359 : i32 to index
      %get3A_361 = arith.index_cast %scan3A_328 : i32 to index
      %get3A_362 = arith.constant 32 : index
      %get3A_363 = tpu.vector_load %arg9[%get3A_360, %get3A_361, %get3A_362] {strides = array<i32>} : memref<3x128x128xf32, #tpu.memory_space<vmem>>, vector<16xf32>,
      %get3A_364 = arith.constant 0 : i32
      %get3A_365 = arith.index_cast %get3A_364 : i32 to index
      %get3A_366 = arith.index_cast %scan3A_328 : i32 to index
      %get3A_367 = arith.constant 32 : index
      %get3A_368 = tpu.vector_load %arg10[%get3A_365, %get3A_366, %get3A_367] {strides = array<i32>} : memref<3x128x128xf32, #tpu.memory_space<vmem>>, vector<16xf32>,
      %add3A_369 = arith.addf %get3A_363, %get3A_368 : vector<16xf32>
      %swap3A_370 = arith.constant 0 : i32
      %swap3A_371 = arith.index_cast %swap3A_370 : i32 to index
      %swap3A_372 = arith.index_cast %scan3A_328 : i32 to index
      %swap3A_373 = arith.constant 32 : index
      %swap3A_374 = tpu.vector_load %arg9[%swap3A_371, %swap3A_372, %swap3A_373] {strides = array<i32>} : memref<3x128x128xf32, #tpu.memory_space<vmem>>, vector<16xf32>,
      tpu.vector_store %arg9[%swap3A_371, %swap3A_372, %swap3A_373], %add3A_369 {strides = array<i32>} : memref<3x128x128xf32, #tpu.memory_space<vmem>>, vector<16xf32>,
      %get3A_375 = arith.constant 0 : i32
      %get3A_376 = arith.index_cast %get3A_375 : i32 to index
      %get3A_377 = arith.index_cast %scan3A_328 : i32 to index
      %get3A_378 = arith.constant 48 : index
      %get3A_379 = tpu.vector_load %arg9[%get3A_376, %get3A_377, %get3A_378] {strides = array<i32>} : memref<3x128x128xf32, #tpu.memory_space<vmem>>, vector<16xf32>,
      %get3A_380 = arith.constant 0 : i32
      %get3A_381 = arith.index_cast %get3A_380 : i32 to index
      %get3A_382 = arith.index_cast %scan3A_328 : i32 to index
      %get3A_383 = arith.constant 48 : index
      %get3A_384 = tpu.vector_load %arg10[%get3A_381, %get3A_382, %get3A_383] {strides = array<i32>} : memref<3x128x128xf32, #tpu.memory_space<vmem>>, vector<16xf32>,
      %add3A_385 = arith.addf %get3A_379, %get3A_384 : vector<16xf32>
      %swap3A_386 = arith.constant 0 : i32
      %swap3A_387 = arith.index_cast %swap3A_386 : i32 to index
      %swap3A_388 = arith.index_cast %scan3A_328 : i32 to index
      %swap3A_389 = arith.constant 48 : index
      %swap3A_390 = tpu.vector_load %arg9[%swap3A_387, %swap3A_388, %swap3A_389] {strides = array<i32>} : memref<3x128x128xf32, #tpu.memory_space<vmem>>, vector<16xf32>,
      tpu.vector_store %arg9[%swap3A_387, %swap3A_388, %swap3A_389], %add3A_385 {strides = array<i32>} : memref<3x128x128xf32, #tpu.memory_space<vmem>>, vector<16xf32>,
      %get3A_391 = arith.constant 0 : i32
      %get3A_392 = arith.index_cast %get3A_391 : i32 to index
      %get3A_393 = arith.index_cast %scan3A_328 : i32 to index
      %get3A_394 = arith.constant 64 : index
      %get3A_395 = tpu.vector_load %arg9[%get3A_392, %get3A_393, %get3A_394] {strides = array<i32>} : memref<3x128x128xf32, #tpu.memory_space<vmem>>, vector<16xf32>,
      %get3A_396 = arith.constant 0 : i32
      %get3A_397 = arith.index_cast %get3A_396 : i32 to index
      %get3A_398 = arith.index_cast %scan3A_328 : i32 to index
      %get3A_399 = arith.constant 64 : index
      %get3A_400 = tpu.vector_load %arg10[%get3A_397, %get3A_398, %get3A_399] {strides = array<i32>} : memref<3x128x128xf32, #tpu.memory_space<vmem>>, vector<16xf32>,
      %add3A_401 = arith.addf %get3A_395, %get3A_400 : vector<16xf32>
      %swap3A_402 = arith.constant 0 : i32
      %swap3A_403 = arith.index_cast %swap3A_402 : i32 to index
      %swap3A_404 = arith.index_cast %scan3A_328 : i32 to index
      %swap3A_405 = arith.constant 64 : index
      %swap3A_406 = tpu.vector_load %arg9[%swap3A_403, %swap3A_404, %swap3A_405] {strides = array<i32>} : memref<3x128x128xf32, #tpu.memory_space<vmem>>, vector<16xf32>,
      tpu.vector_store %arg9[%swap3A_403, %swap3A_404, %swap3A_405], %add3A_401 {strides = array<i32>} : memref<3x128x128xf32, #tpu.memory_space<vmem>>, vector<16xf32>,
      %get3A_407 = arith.constant 0 : i32
      %get3A_408 = arith.index_cast %get3A_407 : i32 to index
      %get3A_409 = arith.index_cast %scan3A_328 : i32 to index
      %get3A_410 = arith.constant 80 : index
      %get3A_411 = tpu.vector_load %arg9[%get3A_408, %get3A_409, %get3A_410] {strides = array<i32>} : memref<3x128x128xf32, #tpu.memory_space<vmem>>, vector<16xf32>,
      %get3A_412 = arith.constant 0 : i32
      %get3A_413 = arith.index_cast %get3A_412 : i32 to index
      %get3A_414 = arith.index_cast %scan3A_328 : i32 to index
      %get3A_415 = arith.constant 80 : index
      %get3A_416 = tpu.vector_load %arg10[%get3A_413, %get3A_414, %get3A_415] {strides = array<i32>} : memref<3x128x128xf32, #tpu.memory_space<vmem>>, vector<16xf32>,
      %add3A_417 = arith.addf %get3A_411, %get3A_416 : vector<16xf32>
      %swap3A_418 = arith.constant 0 : i32
      %swap3A_419 = arith.index_cast %swap3A_418 : i32 to index
      %swap3A_420 = arith.index_cast %scan3A_328 : i32 to index
      %swap3A_421 = arith.constant 80 : index
      %swap3A_422 = tpu.vector_load %arg9[%swap3A_419, %swap3A_420, %swap3A_421] {strides = array<i32>} : memref<3x128x128xf32, #tpu.memory_space<vmem>>, vector<16xf32>,
      tpu.vector_store %arg9[%swap3A_419, %swap3A_420, %swap3A_421], %add3A_417 {strides = array<i32>} : memref<3x128x128xf32, #tpu.memory_space<vmem>>, vector<16xf32>,
      %get3A_423 = arith.constant 0 : i32
      %get3A_424 = arith.index_cast %get3A_423 : i32 to index
      %get3A_425 = arith.index_cast %scan3A_328 : i32 to index
      %get3A_426 = arith.constant 96 : index
      %get3A_427 = tpu.vector_load %arg9[%get3A_424, %get3A_425, %get3A_426] {strides = array<i32>} : memref<3x128x128xf32, #tpu.memory_space<vmem>>, vector<16xf32>,
      %get3A_428 = arith.constant 0 : i32
      %get3A_429 = arith.index_cast %get3A_428 : i32 to index
      %get3A_430 = arith.index_cast %scan3A_328 : i32 to index
      %get3A_431 = arith.constant 96 : index
      %get3A_432 = tpu.vector_load %arg10[%get3A_429, %get3A_430, %get3A_431] {strides = array<i32>} : memref<3x128x128xf32, #tpu.memory_space<vmem>>, vector<16xf32>,
      %add3A_433 = arith.addf %get3A_427, %get3A_432 : vector<16xf32>
      %swap3A_434 = arith.constant 0 : i32
      %swap3A_435 = arith.index_cast %swap3A_434 : i32 to index
      %swap3A_436 = arith.index_cast %scan3A_328 : i32 to index
      %swap3A_437 = arith.constant 96 : index
      %swap3A_438 = tpu.vector_load %arg9[%swap3A_435, %swap3A_436, %swap3A_437] {strides = array<i32>} : memref<3x128x128xf32, #tpu.memory_space<vmem>>, vector<16xf32>,
      tpu.vector_store %arg9[%swap3A_435, %swap3A_436, %swap3A_437], %add3A_433 {strides = array<i32>} : memref<3x128x128xf32, #tpu.memory_space<vmem>>, vector<16xf32>,
      %get3A_439 = arith.constant 0 : i32
      %get3A_440 = arith.index_cast %get3A_439 : i32 to index
      %get3A_441 = arith.index_cast %scan3A_328 : i32 to index
      %get3A_442 = arith.constant 112 : index
      %get3A_443 = tpu.vector_load %arg9[%get3A_440, %get3A_441, %get3A_442] {strides = array<i32>} : memref<3x128x128xf32, #tpu.memory_space<vmem>>, vector<16xf32>,
      %get3A_444 = arith.constant 0 : i32
      %get3A_445 = arith.index_cast %get3A_444 : i32 to index
      %get3A_446 = arith.index_cast %scan3A_328 : i32 to index
      %get3A_447 = arith.constant 112 : index
      %get3A_448 = tpu.vector_load %arg10[%get3A_445, %get3A_446, %get3A_447] {strides = array<i32>} : memref<3x128x128xf32, #tpu.memory_space<vmem>>, vector<16xf32>,
      %add3A_449 = arith.addf %get3A_443, %get3A_448 : vector<16xf32>
      %swap3A_450 = arith.constant 0 : i32
      %swap3A_451 = arith.index_cast %swap3A_450 : i32 to index
      %swap3A_452 = arith.index_cast %scan3A_328 : i32 to index
      %swap3A_453 = arith.constant 112 : index
      %swap3A_454 = tpu.vector_load %arg9[%swap3A_451, %swap3A_452, %swap3A_453] {strides = array<i32>} : memref<3x128x128xf32, #tpu.memory_space<vmem>>, vector<16xf32>,
      tpu.vector_store %arg9[%swap3A_451, %swap3A_452, %swap3A_453], %add3A_449 {strides = array<i32>} : memref<3x128x128xf32, #tpu.memory_space<vmem>>, vector<16xf32>,
      %scan3A_455 = arith.constant 1 : i32
      %scan3A_456 = arith.addi %scan3A_328, %scan3A_455 : i32
      %get3A_457 = arith.constant 0 : i32
      %get3A_458 = arith.index_cast %get3A_457 : i32 to index
      %get3A_459 = arith.index_cast %scan3A_456 : i32 to index
      %get3A_460 = arith.constant 0 : index
      %get3A_461 = tpu.vector_load %arg9[%get3A_458, %get3A_459, %get3A_460] {strides = array<i32>} : memref<3x128x128xf32, #tpu.memory_space<vmem>>, vector<16xf32>,
      %get3A_462 = arith.constant 0 : i32
      %get3A_463 = arith.index_cast %get3A_462 : i32 to index
      %get3A_464 = arith.index_cast %scan3A_456 : i32 to index
      %get3A_465 = arith.constant 0 : index
      %get3A_466 = tpu.vector_load %arg10[%get3A_463, %get3A_464, %get3A_465] {strides = array<i32>} : memref<3x128x128xf32, #tpu.memory_space<vmem>>, vector<16xf32>,
      %add3A_467 = arith.addf %get3A_461, %get3A_466 : vector<16xf32>
      %swap3A_468 = arith.constant 0 : i32
      %swap3A_469 = arith.index_cast %swap3A_468 : i32 to index
      %swap3A_470 = arith.index_cast %scan3A_456 : i32 to index
      %swap3A_471 = arith.constant 0 : index
      %swap3A_472 = tpu.vector_load %arg9[%swap3A_469, %swap3A_470, %swap3A_471] {strides = array<i32>} : memref<3x128x128xf32, #tpu.memory_space<vmem>>, vector<16xf32>,
      tpu.vector_store %arg9[%swap3A_469, %swap3A_470, %swap3A_471], %add3A_467 {strides = array<i32>} : memref<3x128x128xf32, #tpu.memory_space<vmem>>, vector<16xf32>,
      %get3A_473 = arith.constant 0 : i32
      %get3A_474 = arith.index_cast %get3A_473 : i32 to index
      %get3A_475 = arith.index_cast %scan3A_456 : i32 to index
      %get3A_476 = arith.constant 16 : index
      %get3A_477 = tpu.vector_load %arg9[%get3A_474, %get3A_475, %get3A_476] {strides = array<i32>} : memref<3x128x128xf32, #tpu.memory_space<vmem>>, vector<16xf32>,
      %get3A_478 = arith.constant 0 : i32
      %get3A_479 = arith.index_cast %get3A_478 : i32 to index
      %get3A_480 = arith.index_cast %scan3A_456 : i32 to index
      %get3A_481 = arith.constant 16 : index
      %get3A_482 = tpu.vector_load %arg10[%get3A_479, %get3A_480, %get3A_481] {strides = array<i32>} : memref<3x128x128xf32, #tpu.memory_space<vmem>>, vector<16xf32>,
      %add3A_483 = arith.addf %get3A_477, %get3A_482 : vector<16xf32>
      %swap3A_484 = arith.constant 0 : i32
      %swap3A_485 = arith.index_cast %swap3A_484 : i32 to index
      %swap3A_486 = arith.index_cast %scan3A_456 : i32 to index
      %swap3A_487 = arith.constant 16 : index
      %swap3A_488 = tpu.vector_load %arg9[%swap3A_485, %swap3A_486, %swap3A_487] {strides = array<i32>} : memref<3x128x128xf32, #tpu.memory_space<vmem>>, vector<16xf32>,
      tpu.vector_store %arg9[%swap3A_485, %swap3A_486, %swap3A_487], %add3A_483 {strides = array<i32>} : memref<3x128x128xf32, #tpu.memory_space<vmem>>, vector<16xf32>,
      %get3A_489 = arith.constant 0 : i32
      %get3A_490 = arith.index_cast %get3A_489 : i32 to index
      %get3A_491 = arith.index_cast %scan3A_456 : i32 to index
      %get3A_492 = arith.constant 32 : index
      %get3A_493 = tpu.vector_load %arg9[%get3A_490, %get3A_491, %get3A_492] {strides = array<i32>} : memref<3x128x128xf32, #tpu.memory_space<vmem>>, vector<16xf32>,
      %get3A_494 = arith.constant 0 : i32
      %get3A_495 = arith.index_cast %get3A_494 : i32 to index
      %get3A_496 = arith.index_cast %scan3A_456 : i32 to index
      %get3A_497 = arith.constant 32 : index
      %get3A_498 = tpu.vector_load %arg10[%get3A_495, %get3A_496, %get3A_497] {strides = array<i32>} : memref<3x128x128xf32, #tpu.memory_space<vmem>>, vector<16xf32>,
      %add3A_499 = arith.addf %get3A_493, %get3A_498 : vector<16xf32>
      %swap3A_500 = arith.constant 0 : i32
      %swap3A_501 = arith.index_cast %swap3A_500 : i32 to index
      %swap3A_502 = arith.index_cast %scan3A_456 : i32 to index
      %swap3A_503 = arith.constant 32 : index
      %swap3A_504 = tpu.vector_load %arg9[%swap3A_501, %swap3A_502, %swap3A_503] {strides = array<i32>} : memref<3x128x128xf32, #tpu.memory_space<vmem>>, vector<16xf32>,
      tpu.vector_store %arg9[%swap3A_501, %swap3A_502, %swap3A_503], %add3A_499 {strides = array<i32>} : memref<3x128x128xf32, #tpu.memory_space<vmem>>, vector<16xf32>,
      %get3A_505 = arith.constant 0 : i32
      %get3A_506 = arith.index_cast %get3A_505 : i32 to index
      %get3A_507 = arith.index_cast %scan3A_456 : i32 to index
      %get3A_508 = arith.constant 48 : index
      %get3A_509 = tpu.vector_load %arg9[%get3A_506, %get3A_507, %get3A_508] {strides = array<i32>} : memref<3x128x128xf32, #tpu.memory_space<vmem>>, vector<16xf32>,
      %get3A_510 = arith.constant 0 : i32
      %get3A_511 = arith.index_cast %get3A_510 : i32 to index
      %get3A_512 = arith.index_cast %scan3A_456 : i32 to index
      %get3A_513 = arith.constant 48 : index
      %get3A_514 = tpu.vector_load %arg10[%get3A_511, %get3A_512, %get3A_513] {strides = array<i32>} : memref<3x128x128xf32, #tpu.memory_space<vmem>>, vector<16xf32>,
      %add3A_515 = arith.addf %get3A_509, %get3A_514 : vector<16xf32>
      %swap3A_516 = arith.constant 0 : i32
      %swap3A_517 = arith.index_cast %swap3A_516 : i32 to index
      %swap3A_518 = arith.index_cast %scan3A_456 : i32 to index
      %swap3A_519 = arith.constant 48 : index
      %swap3A_520 = tpu.vector_load %arg9[%swap3A_517, %swap3A_518, %swap3A_519] {strides = array<i32>} : memref<3x128x128xf32, #tpu.memory_space<vmem>>, vector<16xf32>,
      tpu.vector_store %arg9[%swap3A_517, %swap3A_518, %swap3A_519], %add3A_515 {strides = array<i32>} : memref<3x128x128xf32, #tpu.memory_space<vmem>>, vector<16xf32>,
      %get3A_521 = arith.constant 0 : i32
      %get3A_522 = arith.index_cast %get3A_521 : i32 to index
      %get3A_523 = arith.index_cast %scan3A_456 : i32 to index
      %get3A_524 = arith.constant 64 : index
      %get3A_525 = tpu.vector_load %arg9[%get3A_522, %get3A_523, %get3A_524] {strides = array<i32>} : memref<3x128x128xf32, #tpu.memory_space<vmem>>, vector<16xf32>,
      %get3A_526 = arith.constant 0 : i32
      %get3A_527 = arith.index_cast %get3A_526 : i32 to index
      %get3A_528 = arith.index_cast %scan3A_456 : i32 to index
      %get3A_529 = arith.constant 64 : index
      %get3A_530 = tpu.vector_load %arg10[%get3A_527, %get3A_528, %get3A_529] {strides = array<i32>} : memref<3x128x128xf32, #tpu.memory_space<vmem>>, vector<16xf32>,
      %add3A_531 = arith.addf %get3A_525, %get3A_530 : vector<16xf32>
      %swap3A_532 = arith.constant 0 : i32
      %swap3A_533 = arith.index_cast %swap3A_532 : i32 to index
      %swap3A_534 = arith.index_cast %scan3A_456 : i32 to index
      %swap3A_535 = arith.constant 64 : index
      %swap3A_536 = tpu.vector_load %arg9[%swap3A_533, %swap3A_534, %swap3A_535] {strides = array<i32>} : memref<3x128x128xf32, #tpu.memory_space<vmem>>, vector<16xf32>,
      tpu.vector_store %arg9[%swap3A_533, %swap3A_534, %swap3A_535], %add3A_531 {strides = array<i32>} : memref<3x128x128xf32, #tpu.memory_space<vmem>>, vector<16xf32>,
      %get3A_537 = arith.constant 0 : i32
      %get3A_538 = arith.index_cast %get3A_537 : i32 to index
      %get3A_539 = arith.index_cast %scan3A_456 : i32 to index
      %get3A_540 = arith.constant 80 : index
      %get3A_541 = tpu.vector_load %arg9[%get3A_538, %get3A_539, %get3A_540] {strides = array<i32>} : memref<3x128x128xf32, #tpu.memory_space<vmem>>, vector<16xf32>,
      %get3A_542 = arith.constant 0 : i32
      %get3A_543 = arith.index_cast %get3A_542 : i32 to index
      %get3A_544 = arith.index_cast %scan3A_456 : i32 to index
      %get3A_545 = arith.constant 80 : index
      %get3A_546 = tpu.vector_load %arg10[%get3A_543, %get3A_544, %get3A_545] {strides = array<i32>} : memref<3x128x128xf32, #tpu.memory_space<vmem>>, vector<16xf32>,
      %add3A_547 = arith.addf %get3A_541, %get3A_546 : vector<16xf32>
      %swap3A_548 = arith.constant 0 : i32
      %swap3A_549 = arith.index_cast %swap3A_548 : i32 to index
      %swap3A_550 = arith.index_cast %scan3A_456 : i32 to index
      %swap3A_551 = arith.constant 80 : index
      %swap3A_552 = tpu.vector_load %arg9[%swap3A_549, %swap3A_550, %swap3A_551] {strides = array<i32>} : memref<3x128x128xf32, #tpu.memory_space<vmem>>, vector<16xf32>,
      tpu.vector_store %arg9[%swap3A_549, %swap3A_550, %swap3A_551], %add3A_547 {strides = array<i32>} : memref<3x128x128xf32, #tpu.memory_space<vmem>>, vector<16xf32>,
      %get3A_553 = arith.constant 0 : i32
      %get3A_554 = arith.index_cast %get3A_553 : i32 to index
      %get3A_555 = arith.index_cast %scan3A_456 : i32 to index
      %get3A_556 = arith.constant 96 : index
      %get3A_557 = tpu.vector_load %arg9[%get3A_554, %get3A_555, %get3A_556] {strides = array<i32>} : memref<3x128x128xf32, #tpu.memory_space<vmem>>, vector<16xf32>,
      %get3A_558 = arith.constant 0 : i32
      %get3A_559 = arith.index_cast %get3A_558 : i32 to index
      %get3A_560 = arith.index_cast %scan3A_456 : i32 to index
      %get3A_561 = arith.constant 96 : index
      %get3A_562 = tpu.vector_load %arg10[%get3A_559, %get3A_560, %get3A_561] {strides = array<i32>} : memref<3x128x128xf32, #tpu.memory_space<vmem>>, vector<16xf32>,
      %add3A_563 = arith.addf %get3A_557, %get3A_562 : vector<16xf32>
      %swap3A_564 = arith.constant 0 : i32
      %swap3A_565 = arith.index_cast %swap3A_564 : i32 to index
      %swap3A_566 = arith.index_cast %scan3A_456 : i32 to index
      %swap3A_567 = arith.constant 96 : index
      %swap3A_568 = tpu.vector_load %arg9[%swap3A_565, %swap3A_566, %swap3A_567] {strides = array<i32>} : memref<3x128x128xf32, #tpu.memory_space<vmem>>, vector<16xf32>,
      tpu.vector_store %arg9[%swap3A_565, %swap3A_566, %swap3A_567], %add3A_563 {strides = array<i32>} : memref<3x128x128xf32, #tpu.memory_space<vmem>>, vector<16xf32>,
      %get3A_569 = arith.constant 0 : i32
      %get3A_570 = arith.index_cast %get3A_569 : i32 to index
      %get3A_571 = arith.index_cast %scan3A_456 : i32 to index
      %get3A_572 = arith.constant 112 : index
      %get3A_573 = tpu.vector_load %arg9[%get3A_570, %get3A_571, %get3A_572] {strides = array<i32>} : memref<3x128x128xf32, #tpu.memory_space<vmem>>, vector<16xf32>,
      %get3A_574 = arith.constant 0 : i32
      %get3A_575 = arith.index_cast %get3A_574 : i32 to index
      %get3A_576 = arith.index_cast %scan3A_456 : i32 to index
      %get3A_577 = arith.constant 112 : index
      %get3A_578 = tpu.vector_load %arg10[%get3A_575, %get3A_576, %get3A_577] {strides = array<i32>} : memref<3x128x128xf32, #tpu.memory_space<vmem>>, vector<16xf32>,
      %add3A_579 = arith.addf %get3A_573, %get3A_578 : vector<16xf32>
      %swap3A_580 = arith.constant 0 : i32
      %swap3A_581 = arith.index_cast %swap3A_580 : i32 to index
      %swap3A_582 = arith.index_cast %scan3A_456 : i32 to index
      %swap3A_583 = arith.constant 112 : index
      %swap3A_584 = tpu.vector_load %arg9[%swap3A_581, %swap3A_582, %swap3A_583] {strides = array<i32>} : memref<3x128x128xf32, #tpu.memory_space<vmem>>, vector<16xf32>,
      tpu.vector_store %arg9[%swap3A_581, %swap3A_582, %swap3A_583], %add3A_579 {strides = array<i32>} : memref<3x128x128xf32, #tpu.memory_space<vmem>>, vector<16xf32>,
      %scan3A_585 = arith.constant 2 : i32
      %scan3A_586 = arith.addi %scan3A_328, %scan3A_585 : i32
      %get3A_587 = arith.constant 0 : i32
      %get3A_588 = arith.index_cast %get3A_587 : i32 to index
      %get3A_589 = arith.index_cast %scan3A_586 : i32 to index
      %get3A_590 = arith.constant 0 : index
      %get3A_591 = tpu.vector_load %arg9[%get3A_588, %get3A_589, %get3A_590] {strides = array<i32>} : memref<3x128x128xf32, #tpu.memory_space<vmem>>, vector<16xf32>,
      %get3A_592 = arith.constant 0 : i32
      %get3A_593 = arith.index_cast %get3A_592 : i32 to index
      %get3A_594 = arith.index_cast %scan3A_586 : i32 to index
      %get3A_595 = arith.constant 0 : index
      %get3A_596 = tpu.vector_load %arg10[%get3A_593, %get3A_594, %get3A_595] {strides = array<i32>} : memref<3x128x128xf32, #tpu.memory_space<vmem>>, vector<16xf32>,
      %add3A_597 = arith.addf %get3A_591, %get3A_596 : vector<16xf32>
      %swap3A_598 = arith.constant 0 : i32
      %swap3A_599 = arith.index_cast %swap3A_598 : i32 to index
      %swap3A_600 = arith.index_cast %scan3A_586 : i32 to index
      %swap3A_601 = arith.constant 0 : index
      %swap3A_602 = tpu.vector_load %arg9[%swap3A_599, %swap3A_600, %swap3A_601] {strides = array<i32>} : memref<3x128x128xf32, #tpu.memory_space<vmem>>, vector<16xf32>,
      tpu.vector_store %arg9[%swap3A_599, %swap3A_600, %swap3A_601], %add3A_597 {strides = array<i32>} : memref<3x128x128xf32, #tpu.memory_space<vmem>>, vector<16xf32>,
      %get3A_603 = arith.constant 0 : i32
      %get3A_604 = arith.index_cast %get3A_603 : i32 to index
      %get3A_605 = arith.index_cast %scan3A_586 : i32 to index
      %get3A_606 = arith.constant 16 : index
      %get3A_607 = tpu.vector_load %arg9[%get3A_604, %get3A_605, %get3A_606] {strides = array<i32>} : memref<3x128x128xf32, #tpu.memory_space<vmem>>, vector<16xf32>,
      %get3A_608 = arith.constant 0 : i32
      %get3A_609 = arith.index_cast %get3A_608 : i32 to index
      %get3A_610 = arith.index_cast %scan3A_586 : i32 to index
      %get3A_611 = arith.constant 16 : index
      %get3A_612 = tpu.vector_load %arg10[%get3A_609, %get3A_610, %get3A_611] {strides = array<i32>} : memref<3x128x128xf32, #tpu.memory_space<vmem>>, vector<16xf32>,
      %add3A_613 = arith.addf %get3A_607, %get3A_612 : vector<16xf32>
      %swap3A_614 = arith.constant 0 : i32
      %swap3A_615 = arith.index_cast %swap3A_614 : i32 to index
      %swap3A_616 = arith.index_cast %scan3A_586 : i32 to index
      %swap3A_617 = arith.constant 16 : index
      %swap3A_618 = tpu.vector_load %arg9[%swap3A_615, %swap3A_616, %swap3A_617] {strides = array<i32>} : memref<3x128x128xf32, #tpu.memory_space<vmem>>, vector<16xf32>,
      tpu.vector_store %arg9[%swap3A_615, %swap3A_616, %swap3A_617], %add3A_613 {strides = array<i32>} : memref<3x128x128xf32, #tpu.memory_space<vmem>>, vector<16xf32>,
      %get3A_619 = arith.constant 0 : i32
      %get3A_620 = arith.index_cast %get3A_619 : i32 to index
      %get3A_621 = arith.index_cast %scan3A_586 : i32 to index
      %get3A_622 = arith.constant 32 : index
      %get3A_623 = tpu.vector_load %arg9[%get3A_620, %get3A_621, %get3A_622] {strides = array<i32>} : memref<3x128x128xf32, #tpu.memory_space<vmem>>, vector<16xf32>,
      %get3A_624 = arith.constant 0 : i32
      %get3A_625 = arith.index_cast %get3A_624 : i32 to index
      %get3A_626 = arith.index_cast %scan3A_586 : i32 to index
      %get3A_627 = arith.constant 32 : index
      %get3A_628 = tpu.vector_load %arg10[%get3A_625, %get3A_626, %get3A_627] {strides = array<i32>} : memref<3x128x128xf32, #tpu.memory_space<vmem>>, vector<16xf32>,
      %add3A_629 = arith.addf %get3A_623, %get3A_628 : vector<16xf32>
      %swap3A_630 = arith.constant 0 : i32
      %swap3A_631 = arith.index_cast %swap3A_630 : i32 to index
      %swap3A_632 = arith.index_cast %scan3A_586 : i32 to index
      %swap3A_633 = arith.constant 32 : index
      %swap3A_634 = tpu.vector_load %arg9[%swap3A_631, %swap3A_632, %swap3A_633] {strides = array<i32>} : memref<3x128x128xf32, #tpu.memory_space<vmem>>, vector<16xf32>,
      tpu.vector_store %arg9[%swap3A_631, %swap3A_632, %swap3A_633], %add3A_629 {strides = array<i32>} : memref<3x128x128xf32, #tpu.memory_space<vmem>>, vector<16xf32>,
      %get3A_635 = arith.constant 0 : i32
      %get3A_636 = arith.index_cast %get3A_635 : i32 to index
      %get3A_637 = arith.index_cast %scan3A_586 : i32 to index
      %get3A_638 = arith.constant 48 : index
      %get3A_639 = tpu.vector_load %arg9[%get3A_636, %get3A_637, %get3A_638] {strides = array<i32>} : memref<3x128x128xf32, #tpu.memory_space<vmem>>, vector<16xf32>,
      %get3A_640 = arith.constant 0 : i32
      %get3A_641 = arith.index_cast %get3A_640 : i32 to index
      %get3A_642 = arith.index_cast %scan3A_586 : i32 to index
      %get3A_643 = arith.constant 48 : index
      %get3A_644 = tpu.vector_load %arg10[%get3A_641, %get3A_642, %get3A_643] {strides = array<i32>} : memref<3x128x128xf32, #tpu.memory_space<vmem>>, vector<16xf32>,
      %add3A_645 = arith.addf %get3A_639, %get3A_644 : vector<16xf32>
      %swap3A_646 = arith.constant 0 : i32
      %swap3A_647 = arith.index_cast %swap3A_646 : i32 to index
      %swap3A_648 = arith.index_cast %scan3A_586 : i32 to index
      %swap3A_649 = arith.constant 48 : index
      %swap3A_650 = tpu.vector_load %arg9[%swap3A_647, %swap3A_648, %swap3A_649] {strides = array<i32>} : memref<3x128x128xf32, #tpu.memory_space<vmem>>, vector<16xf32>,
      tpu.vector_store %arg9[%swap3A_647, %swap3A_648, %swap3A_649], %add3A_645 {strides = array<i32>} : memref<3x128x128xf32, #tpu.memory_space<vmem>>, vector<16xf32>,
      %get3A_651 = arith.constant 0 : i32
      %get3A_652 = arith.index_cast %get3A_651 : i32 to index
      %get3A_653 = arith.index_cast %scan3A_586 : i32 to index
      %get3A_654 = arith.constant 64 : index
      %get3A_655 = tpu.vector_load %arg9[%get3A_652, %get3A_653, %get3A_654] {strides = array<i32>} : memref<3x128x128xf32, #tpu.memory_space<vmem>>, vector<16xf32>,
      %get3A_656 = arith.constant 0 : i32
      %get3A_657 = arith.index_cast %get3A_656 : i32 to index
      %get3A_658 = arith.index_cast %scan3A_586 : i32 to index
      %get3A_659 = arith.constant 64 : index
      %get3A_660 = tpu.vector_load %arg10[%get3A_657, %get3A_658, %get3A_659] {strides = array<i32>} : memref<3x128x128xf32, #tpu.memory_space<vmem>>, vector<16xf32>,
      %add3A_661 = arith.addf %get3A_655, %get3A_660 : vector<16xf32>
      %swap3A_662 = arith.constant 0 : i32
      %swap3A_663 = arith.index_cast %swap3A_662 : i32 to index
      %swap3A_664 = arith.index_cast %scan3A_586 : i32 to index
      %swap3A_665 = arith.constant 64 : index
      %swap3A_666 = tpu.vector_load %arg9[%swap3A_663, %swap3A_664, %swap3A_665] {strides = array<i32>} : memref<3x128x128xf32, #tpu.memory_space<vmem>>, vector<16xf32>,
      tpu.vector_store %arg9[%swap3A_663, %swap3A_664, %swap3A_665], %add3A_661 {strides = array<i32>} : memref<3x128x128xf32, #tpu.memory_space<vmem>>, vector<16xf32>,
      %get3A_667 = arith.constant 0 : i32
      %get3A_668 = arith.index_cast %get3A_667 : i32 to index
      %get3A_669 = arith.index_cast %scan3A_586 : i32 to index
      %get3A_670 = arith.constant 80 : index
      %get3A_671 = tpu.vector_load %arg9[%get3A_668, %get3A_669, %get3A_670] {strides = array<i32>} : memref<3x128x128xf32, #tpu.memory_space<vmem>>, vector<16xf32>,
      %get3A_672 = arith.constant 0 : i32
      %get3A_673 = arith.index_cast %get3A_672 : i32 to index
      %get3A_674 = arith.index_cast %scan3A_586 : i32 to index
      %get3A_675 = arith.constant 80 : index
      %get3A_676 = tpu.vector_load %arg10[%get3A_673, %get3A_674, %get3A_675] {strides = array<i32>} : memref<3x128x128xf32, #tpu.memory_space<vmem>>, vector<16xf32>,
      %add3A_677 = arith.addf %get3A_671, %get3A_676 : vector<16xf32>
      %swap3A_678 = arith.constant 0 : i32
      %swap3A_679 = arith.index_cast %swap3A_678 : i32 to index
      %swap3A_680 = arith.index_cast %scan3A_586 : i32 to index
      %swap3A_681 = arith.constant 80 : index
      %swap3A_682 = tpu.vector_load %arg9[%swap3A_679, %swap3A_680, %swap3A_681] {strides = array<i32>} : memref<3x128x128xf32, #tpu.memory_space<vmem>>, vector<16xf32>,
      tpu.vector_store %arg9[%swap3A_679, %swap3A_680, %swap3A_681], %add3A_677 {strides = array<i32>} : memref<3x128x128xf32, #tpu.memory_space<vmem>>, vector<16xf32>,
      %get3A_683 = arith.constant 0 : i32
      %get3A_684 = arith.index_cast %get3A_683 : i32 to index
      %get3A_685 = arith.index_cast %scan3A_586 : i32 to index
      %get3A_686 = arith.constant 96 : index
      %get3A_687 = tpu.vector_load %arg9[%get3A_684, %get3A_685, %get3A_686] {strides = array<i32>} : memref<3x128x128xf32, #tpu.memory_space<vmem>>, vector<16xf32>,
      %get3A_688 = arith.constant 0 : i32
      %get3A_689 = arith.index_cast %get3A_688 : i32 to index
      %get3A_690 = arith.index_cast %scan3A_586 : i32 to index
      %get3A_691 = arith.constant 96 : index
      %get3A_692 = tpu.vector_load %arg10[%get3A_689, %get3A_690, %get3A_691] {strides = array<i32>} : memref<3x128x128xf32, #tpu.memory_space<vmem>>, vector<16xf32>,
      %add3A_693 = arith.addf %get3A_687, %get3A_692 : vector<16xf32>
      %swap3A_694 = arith.constant 0 : i32
      %swap3A_695 = arith.index_cast %swap3A_694 : i32 to index
      %swap3A_696 = arith.index_cast %scan3A_586 : i32 to index
      %swap3A_697 = arith.constant 96 : index
      %swap3A_698 = tpu.vector_load %arg9[%swap3A_695, %swap3A_696, %swap3A_697] {strides = array<i32>} : memref<3x128x128xf32, #tpu.memory_space<vmem>>, vector<16xf32>,
      tpu.vector_store %arg9[%swap3A_695, %swap3A_696, %swap3A_697], %add3A_693 {strides = array<i32>} : memref<3x128x128xf32, #tpu.memory_space<vmem>>, vector<16xf32>,
      %get3A_699 = arith.constant 0 : i32
      %get3A_700 = arith.index_cast %get3A_699 : i32 to index
      %get3A_701 = arith.index_cast %scan3A_586 : i32 to index
      %get3A_702 = arith.constant 112 : index
      %get3A_703 = tpu.vector_load %arg9[%get3A_700, %get3A_701, %get3A_702] {strides = array<i32>} : memref<3x128x128xf32, #tpu.memory_space<vmem>>, vector<16xf32>,
      %get3A_704 = arith.constant 0 : i32
      %get3A_705 = arith.index_cast %get3A_704 : i32 to index
      %get3A_706 = arith.index_cast %scan3A_586 : i32 to index
      %get3A_707 = arith.constant 112 : index
      %get3A_708 = tpu.vector_load %arg10[%get3A_705, %get3A_706, %get3A_707] {strides = array<i32>} : memref<3x128x128xf32, #tpu.memory_space<vmem>>, vector<16xf32>,
      %add3A_709 = arith.addf %get3A_703, %get3A_708 : vector<16xf32>
      %swap3A_710 = arith.constant 0 : i32
      %swap3A_711 = arith.index_cast %swap3A_710 : i32 to index
      %swap3A_712 = arith.index_cast %scan3A_586 : i32 to index
      %swap3A_713 = arith.constant 112 : index
      %swap3A_714 = tpu.vector_load %arg9[%swap3A_711, %swap3A_712, %swap3A_713] {strides = array<i32>} : memref<3x128x128xf32, #tpu.memory_space<vmem>>, vector<16xf32>,
      tpu.vector_store %arg9[%swap3A_711, %swap3A_712, %swap3A_713], %add3A_709 {strides = array<i32>} : memref<3x128x128xf32, #tpu.memory_space<vmem>>, vector<16xf32>,
      %scan3A_715 = arith.constant 3 : i32
      %scan3A_716 = arith.addi %scan3A_328, %scan3A_715 : i32
      %get3A_717 = arith.constant 0 : i32
      %get3A_718 = arith.index_cast %get3A_717 : i32 to index
      %get3A_719 = arith.index_cast %scan3A_716 : i32 to index
      %get3A_720 = arith.constant 0 : index
      %get3A_721 = tpu.vector_load %arg9[%get3A_718, %get3A_719, %get3A_720] {strides = array<i32>} : memref<3x128x128xf32, #tpu.memory_space<vmem>>, vector<16xf32>,
      %get3A_722 = arith.constant 0 : i32
      %get3A_723 = arith.index_cast %get3A_722 : i32 to index
      %get3A_724 = arith.index_cast %scan3A_716 : i32 to index
      %get3A_725 = arith.constant 0 : index
      %get3A_726 = tpu.vector_load %arg10[%get3A_723, %get3A_724, %get3A_725] {strides = array<i32>} : memref<3x128x128xf32, #tpu.memory_space<vmem>>, vector<16xf32>,
      %add3A_727 = arith.addf %get3A_721, %get3A_726 : vector<16xf32>
      %swap3A_728 = arith.constant 0 : i32
      %swap3A_729 = arith.index_cast %swap3A_728 : i32 to index
      %swap3A_730 = arith.index_cast %scan3A_716 : i32 to index
      %swap3A_731 = arith.constant 0 : index
      %swap3A_732 = tpu.vector_load %arg9[%swap3A_729, %swap3A_730, %swap3A_731] {strides = array<i32>} : memref<3x128x128xf32, #tpu.memory_space<vmem>>, vector<16xf32>,
      tpu.vector_store %arg9[%swap3A_729, %swap3A_730, %swap3A_731], %add3A_727 {strides = array<i32>} : memref<3x128x128xf32, #tpu.memory_space<vmem>>, vector<16xf32>,
      %get3A_733 = arith.constant 0 : i32
      %get3A_734 = arith.index_cast %get3A_733 : i32 to index
      %get3A_735 = arith.index_cast %scan3A_716 : i32 to index
      %get3A_736 = arith.constant 16 : index
      %get3A_737 = tpu.vector_load %arg9[%get3A_734, %get3A_735, %get3A_736] {strides = array<i32>} : memref<3x128x128xf32, #tpu.memory_space<vmem>>, vector<16xf32>,
      %get3A_738 = arith.constant 0 : i32
      %get3A_739 = arith.index_cast %get3A_738 : i32 to index
      %get3A_740 = arith.index_cast %scan3A_716 : i32 to index
      %get3A_741 = arith.constant 16 : index
      %get3A_742 = tpu.vector_load %arg10[%get3A_739, %get3A_740, %get3A_741] {strides = array<i32>} : memref<3x128x128xf32, #tpu.memory_space<vmem>>, vector<16xf32>,
      %add3A_743 = arith.addf %get3A_737, %get3A_742 : vector<16xf32>
      %swap3A_744 = arith.constant 0 : i32
      %swap3A_745 = arith.index_cast %swap3A_744 : i32 to index
      %swap3A_746 = arith.index_cast %scan3A_716 : i32 to index
      %swap3A_747 = arith.constant 16 : index
      %swap3A_748 = tpu.vector_load %arg9[%swap3A_745, %swap3A_746, %swap3A_747] {strides = array<i32>} : memref<3x128x128xf32, #tpu.memory_space<vmem>>, vector<16xf32>,
      tpu.vector_store %arg9[%swap3A_745, %swap3A_746, %swap3A_747], %add3A_743 {strides = array<i32>} : memref<3x128x128xf32, #tpu.memory_space<vmem>>, vector<16xf32>,
      %get3A_749 = arith.constant 0 : i32
      %get3A_750 = arith.index_cast %get3A_749 : i32 to index
      %get3A_751 = arith.index_cast %scan3A_716 : i32 to index
      %get3A_752 = arith.constant 32 : index
      %get3A_753 = tpu.vector_load %arg9[%get3A_750, %get3A_751, %get3A_752] {strides = array<i32>} : memref<3x128x128xf32, #tpu.memory_space<vmem>>, vector<16xf32>,
      %get3A_754 = arith.constant 0 : i32
      %get3A_755 = arith.index_cast %get3A_754 : i32 to index
      %get3A_756 = arith.index_cast %scan3A_716 : i32 to index
      %get3A_757 = arith.constant 32 : index
      %get3A_758 = tpu.vector_load %arg10[%get3A_755, %get3A_756, %get3A_757] {strides = array<i32>} : memref<3x128x128xf32, #tpu.memory_space<vmem>>, vector<16xf32>,
      %add3A_759 = arith.addf %get3A_753, %get3A_758 : vector<16xf32>
      %swap3A_760 = arith.constant 0 : i32
      %swap3A_761 = arith.index_cast %swap3A_760 : i32 to index
      %swap3A_762 = arith.index_cast %scan3A_716 : i32 to index
      %swap3A_763 = arith.constant 32 : index
      %swap3A_764 = tpu.vector_load %arg9[%swap3A_761, %swap3A_762, %swap3A_763] {strides = array<i32>} : memref<3x128x128xf32, #tpu.memory_space<vmem>>, vector<16xf32>,
      tpu.vector_store %arg9[%swap3A_761, %swap3A_762, %swap3A_763], %add3A_759 {strides = array<i32>} : memref<3x128x128xf32, #tpu.memory_space<vmem>>, vector<16xf32>,
      %get3A_765 = arith.constant 0 : i32
      %get3A_766 = arith.index_cast %get3A_765 : i32 to index
      %get3A_767 = arith.index_cast %scan3A_716 : i32 to index
      %get3A_768 = arith.constant 48 : index
      %get3A_769 = tpu.vector_load %arg9[%get3A_766, %get3A_767, %get3A_768] {strides = array<i32>} : memref<3x128x128xf32, #tpu.memory_space<vmem>>, vector<16xf32>,
      %get3A_770 = arith.constant 0 : i32
      %get3A_771 = arith.index_cast %get3A_770 : i32 to index
      %get3A_772 = arith.index_cast %scan3A_716 : i32 to index
      %get3A_773 = arith.constant 48 : index
      %get3A_774 = tpu.vector_load %arg10[%get3A_771, %get3A_772, %get3A_773] {strides = array<i32>} : memref<3x128x128xf32, #tpu.memory_space<vmem>>, vector<16xf32>,
      %add3A_775 = arith.addf %get3A_769, %get3A_774 : vector<16xf32>
      %swap3A_776 = arith.constant 0 : i32
      %swap3A_777 = arith.index_cast %swap3A_776 : i32 to index
      %swap3A_778 = arith.index_cast %scan3A_716 : i32 to index
      %swap3A_779 = arith.constant 48 : index
      %swap3A_780 = tpu.vector_load %arg9[%swap3A_777, %swap3A_778, %swap3A_779] {strides = array<i32>} : memref<3x128x128xf32, #tpu.memory_space<vmem>>, vector<16xf32>,
      tpu.vector_store %arg9[%swap3A_777, %swap3A_778, %swap3A_779], %add3A_775 {strides = array<i32>} : memref<3x128x128xf32, #tpu.memory_space<vmem>>, vector<16xf32>,
      %get3A_781 = arith.constant 0 : i32
      %get3A_782 = arith.index_cast %get3A_781 : i32 to index
      %get3A_783 = arith.index_cast %scan3A_716 : i32 to index
      %get3A_784 = arith.constant 64 : index
      %get3A_785 = tpu.vector_load %arg9[%get3A_782, %get3A_783, %get3A_784] {strides = array<i32>} : memref<3x128x128xf32, #tpu.memory_space<vmem>>, vector<16xf32>,
      %get3A_786 = arith.constant 0 : i32
      %get3A_787 = arith.index_cast %get3A_786 : i32 to index
      %get3A_788 = arith.index_cast %scan3A_716 : i32 to index
      %get3A_789 = arith.constant 64 : index
      %get3A_790 = tpu.vector_load %arg10[%get3A_787, %get3A_788, %get3A_789] {strides = array<i32>} : memref<3x128x128xf32, #tpu.memory_space<vmem>>, vector<16xf32>,
      %add3A_791 = arith.addf %get3A_785, %get3A_790 : vector<16xf32>
      %swap3A_792 = arith.constant 0 : i32
      %swap3A_793 = arith.index_cast %swap3A_792 : i32 to index
      %swap3A_794 = arith.index_cast %scan3A_716 : i32 to index
      %swap3A_795 = arith.constant 64 : index
      %swap3A_796 = tpu.vector_load %arg9[%swap3A_793, %swap3A_794, %swap3A_795] {strides = array<i32>} : memref<3x128x128xf32, #tpu.memory_space<vmem>>, vector<16xf32>,
      tpu.vector_store %arg9[%swap3A_793, %swap3A_794, %swap3A_795], %add3A_791 {strides = array<i32>} : memref<3x128x128xf32, #tpu.memory_space<vmem>>, vector<16xf32>,
      %get3A_797 = arith.constant 0 : i32
      %get3A_798 = arith.index_cast %get3A_797 : i32 to index
      %get3A_799 = arith.index_cast %scan3A_716 : i32 to index
      %get3A_800 = arith.constant 80 : index
      %get3A_801 = tpu.vector_load %arg9[%get3A_798, %get3A_799, %get3A_800] {strides = array<i32>} : memref<3x128x128xf32, #tpu.memory_space<vmem>>, vector<16xf32>,
      %get3A_802 = arith.constant 0 : i32
      %get3A_803 = arith.index_cast %get3A_802 : i32 to index
      %get3A_804 = arith.index_cast %scan3A_716 : i32 to index
      %get3A_805 = arith.constant 80 : index
      %get3A_806 = tpu.vector_load %arg10[%get3A_803, %get3A_804, %get3A_805] {strides = array<i32>} : memref<3x128x128xf32, #tpu.memory_space<vmem>>, vector<16xf32>,
      %add3A_807 = arith.addf %get3A_801, %get3A_806 : vector<16xf32>
      %swap3A_808 = arith.constant 0 : i32
      %swap3A_809 = arith.index_cast %swap3A_808 : i32 to index
      %swap3A_810 = arith.index_cast %scan3A_716 : i32 to index
      %swap3A_811 = arith.constant 80 : index
      %swap3A_812 = tpu.vector_load %arg9[%swap3A_809, %swap3A_810, %swap3A_811] {strides = array<i32>} : memref<3x128x128xf32, #tpu.memory_space<vmem>>, vector<16xf32>,
      tpu.vector_store %arg9[%swap3A_809, %swap3A_810, %swap3A_811], %add3A_807 {strides = array<i32>} : memref<3x128x128xf32, #tpu.memory_space<vmem>>, vector<16xf32>,
      %get3A_813 = arith.constant 0 : i32
      %get3A_814 = arith.index_cast %get3A_813 : i32 to index
      %get3A_815 = arith.index_cast %scan3A_716 : i32 to index
      %get3A_816 = arith.constant 96 : index
      %get3A_817 = tpu.vector_load %arg9[%get3A_814, %get3A_815, %get3A_816] {strides = array<i32>} : memref<3x128x128xf32, #tpu.memory_space<vmem>>, vector<16xf32>,
      %get3A_818 = arith.constant 0 : i32
      %get3A_819 = arith.index_cast %get3A_818 : i32 to index
      %get3A_820 = arith.index_cast %scan3A_716 : i32 to index
      %get3A_821 = arith.constant 96 : index
      %get3A_822 = tpu.vector_load %arg10[%get3A_819, %get3A_820, %get3A_821] {strides = array<i32>} : memref<3x128x128xf32, #tpu.memory_space<vmem>>, vector<16xf32>,
      %add3A_823 = arith.addf %get3A_817, %get3A_822 : vector<16xf32>
      %swap3A_824 = arith.constant 0 : i32
      %swap3A_825 = arith.index_cast %swap3A_824 : i32 to index
      %swap3A_826 = arith.index_cast %scan3A_716 : i32 to index
      %swap3A_827 = arith.constant 96 : index
      %swap3A_828 = tpu.vector_load %arg9[%swap3A_825, %swap3A_826, %swap3A_827] {strides = array<i32>} : memref<3x128x128xf32, #tpu.memory_space<vmem>>, vector<16xf32>,
      tpu.vector_store %arg9[%swap3A_825, %swap3A_826, %swap3A_827], %add3A_823 {strides = array<i32>} : memref<3x128x128xf32, #tpu.memory_space<vmem>>, vector<16xf32>,
      %get3A_829 = arith.constant 0 : i32
      %get3A_830 = arith.index_cast %get3A_829 : i32 to index
      %get3A_831 = arith.index_cast %scan3A_716 : i32 to index
      %get3A_832 = arith.constant 112 : index
      %get3A_833 = tpu.vector_load %arg9[%get3A_830, %get3A_831, %get3A_832] {strides = array<i32>} : memref<3x128x128xf32, #tpu.memory_space<vmem>>, vector<16xf32>,
      %get3A_834 = arith.constant 0 : i32
      %get3A_835 = arith.index_cast %get3A_834 : i32 to index
      %get3A_836 = arith.index_cast %scan3A_716 : i32 to index
      %get3A_837 = arith.constant 112 : index
      %get3A_838 = tpu.vector_load %arg10[%get3A_835, %get3A_836, %get3A_837] {strides = array<i32>} : memref<3x128x128xf32, #tpu.memory_space<vmem>>, vector<16xf32>,
      %add3A_839 = arith.addf %get3A_833, %get3A_838 : vector<16xf32>
      %swap3A_840 = arith.constant 0 : i32
      %swap3A_841 = arith.index_cast %swap3A_840 : i32 to index
      %swap3A_842 = arith.index_cast %scan3A_716 : i32 to index
      %swap3A_843 = arith.constant 112 : index
      %swap3A_844 = tpu.vector_load %arg9[%swap3A_841, %swap3A_842, %swap3A_843] {strides = array<i32>} : memref<3x128x128xf32, #tpu.memory_space<vmem>>, vector<16xf32>,
      tpu.vector_store %arg9[%swap3A_841, %swap3A_842, %swap3A_843], %add3A_839 {strides = array<i32>} : memref<3x128x128xf32, #tpu.memory_space<vmem>>, vector<16xf32>,
    }
    %scan3A_273 = arith.constant 128 : i32
    %add3A_274 = arith.constant 384 : i32
    %add3A_275 = arith.addi %mul3A_2, %add3A_274 : i32
    %dma_start3A_276 = arith.constant 0 : i32
    %dma_start3A_277 = arith.constant 0 : i32
    %dma_start3A_278 = arith.constant 0 : i32
    %dma_start3A_279 = tpu.memref_slice %arg9[%dma_start3A_276, %dma_start3A_277, %dma_start3A_278] : memref<3x128x128xf32, #tpu.memory_space<vmem>> -> memref<1x128x128xf32, #tpu.memory_space<vmem>>
    %dma_start3A_280 = tpu.memref_squeeze %dma_start3A_279 : memref<1x128x128xf32, #tpu.memory_space<vmem>> -> memref<128x128xf32, #tpu.memory_space<vmem>>
    %dma_start3A_281 = arith.constant 0 : i32
    %dma_start3A_282 = tpu.memref_slice %arg6[%add3A_275, %dma_start3A_281] : memref<16384x128xf32, #tpu.memory_space<hbm>> -> memref<128x128xf32, #tpu.memory_space<hbm>>
    %dma_start3A_283 = arith.constant 0 : i32
    %dma_start3A_284 = tpu.memref_slice %arg6[%add3A_275, %dma_start3A_283] : memref<16384x128xf32, #tpu.memory_space<hbm>> -> memref<128x128xf32, #tpu.memory_space<hbm>>
    %dma_start3A_285 = arith.constant 0 : i32
    %dma_start3A_286 = arith.constant 0 : i32
    %dma_start3A_287 = tpu.memref_slice %arg9[%dma_start3A_276, %dma_start3A_285, %dma_start3A_286] : memref<3x128x128xf32, #tpu.memory_space<vmem>> -> memref<1x128x128xf32, #tpu.memory_space<vmem>>
    %dma_start3A_288 = tpu.memref_squeeze %dma_start3A_287 : memref<1x128x128xf32, #tpu.memory_space<vmem>> -> memref<128x128xf32, #tpu.memory_space<vmem>>
    tpu.enqueue_dma source(%dma_start3A_288 : memref<128x128xf32, #tpu.memory_space<vmem>>) target(%dma_start3A_284 : memref<128x128xf32, #tpu.memory_space<hbm>>) target_semaphore(%arg13 : memref<!tpu.dma_semaphore, #tpu.memory_space<semaphore_mem>>)
    %dma_wait3A_289 = arith.constant 1 : i32
    %dma_wait3A_290 = arith.constant 0 : i32
    %dma_wait3A_291 = arith.constant 0 : i32
    %dma_wait3A_292 = tpu.memref_slice %arg9[%dma_wait3A_289, %dma_wait3A_290, %dma_wait3A_291] : memref<3x128x128xf32, #tpu.memory_space<vmem>> -> memref<1x128x128xf32, #tpu.memory_space<vmem>>
    %dma_wait3A_293 = tpu.memref_squeeze %dma_wait3A_292 : memref<1x128x128xf32, #tpu.memory_space<vmem>> -> memref<128x128xf32, #tpu.memory_space<vmem>>
    %dma_wait3A_294 = arith.constant 0 : i32
    %dma_wait3A_295 = tpu.memref_slice %arg6[%add3A_193, %dma_wait3A_294] : memref<16384x128xf32, #tpu.memory_space<hbm>> -> memref<128x128xf32, #tpu.memory_space<hbm>>
    %dma_wait3A_296 = arith.constant 0 : i32
    %dma_wait3A_297 = tpu.memref_slice %arg6[%add3A_193, %dma_wait3A_296] : memref<16384x128xf32, #tpu.memory_space<hbm>> -> memref<128x128xf32, #tpu.memory_space<hbm>>
    %dma_wait3A_298 = arith.constant 0 : i32
    %dma_wait3A_299 = arith.constant 0 : i32
    %dma_wait3A_300 = tpu.memref_slice %arg9[%dma_wait3A_289, %dma_wait3A_298, %dma_wait3A_299] : memref<3x128x128xf32, #tpu.memory_space<vmem>> -> memref<1x128x128xf32, #tpu.memory_space<vmem>>
    %dma_wait3A_301 = tpu.memref_squeeze %dma_wait3A_300 : memref<1x128x128xf32, #tpu.memory_space<vmem>> -> memref<128x128xf32, #tpu.memory_space<vmem>>
    tpu.wait_dma2 semaphore(%arg13 : memref<!tpu.dma_semaphore, #tpu.memory_space<semaphore_mem>>) src(%dma_wait3A_301 : memref<128x128xf32, #tpu.memory_space<vmem>>) dst(%dma_wait3A_297 : memref<128x128xf32, #tpu.memory_space<hbm>>)
    %dma_wait3A_302 = arith.constant 2 : i32
    %dma_wait3A_303 = arith.constant 0 : i32
    %dma_wait3A_304 = arith.constant 0 : i32
    %dma_wait3A_305 = tpu.memref_slice %arg9[%dma_wait3A_302, %dma_wait3A_303, %dma_wait3A_304] : memref<3x128x128xf32, #tpu.memory_space<vmem>> -> memref<1x128x128xf32, #tpu.memory_space<vmem>>
    %dma_wait3A_306 = tpu.memref_squeeze %dma_wait3A_305 : memref<1x128x128xf32, #tpu.memory_space<vmem>> -> memref<128x128xf32, #tpu.memory_space<vmem>>
    %dma_wait3A_307 = arith.constant 0 : i32
    %dma_wait3A_308 = tpu.memref_slice %arg6[%add3A_234, %dma_wait3A_307] : memref<16384x128xf32, #tpu.memory_space<hbm>> -> memref<128x128xf32, #tpu.memory_space<hbm>>
    %dma_wait3A_309 = arith.constant 0 : i32
    %dma_wait3A_310 = tpu.memref_slice %arg6[%add3A_234, %dma_wait3A_309] : memref<16384x128xf32, #tpu.memory_space<hbm>> -> memref<128x128xf32, #tpu.memory_space<hbm>>
    %dma_wait3A_311 = arith.constant 0 : i32
    %dma_wait3A_312 = arith.constant 0 : i32
    %dma_wait3A_313 = tpu.memref_slice %arg9[%dma_wait3A_302, %dma_wait3A_311, %dma_wait3A_312] : memref<3x128x128xf32, #tpu.memory_space<vmem>> -> memref<1x128x128xf32, #tpu.memory_space<vmem>>
    %dma_wait3A_314 = tpu.memref_squeeze %dma_wait3A_313 : memref<1x128x128xf32, #tpu.memory_space<vmem>> -> memref<128x128xf32, #tpu.memory_space<vmem>>
    tpu.wait_dma2 semaphore(%arg13 : memref<!tpu.dma_semaphore, #tpu.memory_space<semaphore_mem>>) src(%dma_wait3A_314 : memref<128x128xf32, #tpu.memory_space<vmem>>) dst(%dma_wait3A_310 : memref<128x128xf32, #tpu.memory_space<hbm>>)
    %dma_wait3A_315 = arith.constant 0 : i32
    %dma_wait3A_316 = arith.constant 0 : i32
    %dma_wait3A_317 = arith.constant 0 : i32
    %dma_wait3A_318 = tpu.memref_slice %arg9[%dma_wait3A_315, %dma_wait3A_316, %dma_wait3A_317] : memref<3x128x128xf32, #tpu.memory_space<vmem>> -> memref<1x128x128xf32, #tpu.memory_space<vmem>>
    %dma_wait3A_319 = tpu.memref_squeeze %dma_wait3A_318 : memref<1x128x128xf32, #tpu.memory_space<vmem>> -> memref<128x128xf32, #tpu.memory_space<vmem>>
    %dma_wait3A_320 = arith.constant 0 : i32
    %dma_wait3A_321 = tpu.memref_slice %arg6[%add3A_275, %dma_wait3A_320] : memref<16384x128xf32, #tpu.memory_space<hbm>> -> memref<128x128xf32, #tpu.memory_space<hbm>>
    %dma_wait3A_322 = arith.constant 0 : i32
    %dma_wait3A_323 = tpu.memref_slice %arg6[%add3A_275, %dma_wait3A_322] : memref<16384x128xf32, #tpu.memory_space<hbm>> -> memref<128x128xf32, #tpu.memory_space<hbm>>
    %dma_wait3A_324 = arith.constant 0 : i32
    %dma_wait3A_325 = arith.constant 0 : i32
    %dma_wait3A_326 = tpu.memref_slice %arg9[%dma_wait3A_315, %dma_wait3A_324, %dma_wait3A_325] : memref<3x128x128xf32, #tpu.memory_space<vmem>> -> memref<1x128x128xf32, #tpu.memory_space<vmem>>
    %dma_wait3A_327 = tpu.memref_squeeze %dma_wait3A_326 : memref<1x128x128xf32, #tpu.memory_space<vmem>> -> memref<128x128xf32, #tpu.memory_space<vmem>>
    tpu.wait_dma2 semaphore(%arg13 : memref<!tpu.dma_semaphore, #tpu.memory_space<semaphore_mem>>) src(%dma_wait3A_327 : memref<128x128xf32, #tpu.memory_space<vmem>>) dst(%dma_wait3A_323 : memref<128x128xf32, #tpu.memory_space<hbm>>)
    return
  }
}

module attributes {stable_mosaic.version = 14 : i64} {
  func.func @_ln_tc_kernel(%arg0: i32, %arg1: memref<4096x128xf32, #tpu.memory_space<vmem>>, %arg2: memref<4096x1xi32, #tpu.memory_space<vmem>>, %arg3: memref<2x128xf32, #tpu.memory_space<vmem>>, %arg4: memref<1x128xf32, #tpu.memory_space<vmem>>, %arg5: memref<1x128xf32, #tpu.memory_space<vmem>>, %arg6: memref<1x4096x128xf32, #tpu.memory_space<vmem>>) attributes {dimension_semantics = [#tpu.dimension_semantics<arbitrary>], iteration_bounds = array<i64: 4>, scalar_prefetch = 0 : i64, scratch_operands = 0 : i64, tpu.core_type = #tpu.core_type<tc>, window_params = [{transform_indices = @transform_0, window_bounds = array<i64: 4096, 128>}, {transform_indices = @transform_1, window_bounds = array<i64: 4096, 1>}, {pipeline_mode = #tpu.pipeline_mode<synchronous>, transform_indices = @transform_2, window_bounds = array<i64: 2, 128>}, {pipeline_mode = #tpu.pipeline_mode<synchronous>, transform_indices = @transform_3, window_bounds = array<i64: 1, 128>}, {pipeline_mode = #tpu.pipeline_mode<synchronous>, transform_indices = @transform_4, window_bounds = array<i64: 1, 128>}, {transform_indices = @transform_5, window_bounds = array<i64: 1, 4096, 128>}]} {
    %get3A = arith.constant 0 : index
    %get3A_0 = arith.constant 0 : index
    %get3A_1 = vector.load %arg1[%get3A, %get3A_0] : memref<4096x128xf32, #tpu.memory_space<vmem>>, vector<4096x128xf32>
    %get3A_2 = arith.constant 0 : index
    %get3A_3 = arith.constant 0 : index
    %get3A_4 = vector.load %arg2[%get3A_2, %get3A_3] : memref<4096x1xi32, #tpu.memory_space<vmem>>, vector<4096x1xi32>
    %convert_element_type3A = arith.sitofp %get3A_4 : vector<4096x1xi32> to vector<4096x1xf32>
    %get3A_5 = arith.constant 0 : index
    %get3A_6 = arith.constant 0 : index
    %get3A_7 = vector.load %arg3[%get3A_5, %get3A_6] : memref<2x128xf32, #tpu.memory_space<vmem>>, vector<1x128xf32>
    %get3A_8 = arith.constant 1 : index
    %get3A_9 = arith.constant 0 : index
    %get3A_10 = vector.load %arg3[%get3A_8, %get3A_9] : memref<2x128xf32, #tpu.memory_space<vmem>>, vector<1x128xf32>
    %add3A = vector.broadcast %get3A_7 : vector<1x128xf32> to vector<4096x128xf32>
    %add3A_11 = arith.addf %get3A_1, %add3A : vector<4096x128xf32>
    %sub3A = arith.subf %get3A_10, %get3A_7 : vector<1x128xf32>
    %mul3A = vector.broadcast %convert_element_type3A : vector<4096x1xf32> to vector<4096x128xf32>
    %mul3A_12 = vector.broadcast %sub3A : vector<1x128xf32> to vector<4096x128xf32>
    %mul3A_13 = arith.mulf %mul3A, %mul3A_12 : vector<4096x128xf32>
    %add3A_14 = arith.addf %add3A_11, %mul3A_13 : vector<4096x128xf32>
    %reduce_sum3A = arith.constant dense<0.000000e+00> : vector<4096xf32>
    %reduce_sum3A_15 = vector.multi_reduction <add>, %add3A_14, %reduce_sum3A [1] : vector<4096x128xf32> to vector<4096xf32>
    %broadcast_in_dim3A = vector.shape_cast %reduce_sum3A_15 : vector<4096xf32> to vector<4096x1xf32>
    %div3A = arith.constant 1.280000e+02 : f32
    %div3A_16 = vector.broadcast %div3A : f32 to vector<4096x1xf32>
    %div3A_17 = arith.divf %broadcast_in_dim3A, %div3A_16 : vector<4096x1xf32>
    %sub3A_18 = vector.broadcast %div3A_17 : vector<4096x1xf32> to vector<4096x128xf32>
    %sub3A_19 = arith.subf %add3A_14, %sub3A_18 : vector<4096x128xf32>
    %square3A = arith.mulf %sub3A_19, %sub3A_19 : vector<4096x128xf32>
    %reduce_sum3A_20 = arith.constant dense<0.000000e+00> : vector<4096xf32>
    %reduce_sum3A_21 = vector.multi_reduction <add>, %square3A, %reduce_sum3A_20 [1] : vector<4096x128xf32> to vector<4096xf32>
    %broadcast_in_dim3A_22 = vector.shape_cast %reduce_sum3A_21 : vector<4096xf32> to vector<4096x1xf32>
    %div3A_23 = arith.constant 1.280000e+02 : f32
    %div3A_24 = vector.broadcast %div3A_23 : f32 to vector<4096x1xf32>
    %div3A_25 = arith.divf %broadcast_in_dim3A_22, %div3A_24 : vector<4096x1xf32>
    %sub3A_26 = vector.broadcast %div3A_17 : vector<4096x1xf32> to vector<4096x128xf32>
    %sub3A_27 = arith.subf %add3A_14, %sub3A_26 : vector<4096x128xf32>
    %add3A_28 = arith.constant 9.99999997E-7 : f32
    %add3A_29 = vector.broadcast %add3A_28 : f32 to vector<4096x1xf32>
    %add3A_30 = arith.addf %div3A_25, %add3A_29 : vector<4096x1xf32>
    %rsqrt3A = math.rsqrt %add3A_30 : vector<4096x1xf32>
    %mul3A_31 = vector.broadcast %rsqrt3A : vector<4096x1xf32> to vector<4096x128xf32>
    %mul3A_32 = arith.mulf %sub3A_27, %mul3A_31 : vector<4096x128xf32>
    %get3A_33 = arith.constant 0 : index
    %get3A_34 = arith.constant 0 : index
    %get3A_35 = vector.load %arg4[%get3A_33, %get3A_34] : memref<1x128xf32, #tpu.memory_space<vmem>>, vector<1x128xf32>
    %get3A_36 = vector.shape_cast %get3A_35 : vector<1x128xf32> to vector<128xf32>
    %broadcast_in_dim3A_37 = vector.shape_cast %get3A_36 : vector<128xf32> to vector<1x128xf32>
    %mul3A_38 = vector.broadcast %broadcast_in_dim3A_37 : vector<1x128xf32> to vector<4096x128xf32>
    %mul3A_39 = arith.mulf %mul3A_32, %mul3A_38 : vector<4096x128xf32>
    %get3A_40 = arith.constant 0 : index
    %get3A_41 = arith.constant 0 : index
    %get3A_42 = vector.load %arg5[%get3A_40, %get3A_41] : memref<1x128xf32, #tpu.memory_space<vmem>>, vector<1x128xf32>
    %get3A_43 = vector.shape_cast %get3A_42 : vector<1x128xf32> to vector<128xf32>
    %broadcast_in_dim3A_44 = vector.shape_cast %get3A_43 : vector<128xf32> to vector<1x128xf32>
    %add3A_45 = vector.broadcast %broadcast_in_dim3A_44 : vector<1x128xf32> to vector<4096x128xf32>
    %add3A_46 = arith.addf %mul3A_39, %add3A_45 : vector<4096x128xf32>
    %swap3A = arith.constant 0 : index
    %swap3A_47 = arith.constant 0 : index
    %swap3A_48 = arith.constant 0 : index
    %swap3A_49 = vector.load %arg6[%swap3A, %swap3A_47, %swap3A_48] : memref<1x4096x128xf32, #tpu.memory_space<vmem>>, vector<1x4096x128xf32>
    %swap3A_50 = vector.shape_cast %swap3A_49 : vector<1x4096x128xf32> to vector<4096x128xf32>
    %swap3A_51 = vector.shape_cast %add3A_46 : vector<4096x128xf32> to vector<1x4096x128xf32>
    tpu.vector_store %arg6[%swap3A, %swap3A_47, %swap3A_48], %swap3A_51 {strides = array<i32>} : memref<1x4096x128xf32, #tpu.memory_space<vmem>>, vector<1x4096x128xf32>,
    return
  }
  func.func @transform_0(%arg0: i32) -> (i32, i32) {
    %c0_i32 = arith.constant 0 : i32
    %c0_i32_0 = arith.constant 0 : i32
    return %arg0, %c0_i32 : i32, i32
  }
  func.func @transform_1(%arg0: i32) -> (i32, i32) {
    %c0_i32 = arith.constant 0 : i32
    %c0_i32_0 = arith.constant 0 : i32
    return %arg0, %c0_i32 : i32, i32
  }
  func.func @transform_2(%arg0: i32) -> (i32, i32) {
    %c0_i32 = arith.constant 0 : i32
    %c0_i32_0 = arith.constant 0 : i32
    %c0_i32_1 = arith.constant 0 : i32
    return %c0_i32, %c0_i32_0 : i32, i32
  }
  func.func @transform_3(%arg0: i32) -> (i32, i32) {
    %c0_i32 = arith.constant 0 : i32
    %c0_i32_0 = arith.constant 0 : i32
    %c0_i32_1 = arith.constant 0 : i32
    return %c0_i32, %c0_i32_0 : i32, i32
  }
  func.func @transform_4(%arg0: i32) -> (i32, i32) {
    %c0_i32 = arith.constant 0 : i32
    %c0_i32_0 = arith.constant 0 : i32
    %c0_i32_1 = arith.constant 0 : i32
    return %c0_i32, %c0_i32_0 : i32, i32
  }
  func.func @transform_5(%arg0: i32) -> (i32, i32, i32) {
    %jit3A = arith.constant 1 : i32
    %div3A = arith.divsi %arg0, %jit3A : i32
    %sign3A = arith.constant 0 : i32
    %sign3A_0 = arith.cmpi sgt, %arg0, %sign3A : i32
    %sign3A_1 = arith.extui %sign3A_0 : i1 to i32
    %sign3A_2 = arith.constant 0 : i32
    %sign3A_3 = arith.cmpi slt, %arg0, %sign3A_2 : i32
    %sign3A_4 = arith.extui %sign3A_3 : i1 to i32
    %sign3A_5 = arith.subi %sign3A_1, %sign3A_4 : i32
    %sign3A_6 = arith.constant 0 : i32
    %sign3A_7 = arith.cmpi sgt, %jit3A, %sign3A_6 : i32
    %sign3A_8 = arith.extui %sign3A_7 : i1 to i32
    %sign3A_9 = arith.constant 0 : i32
    %sign3A_10 = arith.cmpi slt, %jit3A, %sign3A_9 : i32
    %sign3A_11 = arith.extui %sign3A_10 : i1 to i32
    %sign3A_12 = arith.subi %sign3A_8, %sign3A_11 : i32
    %ne3A = arith.cmpi ne, %sign3A_5, %sign3A_12 : i32
    %rem3A = arith.remsi %arg0, %jit3A : i32
    %ne3A_13 = arith.constant 0 : i32
    %ne3A_14 = arith.cmpi ne, %rem3A, %ne3A_13 : i32
    %and3A = arith.andi %ne3A, %ne3A_14 : i1
    %sub3A = arith.constant 1 : i32
    %sub3A_15 = arith.subi %div3A, %sub3A : i32
    %select_n3A = arith.select %and3A, %sub3A_15, %div3A : i32
    %jit3A_16 = arith.constant 1 : i32
    %eq3A = arith.constant 0 : i32
    %eq3A_17 = arith.cmpi eq, %jit3A_16, %eq3A : i32
    %jit3A_18 = arith.constant 1 : i32
    %select_n3A_19 = arith.select %eq3A_17, %jit3A_18, %jit3A_16 : i32
    %rem3A_20 = arith.remsi %arg0, %select_n3A_19 : i32
    %ne3A_21 = arith.constant 0 : i32
    %ne3A_22 = arith.cmpi ne, %rem3A_20, %ne3A_21 : i32
    %lt3A = arith.constant 0 : i32
    %lt3A_23 = arith.cmpi slt, %rem3A_20, %lt3A : i32
    %lt3A_24 = arith.constant 0 : i32
    %lt3A_25 = arith.cmpi slt, %select_n3A_19, %lt3A_24 : i32
    %ne3A_26 = arith.xori %lt3A_23, %lt3A_25 : i1
    %and3A_27 = arith.andi %ne3A_26, %ne3A_22 : i1
    %add3A = arith.addi %rem3A_20, %select_n3A_19 : i32
    %select_n3A_28 = arith.select %and3A_27, %add3A, %rem3A_20 : i32
    %c0_i32 = arith.constant 0 : i32
    %c0_i32_29 = arith.constant 0 : i32
    return %select_n3A, %select_n3A_28, %c0_i32 : i32, i32, i32
  }
}

</mosaic_0001>

<sc_bundles>
// kernel: _run.4.cloned.1.call-start
scs
__scs_entry_jumppad:
0x0: {  	(pc) =	sbr.rel $0x88, $3  }
0x1: {  	(tag) =	ssettag $0x0;
	lr =	simm.s32 $0x1  }
0x2: {  	[smem:$0x3F99] =	sst lr;
	_ =	strace $0xD0000000  }
0x3: {  	_ = 	snop  }
0x4: {  	_ = 	snop  }
0x5: {  	_ = 	snop  }
0x6: {  	_ = 	snop  }
0x7: {  	_ = 	snop  }
__scs_overlays_trampoline_lowered:
0x8: {  	[smem:$0x3FA8] =	sst s0  }
0x9: {  	[smem:$0x3FA9] =	sst s1  }
0xa: {  	[smem:$0x3FAA] =	sst s2  }
0xb: {  	[smem:$0x3FAB] =	sst s3  }
0xc: {  	[smem:$0x3FAC] =	sst s4  }
0xd: {  	[smem:$0x3FAD] =	sst s5  }
0xe: {  	[smem:$0x3FAE] =	sst s6  }
0xf: {  	[smem:$0x3FAF] =	sst s7  }
0x10: {  	[smem:$0x3FB0] =	sst s8  }
0x11: {  	[smem:$0x3FB1] =	sst s9;
	s0 =	simm.s32 @!p0 $0x0  }
0x12: {  	s1 =	sld [smem:$0x3F97];
	s0 =	simm.s32 @p0 $0x1  }
0x13: {  	[smem:$0x3FB2] =	sst s0;
	s0 =	simm.s32 @!p1 $0x0  }
0x14: {  	s2 =	sld [smem:$0x3F96];
	s0 =	simm.s32 @p1 $0x1  }
0x15: {  	[smem:$0x3FB3] =	sst s0;
	s0 =	simm.s32 @!p2 $0x0  }
0x16: {  	s3 =	sld [smem:$0x3FDB];
	s0 =	simm.s32 @p2 $0x1  }
0x17: {  	s4 =	simm.s32 $0x1BF5;
	[smem:$0x3FB5] =	sst s0  }
0x18: {  	s0 =	sld [smem:$0x3F98];
	_ =	swait.ge [sflag:s4], $0x0  }
0x19: {  	s7 =	sld [smem:$0x3F99]  }
0x1a: {  	s8 =	sadd.s32 $0xFFFFE003, lr  }
0x1b: {  	s9 =	sadd.s32 $0xFFFFFEF7, lr;
	s5 =	simm.s32 $0xFFFFFFFF;
	p2 =	slt.u32 s8, $0xFFFFF086  }
0x1c: {  	p1 =	slt.u32 s9, $0xF7A;
	s5 =	simm.s32 @!p2 $0x0  }
0x1d: {  	s5 =	simm.s32 @p1 $0x1;
	p0 =	seq.s32 s7, s2  }
0x1e: {  	s7 =	smul.u32 @!p0 $0xF7A, s2;
	p2 =	seq.s32 @!p0 s5, $0x0  }
0x1f: {  	s9 =	smul.u32 $0xF7A, s1;
	s8 =	simm.s32 @!p0 $0x1BF5;
	p2 =	por !p2, p0  }
0x20: {  	[sflag:s8] =	ssyncset.s32 @!p0 $0xFFFFF086;
	s6 =	sadd.s32 @!p0 s3, s7;
	s7 =	simm.s32 @!p0 $0x108  }
0x21: {  	s3 =	sadd.s32 s3, s9;
	s6 =	sadd.s32 @!p0 $0x88, s6;
	s7 =	simm.s32 @p2 $0x1082  }
0x22: {  	[simem:s7], [sflag:s8] =	dma.local @!p0 [hbm:s6], $0xF7A  }
0x23: {  	s9 =	sor.u32 $0xD0000000, s2;
	s6 =	simm.s32 $0x108;
	_ =	swait.ge @!p0 [sflag:s8], $0x0  }
0x24: {  	s3 =	sadd.s32 $0x88, s3;
	s6 =	simm.s32 @!p1 $0x1082;
	[sflag:s4] =	ssyncset.s32 $0xFFFFF086  }
0x25: {  	[simem:s6], [sflag:s4] =	dma.local [hbm:s3], $0xF7A  }
0x26: {  	[smem:$0x3F99] =	sst s1;
	(tag) =	ssettag s2;
	_ =	strace s9  }
0x27: {  	s1 =	sld [smem:$0x3FA9]  }
0x28: {  	s2 =	sld [smem:$0x3FAA]  }
0x29: {  	s4 =	sld [smem:$0x3FAC]  }
0x2a: {  	p0 =	seq.s32 s5, $0x0;
	s5 =	sld [smem:$0x3FAD]  }
0x2b: {  	s6 =	sld [smem:$0x3FAE]  }
0x2c: {  	s7 =	sld [smem:$0x3FAF]  }
0x2d: {  	s3 =	simm.s32 $0x108;
	s8 =	sld [smem:$0x3FB0]  }
0x2e: {  	s3 =	simm.s32 @!p0 $0x1082;
	s9 =	sld [smem:$0x3FB1]  }
0x2f: {  	lr =	sadd.s32 s0, s3;
	s0 =	sld [smem:$0x3FA8]  }
0x30: {  	s3 =	sld [smem:$0x3FAB]  }
0x31: {  	[smem:$0x3FB4] =	sst s10  }
0x32: {  	s10 =	sld [smem:$0x3FB2];
	_ =	sdelay $0x3  }
0x33: {  	p0 =	seq.s32 s10, $0x1;
	s10 =	sld [smem:$0x3FB4];
	_ =	sdelay $0x3  }
0x34: {  	[smem:$0x3FB4] =	sst s10  }
0x35: {  	s10 =	sld [smem:$0x3FB3];
	_ =	sdelay $0x3  }
0x36: {  	p1 =	seq.s32 s10, $0x1;
	s10 =	sld [smem:$0x3FB4];
	_ =	sdelay $0x3  }
0x37: {  	[smem:$0x3FB4] =	sst s10  }
0x38: {  	s10 =	sld [smem:$0x3FB5]  }
0x39: {  	_ = 	snop;
	(pc) =	sbr.ind lr, $3  }
0x3a: {  	_ = 	snop  }
0x3b: {  	_ = 	snop  }
0x3c: {  	p2 =	seq.s32 s10, $0x1;
	s10 =	sld [smem:$0x3FB4]  }
0x3d: {  	_ =	shalt  }
0x3e: {  	_ =	shalt  }
0x3f: {  	_ =	shalt  }
0x40: {  	_ =	shalt  }
0x41: {  	_ =	shalt  }
0x42: {  	_ =	shalt  }
0x43: {  	_ =	shalt  }
0x44: {  	_ =	shalt  }
0x45: {  	_ =	shalt  }
0x46: {  	_ =	shalt  }
0x47: {  	_ =	shalt  }
0x48: {  	_ =	shalt  }
0x49: {  	_ =	shalt  }
0x4a: {  	_ =	shalt  }
0x4b: {  	_ =	shalt  }
0x4c: {  	_ =	shalt  }
0x4d: {  	_ =	shalt  }
0x4e: {  	_ =	shalt  }
0x4f: {  	_ =	shalt  }
0x50: {  	_ =	shalt  }
0x51: {  	_ =	shalt  }
0x52: {  	_ =	shalt  }
0x53: {  	_ =	shalt  }
0x54: {  	_ =	shalt  }
0x55: {  	_ =	shalt  }
0x56: {  	_ =	shalt  }
0x57: {  	_ =	shalt  }
0x58: {  	_ =	shalt  }
0x59: {  	_ =	shalt  }
0x5a: {  	_ =	shalt  }
0x5b: {  	_ =	shalt  }
0x5c: {  	_ =	shalt  }
0x5d: {  	_ =	shalt  }
0x5e: {  	_ =	shalt  }
0x5f: {  	_ =	shalt  }
0x60: {  	_ =	shalt  }
0x61: {  	_ =	shalt  }
0x62: {  	_ =	shalt  }
0x63: {  	_ =	shalt  }
0x64: {  	_ =	shalt  }
0x65: {  	_ =	shalt  }
0x66: {  	_ =	shalt  }
0x67: {  	_ =	shalt  }
0x68: {  	_ =	shalt  }
0x69: {  	_ =	shalt  }
0x6a: {  	_ =	shalt  }
0x6b: {  	_ =	shalt  }
0x6c: {  	_ =	shalt  }
0x6d: {  	_ =	shalt  }
0x6e: {  	_ =	shalt  }
0x6f: {  	_ =	shalt  }
0x70: {  	_ =	shalt  }
0x71: {  	_ =	shalt  }
0x72: {  	_ =	shalt  }
0x73: {  	_ =	shalt  }
0x74: {  	_ =	shalt  }
0x75: {  	_ =	shalt  }
0x76: {  	_ =	shalt  }
0x77: {  	_ =	shalt  }
0x78: {  	_ =	shalt  }
0x79: {  	_ =	shalt  }
0x7a: {  	_ =	shalt  }
0x7b: {  	_ =	shalt  }
0x7c: {  	_ =	shalt  }
0x7d: {  	_ =	shalt  }
0x7e: {  	_ =	shalt  }
0x7f: {  	_ =	shalt  }
0x80: {  	_ =	shalt  }
0x81: {  	_ =	shalt  }
0x82: {  	_ =	shalt  }
0x83: {  	_ =	shalt  }
0x84: {  	_ =	shalt  }
0x85: {  	_ =	shalt  }
0x86: {  	_ =	shalt  }
0x87: {  	_ =	shalt  }
.Lfunc_end0:
.L_simem_size_0:
called_computation_lowered:
.L_overlay_start_0:
0x88: {  	s2 =	sld [smem:$0x3FD9]  }
0x89: {  	s3 =	sld [smem:$0x3FFE];
	_ =	sdelay $0x1  }
0x8a: {  	s1 =	srdreg.scid  }
0x8b: {  	s0 =	sand.u32 $0x1, s1  }
0x8c: {  	s18 =	sshll.u32 s0, $0xA;
	s2 =	sadd.s32 s3, s2  }
0x8d: {  	s2 =	sadd.s32 s2, s18  }
0x8e: {  	[smem:$0x3FC0] =	sst s2  }
0x8f: {  	_ = 	snop  }
0x90: {  	s2 =	sld [smem:$0x3FC9]  }
0x91: {  	s19 =	sld [smem:$0x3FC8]  }
0x92: {  	s4 =	sld [smem:$0x3FC6]  }
0x93: {  	s5 =	sld [smem:$0x3FC5]  }
0x94: {  	s6 =	sld [smem:$0x3FD0];
	(tm) =	ssettm $0x1  }
0x95: {  	s7 =	sld [smem:$0x3FFB];
	_ =	sdelay $0x3  }
0x96: {  	_ =	strace s7  }
0x97: {  	s7 =	sld [smem:$0x3FFC];
	_ =	sdelay $0x3  }
0x98: {  	_ =	strace s7  }
0x99: {  	s7 =	sld [smem:$0x3FFD];
	_ =	sdelay $0x3  }
0x9a: {  	_ =	strace s7  }
0x9b: {  	_ =	strace $0x8FFFFFFF  }
0x9c: {  	s20 =	sld [smem:$0x3FDB];
	_ =	sdelay $0x1  }
0x9d: {  	s8 =	simm.s32 $_scs_section_size  }
0x9e: {  	s9 =	simm.s32 $_size__tile_overlayer_lowered;
	s10 =	simm.s32 $_tile_overlayer_lowered  }
0x9f: {  	s23 =	simm.s32 $0x1BFF;
	s22 =	sshll.u32 s10, $0x1;
	s7 =	sadd.s32 s8, s20  }
0xa0: {  	s11 =	simm.s32 $0x0;
	s21 =	sshll.u32 s9, $0x1;
	s9 =	sadd.s32 s22, s7  }
0xa1: {  	[timem:s11], [sflag:s23] =	dma.local [hbm:s9], s21  }
0xa2: {  	_ =	swait.ge [sflag:s23], s21  }
0xa3: {  	s8 =	ssub.s32 $0x0, s21;
	[sflag:s23] =	ssyncset.done $0x0  }
0xa4: {  	[sflag:s23] =	ssyncadd.s32 s8;
	_ =	sdelay $0x1  }
0xa5: {  	s24 =	simm.s32 $0x1B8B  }
0xa6: {  	_ =	swait.ge [sflag:s24], $0x1  }
0xa7: {  	[sflag:s24] =	ssyncset.done $0x0  }
0xa8: {  	s25 =	simm.s32 $0x1B8E;
	[sflag:s24] =	ssyncadd.s32 $0xFFFFFFFF  }
0xa9: {  	s26 =	simm.s32 $execute0_lowered;
	[smem:$0x3FD2] =	sst s25  }
0xaa: {  	s8 =	sshll.u32 s26, $0x1;
	_ =	strace $0x80000046;
	[dreg:$0x1] =	wrdreg $0xFFFFFFFF  }
0xab: {  	s28 =	simm.s32 $_size_execute0_lowered;
	s7 =	sadd.s32 s7, s8;
	[dreg:$0x0] =	wrdreg $0x0  }
0xac: {  	s8 =	sshll.u32 s28, $0x1;
	[dreg:$0x2] =	wrdreg s7  }
0xad: {  	[dreg:$0x3] =	wrdreg s8  }
0xae: {  	[dreg:$0x4] =	wrdreg $0xC0  }
0xaf: {  	_ =	task [dreg:s11], $0x5FFFF  }
0xb0: {  	[dreg:$0x1] =	wrdreg $0xFFFFFFFF  }
0xb1: {  	[dreg:$0x0] =	wrdreg $0x60  }
0xb2: {  	[dreg:$0x2] =	wrdreg s2  }
0xb3: {  	[dreg:$0x3] =	wrdreg s19  }
0xb4: {  	[dreg:$0x4] =	wrdreg s4  }
0xb5: {  	[dreg:$0x5] =	wrdreg s5  }
0xb6: {  	[dreg:$0x6] =	wrdreg s6  }
0xb7: {  	[dreg:$0x7] =	wrdreg $0x9  }
0xb8: {  	_ =	task.clear_ibuf [dreg:s11], $0x8FFFF;
	_ =	strace $0x90000046  }
0xb9: {  	s29 =	simm.s32 $0x9;
	_ =	strace $0x80000048  }
0xba: {  	_ =	swait.ge [sflag:s29], $0x1  }
0xbb: {  	[sflag:s29] =	ssyncadd.s32 $0xFFFFFFFF  }
0xbc: {  	_ =	strace $0x90000048  }
0xbd: {  	_ =	sfence  }
0xbe: {  	s30 =	sld [smem:$0x0];
	_ =	sdelay $0x2  }
0xbf: {  	s31 =	sshll.u32 s1, $0xD;
	s1 =	sshrl.u32 s1, $0x2  }
0xc0: {  	s3 =	sand.u32 $0x4000, s31;
	s1 =	sadd.s32 s1, s30  }
0xc1: {  	s0 =	sor.u32 s3, s0;
	s1 =	sshll.u32 s1, $0x11  }
0xc2: {  	s0 =	sor.u32 s1, s0  }
0xc3: {  	s0 =	sadd.s32 $0x8F2B, s0  }
0xc4: {  	[sflag:s0] =	ssyncadd.remote.s32 $0x1  }
0xc5: {  	_ =	sfence.sel $0xFFFF  }
0xc6: {  	[dreg:$0x0] =	wrdreg $0xFFFFFFFF;
	(pc) =	sbr.abs _section_cstart, $3  }
0xc7: {  	[dreg:$0x1] =	wrdreg $0xFFFFFFFF  }
0xc8: {  	_ =	task.clear_ibuf [dreg:s11], $0x2FFFF;
	_ =	strace $0x9FFFFFFF  }
0xc9: {  	(tm) =	ssettm $0x7FFFFFFF  }
tec
execute0_lowered:
.L_overlay_start_1:
0x0: {  	(tag) =	ssettag $0x1  }
0x1: {  	s0 =	rddreg [dreg:$0x0]  }
0x2: {  	s3 =	rddreg [dreg:$0x1]  }
0x3: {  	s1 =	rddreg [dreg:$0x2]  }
0x4: {  	s2 =	rddreg [dreg:$0x3]  }
0x5: {  	s5 =	rddreg [dreg:$0x4];
	s4 =	simm.s32 $0x0  }
0x6: {  	s6 =	srdreg.scid;
	s9 =	stileid.u32;
	s12 =	simm.s32 $0x80  }
0x7: {  	s13 =	simm.s32 $0x200;
	s14 =	simm.s32 $0x4;
	s15 =	simm.s32 $0x400  }
0x8: {  	s16 =	simm.s32 $0xC400;
	s17 =	simm.s32 $0x4400;
	s19 =	simm.s32 $0x10400  }
0x9: {  	s20 =	simm.s32 $0x1;
	s21 =	simm.s32 $0x2;
	s22 =	simm.s32 $0x100  }
0xa: {  	s23 =	simm.s32 $0x8400;
	s24 =	simm.s32 $0x300;
	s25 =	simm.s32 $0x14400  }
0xb: {  	s26 =	simm.s32 $0x3;
	s28 =	simm.s32 $0x180;
	s29 =	simm.s32 $0x380  }
0xc: {  	s30 =	simm.s32 $0x0;
	s6 =	sand.u32 $0x1, s6;
	s7 =	sshll.u32 s9, $0x1  }
0xd: {  	[smem:$0x7FF] =	sst s4;
	s9 =	sshll.u32 s9, $0x2;
	s7 =	sor.u32 s6, s7  }
0xe: {  	_ =	strace $0x80000047;
	s6 =	ssub.s32 $0x2, s6;
	s8 =	sshll.u32 s7, $0x8  }
0xf: {  	s10 =	sshrl.u32 s6, $0x1;
	s7 =	sshll.u32 s7, $0xD;
	s8 =	sor.u32 s9, s8  }
0x10: {  	s11 =	ssub.s32 s6, s10;
	s5 =	sadd.s32 s5, s7;
	s8 =	sand.u32 $0x730, s8  }
0x11: {  	s9 =	sadd.s32 $0x1000, s5;
	s10 =	sadd.s32 $0x1800, s5;
	s11 =	smax.u32 s11, $0x1  }
0x12: {  	s6 =	sadd.s32 s0, s8;
	s7 =	sadd.s32 s3, s8;
	s8 =	sadd.s32 $0x800, s5  }
.LBB2_1:
0x13: {  	[tilespmem:s4], [sflag:$0x4] =	stream.strided.gather [hbm4b:s6+s12], $0x200, s13, s12, $0x38;
	[tilespmem:$0x18400] =	vst v63  }
0x14: {  	_ =	swait.ge [sflag:s14], $0x200  }
0x15: {  	[sflag:s14] =	ssyncset.done $0x0  }
0x16: {  	[sflag:s14] =	ssyncadd.s32 $0xFFFFFE00  }
0x17: {  	[tilespmem:s13], [sflag:$0x4] =	stream.strided.gather [hbm4b:s7+s12], $0x200, s13, s12, $0x38;
	[tilespmem:$0x18400] =	vst v63  }
0x18: {  	_ =	swait.ge [sflag:s14], $0x200  }
0x19: {  	[sflag:s14] =	ssyncset.done $0x0  }
0x1a: {  	[sflag:s14] =	ssyncadd.s32 $0xFFFFFE00  }
0x1b: {  	[tilespmem:s15], [sflag:$0x1] =	stream.indirect.gather [hbm4b:s1+s12], $0x80, s4, s12, $0xb8;
	[tilespmem:$0x18400] =	vst v63  }
0x1c: {  	_ = 	snop  }
0x1d: {  	[tilespmem:s16], [sflag:$0x2] =	stream.indirect.gather [hbm4b:s2+s12], $0x80, s13, s12, $0xb8;
	[tilespmem:$0x18400] =	vst v63  }
0x1e: {  	_ = 	snop  }
0x1f: {  	[tilespmem:s17], [sflag:$0x1] =	stream.indirect.gather [hbm4b:s1+s12], $0x80, s12, s12, $0xb8;
	[tilespmem:$0x18400] =	vst v63  }
0x20: {  	s0 =	simm.s32 $0x280  }
0x21: {  	[tilespmem:s19], [sflag:$0x2] =	stream.indirect.gather [hbm4b:s2+s12], $0x80, s0, s12, $0xb8;
	[tilespmem:$0x18400] =	vst v63  }
0x22: {  	_ =	swait.ge [sflag:s20], $0x4000  }
0x23: {  	[sflag:s20] =	ssyncset.done $0x0  }
0x24: {  	[sflag:s20] =	ssyncadd.s32 $0xFFFFC000  }
0x25: {  	_ =	swait.ge [sflag:s21], $0x4000  }
0x26: {  	[sflag:s21] =	ssyncset.done $0x0  }
0x27: {  	[sflag:s21] =	ssyncadd.s32 $0xFFFFC000  }
0x28: {  	[tilespmem:s23], [sflag:$0x1] =	stream.indirect.gather [hbm4b:s1+s12], $0x80, s22, s12, $0xb8;
	[tilespmem:$0x18400] =	vst v63  }
0x29: {  	s31 =	simm.s32 $0x500  }
0x2a: {  	[tilespmem:s25], [sflag:$0x2] =	stream.indirect.gather [hbm4b:s2+s12], $0x80, s24, s12, $0xb8;
	[tilespmem:$0x18400] =	vst v63  }
0x2b: {  	s0 =	simm.s32 $0xC500;
	v0 =	vld [tilespmem:s31+$0xFFFFFF00]  }
0x2c: {  	v1 =	vld [tilespmem:s0+$0xFFFFFF00];
	_ =	sdelay $0x4  }
0x2d: {  	v0 =	vadd.f32 v1, v0;
	_ =	sdelay $0x1  }
0x2e: {  	[tilespmem:s31+$0xFFFFFF00] =	vst v0;
	v0 =	vld [tilespmem:s31+$0xFFFFFF10]  }
0x2f: {  	v1 =	vld [tilespmem:s0+$0xFFFFFF10];
	_ =	sdelay $0x4  }
0x30: {  	v0 =	vadd.f32 v1, v0;
	_ =	sdelay $0x1  }
0x31: {  	[tilespmem:s31+$0xFFFFFF10] =	vst v0;
	v0 =	vld [tilespmem:s31+$0xFFFFFF20]  }
0x32: {  	v1 =	vld [tilespmem:s0+$0xFFFFFF20];
	_ =	sdelay $0x4  }
0x33: {  	v0 =	vadd.f32 v1, v0;
	_ =	sdelay $0x1  }
0x34: {  	[tilespmem:s31+$0xFFFFFF20] =	vst v0;
	v0 =	vld [tilespmem:s31+$0xFFFFFF30]  }
0x35: {  	v1 =	vld [tilespmem:s0+$0xFFFFFF30];
	_ =	sdelay $0x4  }
0x36: {  	v0 =	vadd.f32 v1, v0;
	_ =	sdelay $0x1  }
0x37: {  	[tilespmem:s31+$0xFFFFFF30] =	vst v0;
	v0 =	vld [tilespmem:s31+$0xFFFFFF40]  }
0x38: {  	v1 =	vld [tilespmem:s0+$0xFFFFFF40];
	_ =	sdelay $0x4  }
0x39: {  	v0 =	vadd.f32 v1, v0;
	_ =	sdelay $0x1  }
0x3a: {  	[tilespmem:s31+$0xFFFFFF40] =	vst v0;
	v0 =	vld [tilespmem:s31+$0xFFFFFF50]  }
0x3b: {  	v1 =	vld [tilespmem:s0+$0xFFFFFF50];
	_ =	sdelay $0x4  }
0x3c: {  	v0 =	vadd.f32 v1, v0;
	_ =	sdelay $0x1  }
0x3d: {  	[tilespmem:s31+$0xFFFFFF50] =	vst v0;
	v0 =	vld [tilespmem:s31+$0xFFFFFF60]  }
0x3e: {  	v1 =	vld [tilespmem:s0+$0xFFFFFF60];
	_ =	sdelay $0x4  }
0x3f: {  	v0 =	vadd.f32 v1, v0;
	_ =	sdelay $0x1  }
0x40: {  	[tilespmem:s31+$0xFFFFFF60] =	vst v0;
	v0 =	vld [tilespmem:s31+$0xFFFFFF70]  }
0x41: {  	v1 =	vld [tilespmem:s0+$0xFFFFFF70];
	_ =	sdelay $0x4  }
0x42: {  	v0 =	vadd.f32 v1, v0;
	_ =	sdelay $0x1  }
0x43: {  	[tilespmem:s31+$0xFFFFFF70] =	vst v0;
	v0 =	vld [tilespmem:s31+$0xFFFFFF80]  }
0x44: {  	v1 =	vld [tilespmem:s0+$0xFFFFFF80];
	_ =	sdelay $0x4  }
0x45: {  	v0 =	vadd.f32 v1, v0;
	_ =	sdelay $0x1  }
0x46: {  	[tilespmem:s31+$0xFFFFFF80] =	vst v0;
	v0 =	vld [tilespmem:s31+$0xFFFFFF90]  }
0x47: {  	v1 =	vld [tilespmem:s0+$0xFFFFFF90];
	_ =	sdelay $0x4  }
0x48: {  	v0 =	vadd.f32 v1, v0;
	_ =	sdelay $0x1  }
0x49: {  	[tilespmem:s31+$0xFFFFFF90] =	vst v0;
	v0 =	vld [tilespmem:s31+$0xFFFFFFA0]  }
0x4a: {  	v1 =	vld [tilespmem:s0+$0xFFFFFFA0];
	_ =	sdelay $0x4  }
0x4b: {  	v0 =	vadd.f32 v1, v0;
	_ =	sdelay $0x1  }
0x4c: {  	[tilespmem:s31+$0xFFFFFFA0] =	vst v0;
	v0 =	vld [tilespmem:s31+$0xFFFFFFB0]  }
0x4d: {  	v1 =	vld [tilespmem:s0+$0xFFFFFFB0];
	_ =	sdelay $0x4  }
0x4e: {  	v0 =	vadd.f32 v1, v0;
	_ =	sdelay $0x1  }
0x4f: {  	[tilespmem:s31+$0xFFFFFFB0] =	vst v0;
	v0 =	vld [tilespmem:s31+$0xFFFFFFC0]  }
0x50: {  	v1 =	vld [tilespmem:s0+$0xFFFFFFC0];
	_ =	sdelay $0x4  }
0x51: {  	v0 =	vadd.f32 v1, v0;
	_ =	sdelay $0x1  }
0x52: {  	[tilespmem:s31+$0xFFFFFFC0] =	vst v0;
	v0 =	vld [tilespmem:s31+$0xFFFFFFD0]  }
0x53: {  	v1 =	vld [tilespmem:s0+$0xFFFFFFD0];
	_ =	sdelay $0x4  }
0x54: {  	v0 =	vadd.f32 v1, v0;
	_ =	sdelay $0x1  }
0x55: {  	[tilespmem:s31+$0xFFFFFFD0] =	vst v0;
	v0 =	vld [tilespmem:s31+$0xFFFFFFE0]  }
0x56: {  	v1 =	vld [tilespmem:s0+$0xFFFFFFE0];
	_ =	sdelay $0x4  }
0x57: {  	v0 =	vadd.f32 v1, v0;
	_ =	sdelay $0x1  }
0x58: {  	[tilespmem:s31+$0xFFFFFFE0] =	vst v0;
	v0 =	vld [tilespmem:s31+$0xFFFFFFF0]  }
0x59: {  	v1 =	vld [tilespmem:s0+$0xFFFFFFF0];
	_ =	sdelay $0x4  }
0x5a: {  	v0 =	vadd.f32 v1, v0;
	_ =	sdelay $0x1  }
0x5b: {  	[tilespmem:s31+$0xFFFFFFF0] =	vst v0;
	v0 =	vld [tilespmem:s31+$0x0]  }
0x5c: {  	v1 =	vld [tilespmem:s0+$0x0];
	_ =	sdelay $0x4  }
0x5d: {  	v0 =	vadd.f32 v1, v0;
	_ =	sdelay $0x1  }
0x5e: {  	[tilespmem:s31+$0x0] =	vst v0;
	v0 =	vld [tilespmem:s31+$0x10]  }
0x5f: {  	v1 =	vld [tilespmem:s0+$0x10];
	_ =	sdelay $0x4  }
0x60: {  	v0 =	vadd.f32 v1, v0;
	_ =	sdelay $0x1  }
0x61: {  	[tilespmem:s31+$0x10] =	vst v0;
	v0 =	vld [tilespmem:s31+$0x20]  }
0x62: {  	v1 =	vld [tilespmem:s0+$0x20];
	_ =	sdelay $0x4  }
0x63: {  	v0 =	vadd.f32 v1, v0;
	_ =	sdelay $0x1  }
0x64: {  	[tilespmem:s31+$0x20] =	vst v0;
	v0 =	vld [tilespmem:s31+$0x30]  }
0x65: {  	v1 =	vld [tilespmem:s0+$0x30];
	_ =	sdelay $0x4  }
0x66: {  	v0 =	vadd.f32 v1, v0;
	_ =	sdelay $0x1  }
0x67: {  	[tilespmem:s31+$0x30] =	vst v0;
	v0 =	vld [tilespmem:s31+$0x40]  }
0x68: {  	v1 =	vld [tilespmem:s0+$0x40];
	_ =	sdelay $0x4  }
0x69: {  	v0 =	vadd.f32 v1, v0;
	_ =	sdelay $0x1  }
0x6a: {  	[tilespmem:s31+$0x40] =	vst v0;
	v0 =	vld [tilespmem:s31+$0x50]  }
0x6b: {  	v1 =	vld [tilespmem:s0+$0x50];
	_ =	sdelay $0x4  }
0x6c: {  	v0 =	vadd.f32 v1, v0;
	_ =	sdelay $0x1  }
0x6d: {  	[tilespmem:s31+$0x50] =	vst v0;
	v0 =	vld [tilespmem:s31+$0x60]  }
0x6e: {  	v1 =	vld [tilespmem:s0+$0x60];
	_ =	sdelay $0x4  }
0x6f: {  	v0 =	vadd.f32 v1, v0;
	_ =	sdelay $0x1  }
0x70: {  	[tilespmem:s31+$0x60] =	vst v0;
	v0 =	vld [tilespmem:s31+$0x70]  }
0x71: {  	v1 =	vld [tilespmem:s0+$0x70];
	_ =	sdelay $0x4  }
0x72: {  	v0 =	vadd.f32 v1, v0;
	_ =	sdelay $0x1  }
0x73: {  	[tilespmem:s31+$0x70] =	vst v0;
	v0 =	vld [tilespmem:s31+$0x80]  }
0x74: {  	v1 =	vld [tilespmem:s0+$0x80];
	_ =	sdelay $0x4  }
0x75: {  	v0 =	vadd.f32 v1, v0;
	_ =	sdelay $0x1  }
0x76: {  	[tilespmem:s31+$0x80] =	vst v0;
	v0 =	vld [tilespmem:s31+$0x90]  }
0x77: {  	v1 =	vld [tilespmem:s0+$0x90];
	_ =	sdelay $0x4  }
0x78: {  	v0 =	vadd.f32 v1, v0;
	_ =	sdelay $0x1  }
0x79: {  	[tilespmem:s31+$0x90] =	vst v0;
	v0 =	vld [tilespmem:s31+$0xA0]  }
0x7a: {  	v1 =	vld [tilespmem:s0+$0xA0];
	_ =	sdelay $0x4  }
0x7b: {  	v0 =	vadd.f32 v1, v0;
	_ =	sdelay $0x1  }
0x7c: {  	[tilespmem:s31+$0xA0] =	vst v0;
	v0 =	vld [tilespmem:s31+$0xB0]  }
0x7d: {  	v1 =	vld [tilespmem:s0+$0xB0];
	_ =	sdelay $0x4  }
0x7e: {  	v0 =	vadd.f32 v1, v0;
	_ =	sdelay $0x1  }
0x7f: {  	[tilespmem:s31+$0xB0] =	vst v0;
	v0 =	vld [tilespmem:s31+$0xC0]  }
0x80: {  	v1 =	vld [tilespmem:s0+$0xC0];
	_ =	sdelay $0x4  }
0x81: {  	v0 =	vadd.f32 v1, v0;
	_ =	sdelay $0x1  }
0x82: {  	[tilespmem:s31+$0xC0] =	vst v0;
	v0 =	vld [tilespmem:s31+$0xD0]  }
0x83: {  	v1 =	vld [tilespmem:s0+$0xD0];
	_ =	sdelay $0x4  }
0x84: {  	v0 =	vadd.f32 v1, v0;
	_ =	sdelay $0x1  }
0x85: {  	[tilespmem:s31+$0xD0] =	vst v0;
	v0 =	vld [tilespmem:s31+$0xE0]  }
0x86: {  	v1 =	vld [tilespmem:s0+$0xE0];
	_ =	sdelay $0x4  }
0x87: {  	v0 =	vadd.f32 v1, v0;
	_ =	sdelay $0x1  }
0x88: {  	[tilespmem:s31+$0xE0] =	vst v0;
	v0 =	vld [tilespmem:s31+$0xF0]  }
0x89: {  	v1 =	vld [tilespmem:s0+$0xF0];
	_ =	sdelay $0x4  }
0x8a: {  	v0 =	vadd.f32 v1, v0  }
0x8b: {  	s3 =	simm.s32 $0x0;
	s18 =	simm.s32 $0x700  }
.LBB2_2:
0x8c: {  	v1 =	vld [tilespmem:s18+$0xFFFFFF00];
	[tilespmem:s31+$0xF0] =	vst v0;
	s0 =	sadd.s32 $0x200, s0;
	s31 =	smov.u32 s18  }
0x8d: {  	s3 =	sadd.s32 $0x4, s3;
	v0 =	vld [tilespmem:s0+$0xFFFFFF00]  }
0x8e: {  	p0 =	slt.u32 s3, $0x7C;
	_ =	sdelay $0x3  }
0x8f: {  	v0 =	vadd.f32 v0, v1;
	_ =	sdelay $0x1  }
0x90: {  	[tilespmem:s18+$0xFFFFFF00] =	vst v0;
	v0 =	vld [tilespmem:s18+$0xFFFFFF10]  }
0x91: {  	v1 =	vld [tilespmem:s0+$0xFFFFFF10];
	_ =	sdelay $0x4  }
0x92: {  	v0 =	vadd.f32 v1, v0;
	_ =	sdelay $0x1  }
0x93: {  	[tilespmem:s18+$0xFFFFFF10] =	vst v0;
	v0 =	vld [tilespmem:s18+$0xFFFFFF20]  }
0x94: {  	v1 =	vld [tilespmem:s0+$0xFFFFFF20];
	_ =	sdelay $0x4  }
0x95: {  	v0 =	vadd.f32 v1, v0;
	_ =	sdelay $0x1  }
0x96: {  	[tilespmem:s18+$0xFFFFFF20] =	vst v0;
	v0 =	vld [tilespmem:s18+$0xFFFFFF30]  }
0x97: {  	v1 =	vld [tilespmem:s0+$0xFFFFFF30];
	_ =	sdelay $0x4  }
0x98: {  	v0 =	vadd.f32 v1, v0;
	_ =	sdelay $0x1  }
0x99: {  	[tilespmem:s18+$0xFFFFFF30] =	vst v0;
	v0 =	vld [tilespmem:s18+$0xFFFFFF40]  }
0x9a: {  	v1 =	vld [tilespmem:s0+$0xFFFFFF40];
	_ =	sdelay $0x4  }
0x9b: {  	v0 =	vadd.f32 v1, v0;
	_ =	sdelay $0x1  }
0x9c: {  	[tilespmem:s18+$0xFFFFFF40] =	vst v0;
	v0 =	vld [tilespmem:s18+$0xFFFFFF50]  }
0x9d: {  	v1 =	vld [tilespmem:s0+$0xFFFFFF50];
	_ =	sdelay $0x4  }
0x9e: {  	v0 =	vadd.f32 v1, v0;
	_ =	sdelay $0x1  }
0x9f: {  	[tilespmem:s18+$0xFFFFFF50] =	vst v0;
	v0 =	vld [tilespmem:s18+$0xFFFFFF60]  }
0xa0: {  	v1 =	vld [tilespmem:s0+$0xFFFFFF60];
	_ =	sdelay $0x4  }
0xa1: {  	v0 =	vadd.f32 v1, v0;
	_ =	sdelay $0x1  }
0xa2: {  	[tilespmem:s18+$0xFFFFFF60] =	vst v0;
	v0 =	vld [tilespmem:s18+$0xFFFFFF70]  }
0xa3: {  	v1 =	vld [tilespmem:s0+$0xFFFFFF70];
	_ =	sdelay $0x4  }
0xa4: {  	v0 =	vadd.f32 v1, v0;
	_ =	sdelay $0x1  }
0xa5: {  	[tilespmem:s18+$0xFFFFFF70] =	vst v0;
	v0 =	vld [tilespmem:s18+$0xFFFFFF80]  }
0xa6: {  	v1 =	vld [tilespmem:s0+$0xFFFFFF80];
	_ =	sdelay $0x4  }
0xa7: {  	v0 =	vadd.f32 v1, v0;
	_ =	sdelay $0x1  }
0xa8: {  	[tilespmem:s18+$0xFFFFFF80] =	vst v0;
	v0 =	vld [tilespmem:s18+$0xFFFFFF90]  }
0xa9: {  	v1 =	vld [tilespmem:s0+$0xFFFFFF90];
	_ =	sdelay $0x4  }
0xaa: {  	v0 =	vadd.f32 v1, v0;
	_ =	sdelay $0x1  }
0xab: {  	[tilespmem:s18+$0xFFFFFF90] =	vst v0;
	v0 =	vld [tilespmem:s18+$0xFFFFFFA0]  }
0xac: {  	v1 =	vld [tilespmem:s0+$0xFFFFFFA0];
	_ =	sdelay $0x4  }
0xad: {  	v0 =	vadd.f32 v1, v0;
	_ =	sdelay $0x1  }
0xae: {  	[tilespmem:s18+$0xFFFFFFA0] =	vst v0;
	v0 =	vld [tilespmem:s18+$0xFFFFFFB0]  }
0xaf: {  	v1 =	vld [tilespmem:s0+$0xFFFFFFB0];
	_ =	sdelay $0x4  }
0xb0: {  	v0 =	vadd.f32 v1, v0;
	_ =	sdelay $0x1  }
0xb1: {  	[tilespmem:s18+$0xFFFFFFB0] =	vst v0;
	v0 =	vld [tilespmem:s18+$0xFFFFFFC0]  }
0xb2: {  	v1 =	vld [tilespmem:s0+$0xFFFFFFC0];
	_ =	sdelay $0x4  }
0xb3: {  	v0 =	vadd.f32 v1, v0;
	_ =	sdelay $0x1  }
0xb4: {  	[tilespmem:s18+$0xFFFFFFC0] =	vst v0;
	v0 =	vld [tilespmem:s18+$0xFFFFFFD0]  }
0xb5: {  	v1 =	vld [tilespmem:s0+$0xFFFFFFD0];
	_ =	sdelay $0x4  }
0xb6: {  	v0 =	vadd.f32 v1, v0;
	_ =	sdelay $0x1  }
0xb7: {  	[tilespmem:s18+$0xFFFFFFD0] =	vst v0;
	v0 =	vld [tilespmem:s18+$0xFFFFFFE0]  }
0xb8: {  	v1 =	vld [tilespmem:s0+$0xFFFFFFE0];
	_ =	sdelay $0x4  }
0xb9: {  	v0 =	vadd.f32 v1, v0;
	_ =	sdelay $0x1  }
0xba: {  	[tilespmem:s18+$0xFFFFFFE0] =	vst v0;
	v0 =	vld [tilespmem:s18+$0xFFFFFFF0]  }
0xbb: {  	v1 =	vld [tilespmem:s0+$0xFFFFFFF0];
	_ =	sdelay $0x4  }
0xbc: {  	v0 =	vadd.f32 v1, v0;
	_ =	sdelay $0x1  }
0xbd: {  	[tilespmem:s18+$0xFFFFFFF0] =	vst v0;
	v0 =	vld [tilespmem:s18+$0x0]  }
0xbe: {  	v1 =	vld [tilespmem:s0+$0x0];
	_ =	sdelay $0x4  }
0xbf: {  	v0 =	vadd.f32 v1, v0;
	_ =	sdelay $0x1  }
0xc0: {  	[tilespmem:s18+$0x0] =	vst v0;
	v0 =	vld [tilespmem:s18+$0x10]  }
0xc1: {  	v1 =	vld [tilespmem:s0+$0x10];
	_ =	sdelay $0x4  }
0xc2: {  	v0 =	vadd.f32 v1, v0;
	_ =	sdelay $0x1  }
0xc3: {  	[tilespmem:s18+$0x10] =	vst v0;
	v0 =	vld [tilespmem:s18+$0x20]  }
0xc4: {  	v1 =	vld [tilespmem:s0+$0x20];
	_ =	sdelay $0x4  }
0xc5: {  	v0 =	vadd.f32 v1, v0;
	_ =	sdelay $0x1  }
0xc6: {  	[tilespmem:s18+$0x20] =	vst v0;
	v0 =	vld [tilespmem:s18+$0x30]  }
0xc7: {  	v1 =	vld [tilespmem:s0+$0x30];
	_ =	sdelay $0x4  }
0xc8: {  	v0 =	vadd.f32 v1, v0;
	_ =	sdelay $0x1  }
0xc9: {  	[tilespmem:s18+$0x30] =	vst v0;
	v0 =	vld [tilespmem:s18+$0x40]  }
0xca: {  	v1 =	vld [tilespmem:s0+$0x40];
	_ =	sdelay $0x4  }
0xcb: {  	v0 =	vadd.f32 v1, v0;
	_ =	sdelay $0x1  }
0xcc: {  	[tilespmem:s18+$0x40] =	vst v0;
	v0 =	vld [tilespmem:s18+$0x50]  }
0xcd: {  	v1 =	vld [tilespmem:s0+$0x50];
	_ =	sdelay $0x4  }
0xce: {  	v0 =	vadd.f32 v1, v0;
	_ =	sdelay $0x1  }
0xcf: {  	[tilespmem:s18+$0x50] =	vst v0;
	v0 =	vld [tilespmem:s18+$0x60]  }
0xd0: {  	v1 =	vld [tilespmem:s0+$0x60];
	_ =	sdelay $0x4  }
0xd1: {  	v0 =	vadd.f32 v1, v0;
	_ =	sdelay $0x1  }
0xd2: {  	[tilespmem:s18+$0x60] =	vst v0;
	v0 =	vld [tilespmem:s18+$0x70]  }
0xd3: {  	v1 =	vld [tilespmem:s0+$0x70];
	_ =	sdelay $0x4  }
0xd4: {  	v0 =	vadd.f32 v1, v0;
	_ =	sdelay $0x1  }
0xd5: {  	[tilespmem:s18+$0x70] =	vst v0;
	v0 =	vld [tilespmem:s18+$0x80]  }
0xd6: {  	v1 =	vld [tilespmem:s0+$0x80];
	_ =	sdelay $0x4  }
0xd7: {  	v0 =	vadd.f32 v1, v0;
	_ =	sdelay $0x1  }
0xd8: {  	[tilespmem:s18+$0x80] =	vst v0;
	v0 =	vld [tilespmem:s18+$0x90]  }
0xd9: {  	v1 =	vld [tilespmem:s0+$0x90];
	_ =	sdelay $0x4  }
0xda: {  	v0 =	vadd.f32 v1, v0;
	_ =	sdelay $0x1  }
0xdb: {  	[tilespmem:s18+$0x90] =	vst v0;
	v0 =	vld [tilespmem:s18+$0xA0]  }
0xdc: {  	v1 =	vld [tilespmem:s0+$0xA0];
	_ =	sdelay $0x4  }
0xdd: {  	v0 =	vadd.f32 v1, v0;
	_ =	sdelay $0x1  }
0xde: {  	[tilespmem:s18+$0xA0] =	vst v0;
	v0 =	vld [tilespmem:s18+$0xB0]  }
0xdf: {  	v1 =	vld [tilespmem:s0+$0xB0];
	_ =	sdelay $0x4  }
0xe0: {  	v0 =	vadd.f32 v1, v0;
	_ =	sdelay $0x1  }
0xe1: {  	[tilespmem:s18+$0xB0] =	vst v0;
	v0 =	vld [tilespmem:s18+$0xC0]  }
0xe2: {  	v1 =	vld [tilespmem:s0+$0xC0];
	_ =	sdelay $0x4  }
0xe3: {  	v0 =	vadd.f32 v1, v0;
	_ =	sdelay $0x1  }
0xe4: {  	[tilespmem:s18+$0xC0] =	vst v0;
	v0 =	vld [tilespmem:s18+$0xD0]  }
0xe5: {  	v1 =	vld [tilespmem:s0+$0xD0];
	_ =	sdelay $0x4  }
0xe6: {  	v0 =	vadd.f32 v1, v0;
	_ =	sdelay $0x1  }
0xe7: {  	[tilespmem:s18+$0xD0] =	vst v0;
	v0 =	vld [tilespmem:s18+$0xE0]  }
0xe8: {  	v1 =	vld [tilespmem:s0+$0xE0];
	_ =	sdelay $0x4  }
0xe9: {  	v0 =	vadd.f32 v1, v0;
	_ =	sdelay $0x1  }
0xea: {  	[tilespmem:s18+$0xE0] =	vst v0;
	v0 =	vld [tilespmem:s18+$0xF0]  }
0xeb: {  	v1 =	vld [tilespmem:s0+$0xF0];
	_ =	sdelay $0x1  }
.Ltmp0:
0xec: {  	(pc) =	sbr.rel @p0 .LBB2_2-.Ltmp0, $3  }
0xed: {  	_ =	sdelay $0x1  }
0xee: {  	v0 =	vadd.f32 v1, v0  }
0xef: {  	s18 =	sadd.s32 $0x200, s18  }
0xf0: {  	[tilespmem:s31+$0xF0] =	vst v0;
	s0 =	simm.s32 $0x0  }
0xf1: {  	[hbm4b:s5+s0] =	stream.linear.scatter [tilespmem:s15], [sflag:$0x3], $0x4000, $0x38;
	[tilespmem:$0x18400] =	vst v63  }
0xf2: {  	_ =	swait.ge [sflag:s20], $0x4000  }
0xf3: {  	[sflag:s20] =	ssyncset.done $0x0  }
0xf4: {  	[sflag:s20] =	ssyncadd.s32 $0xFFFFC000  }
0xf5: {  	_ =	swait.ge [sflag:s21], $0x4000  }
0xf6: {  	[sflag:s21] =	ssyncset.done $0x0  }
0xf7: {  	[sflag:s21] =	ssyncadd.s32 $0xFFFFC000  }
0xf8: {  	_ =	swait.ge [sflag:s26], $0x4000  }
0xf9: {  	[sflag:s26] =	ssyncset.done $0x0  }
0xfa: {  	[sflag:s26] =	ssyncadd.s32 $0xFFFFC000  }
0xfb: {  	[tilespmem:s15], [sflag:$0x1] =	stream.indirect.gather [hbm4b:s1+s12], $0x80, s28, s12, $0xb8;
	[tilespmem:$0x18400] =	vst v63  }
0xfc: {  	s0 =	simm.s32 $0x0  }
0xfd: {  	[tilespmem:s16], [sflag:$0x2] =	stream.indirect.gather [hbm4b:s2+s12], $0x80, s29, s12, $0xb8;
	[tilespmem:$0x18400] =	vst v63  }
0xfe: {  	v5 =	vld [tilespmem:s0+$0x10400]  }
0xff: {  	v6 =	vld [tilespmem:s0+$0x10410]  }
0x100: {  	v7 =	vld [tilespmem:s0+$0x10420]  }
0x101: {  	v8 =	vld [tilespmem:s0+$0x10430]  }
0x102: {  	v9 =	vld [tilespmem:s0+$0x10440]  }
0x103: {  	v10 =	vld [tilespmem:s0+$0x10450]  }
0x104: {  	v11 =	vld [tilespmem:s0+$0x10460]  }
0x105: {  	v12 =	vld [tilespmem:s0+$0x10470]  }
0x106: {  	v13 =	vld [tilespmem:s0+$0x10480]  }
0x107: {  	v14 =	vld [tilespmem:s0+$0x10490]  }
0x108: {  	v15 =	vld [tilespmem:s0+$0x104A0]  }
0x109: {  	v16 =	vld [tilespmem:s0+$0x104B0]  }
0x10a: {  	v17 =	vld [tilespmem:s0+$0x104C0]  }
0x10b: {  	v18 =	vld [tilespmem:s0+$0x104D0]  }
0x10c: {  	v19 =	vld [tilespmem:s0+$0x104E0]  }
0x10d: {  	v20 =	vld [tilespmem:s0+$0x104F0]  }
0x10e: {  	v21 =	vld [tilespmem:s0+$0x10500]  }
0x10f: {  	v22 =	vld [tilespmem:s0+$0x10510]  }
0x110: {  	v23 =	vld [tilespmem:s0+$0x10520]  }
0x111: {  	v24 =	vld [tilespmem:s0+$0x10530]  }
0x112: {  	v25 =	vld [tilespmem:s0+$0x10540]  }
0x113: {  	v26 =	vld [tilespmem:s0+$0x10550]  }
0x114: {  	v27 =	vld [tilespmem:s0+$0x10560]  }
0x115: {  	v28 =	vld [tilespmem:s0+$0x10570]  }
0x116: {  	v29 =	vld [tilespmem:s0+$0x10580]  }
0x117: {  	v30 =	vld [tilespmem:s0+$0x10590]  }
0x118: {  	v31 =	vld [tilespmem:s0+$0x105A0]  }
0x119: {  	v4 =	vld [tilespmem:s0+$0x105B0]  }
0x11a: {  	v3 =	vld [tilespmem:s0+$0x105C0]  }
0x11b: {  	v2 =	vld [tilespmem:s0+$0x105D0]  }
0x11c: {  	v1 =	vld [tilespmem:s0+$0x105E0]  }
0x11d: {  	v0 =	vld [tilespmem:s0+$0x105F0]  }
0x11e: {  	v32 =	vld [tilespmem:s0+$0x4400]  }
0x11f: {  	v33 =	vld [tilespmem:s0+$0x4410]  }
0x120: {  	v34 =	vld [tilespmem:s0+$0x4420]  }
0x121: {  	v35 =	vld [tilespmem:s0+$0x4430]  }
0x122: {  	v36 =	vld [tilespmem:s0+$0x4440]  }
0x123: {  	v62 =	vld [tilespmem:s0+$0x4450];
	v5 =	vadd.f32 v5, v32  }
0x124: {  	v37 =	vld [tilespmem:s0+$0x4460];
	v6 =	vadd.f32 v6, v33  }
0x125: {  	v7 =	vadd.f32 v7, v34;
	[tilespmem:s0+$0x4400] =	vst v5;
	v5 =	vld [tilespmem:s0+$0x4470]  }
0x126: {  	v8 =	vadd.f32 v8, v35;
	[tilespmem:s0+$0x4410] =	vst v6;
	v6 =	vld [tilespmem:s0+$0x4480]  }
0x127: {  	v9 =	vadd.f32 v9, v36;
	[tilespmem:s0+$0x4420] =	vst v7;
	v7 =	vld [tilespmem:s0+$0x4490]  }
0x128: {  	v10 =	vadd.f32 v10, v62;
	[tilespmem:s0+$0x4430] =	vst v8;
	v8 =	vld [tilespmem:s0+$0x44A0]  }
0x129: {  	v11 =	vadd.f32 v11, v37;
	[tilespmem:s0+$0x4440] =	vst v9;
	v9 =	vld [tilespmem:s0+$0x44B0]  }
0x12a: {  	[tilespmem:s0+$0x4450] =	vst v10;
	v10 =	vld [tilespmem:s0+$0x44C0];
	v5 =	vadd.f32 v12, v5  }
0x12b: {  	[tilespmem:s0+$0x4460] =	vst v11;
	v11 =	vld [tilespmem:s0+$0x44D0];
	v6 =	vadd.f32 v13, v6  }
0x12c: {  	v7 =	vadd.f32 v14, v7;
	[tilespmem:s0+$0x4470] =	vst v5;
	v5 =	vld [tilespmem:s0+$0x44E0]  }
0x12d: {  	v8 =	vadd.f32 v15, v8;
	[tilespmem:s0+$0x4480] =	vst v6;
	v6 =	vld [tilespmem:s0+$0x44F0]  }
0x12e: {  	v9 =	vadd.f32 v16, v9;
	[tilespmem:s0+$0x4490] =	vst v7;
	v7 =	vld [tilespmem:s0+$0x4500]  }
0x12f: {  	v10 =	vadd.f32 v17, v10;
	[tilespmem:s0+$0x44A0] =	vst v8;
	v8 =	vld [tilespmem:s0+$0x4510]  }
0x130: {  	v11 =	vadd.f32 v18, v11;
	[tilespmem:s0+$0x44B0] =	vst v9;
	v9 =	vld [tilespmem:s0+$0x4520]  }
0x131: {  	[tilespmem:s0+$0x44C0] =	vst v10;
	v10 =	vld [tilespmem:s0+$0x4530];
	v5 =	vadd.f32 v19, v5  }
0x132: {  	[tilespmem:s0+$0x44D0] =	vst v11;
	v11 =	vld [tilespmem:s0+$0x4540];
	v6 =	vadd.f32 v20, v6  }
0x133: {  	v7 =	vadd.f32 v21, v7;
	[tilespmem:s0+$0x44E0] =	vst v5;
	v5 =	vld [tilespmem:s0+$0x4550]  }
0x134: {  	v8 =	vadd.f32 v22, v8;
	[tilespmem:s0+$0x44F0] =	vst v6;
	v6 =	vld [tilespmem:s0+$0x4560]  }
0x135: {  	v9 =	vadd.f32 v23, v9;
	[tilespmem:s0+$0x4500] =	vst v7;
	v7 =	vld [tilespmem:s0+$0x4570]  }
0x136: {  	v10 =	vadd.f32 v24, v10;
	[tilespmem:s0+$0x4510] =	vst v8;
	v8 =	vld [tilespmem:s0+$0x4580]  }
0x137: {  	v11 =	vadd.f32 v25, v11;
	[tilespmem:s0+$0x4520] =	vst v9;
	v9 =	vld [tilespmem:s0+$0x4590]  }
0x138: {  	v63 =	vld [tilespmem:s0+$0x45A0];
	[tilespmem:s0+$0x4530] =	vst v10;
	v10 =	vadd.f32 v26, v5  }
0x139: {  	[tilespmem:s0+$0x4540] =	vst v11;
	v5 =	vld [tilespmem:s0+$0x45B0];
	v11 =	vadd.f32 v27, v6  }
0x13a: {  	v6 =	vld [tilespmem:s0+$0x45C0];
	[tilespmem:s0+$0x4550] =	vst v10;
	v10 =	vadd.f32 v28, v7  }
0x13b: {  	[tilespmem:s0+$0x4560] =	vst v11;
	v7 =	vld [tilespmem:s0+$0x45D0];
	v11 =	vadd.f32 v29, v8  }
0x13c: {  	v8 =	vld [tilespmem:s0+$0x45E0];
	[tilespmem:s0+$0x4570] =	vst v10;
	v10 =	vadd.f32 v30, v9  }
0x13d: {  	s3 =	simm.s32 $0x0;
	s18 =	simm.s32 $0x800;
	[tilespmem:s0+$0x4580] =	vst v11;
	v11 =	vadd.f32 v31, v63;
	v9 =	vld [tilespmem:s0+$0x45F0]  }
.LBB2_4:
0x13e: {  	s31 =	sshra.s32 s18, $0x2;
	[tilespmem:s0+$0x4590] =	vst v10;
	v4 =	vadd.f32 v4, v5  }
0x13f: {  	v5 =	vld [tilespmem:s31+$0x10400];
	[tilespmem:s0+$0x45A0] =	vst v11;
	v3 =	vadd.f32 v3, v6  }
0x140: {  	v6 =	vld [tilespmem:s31+$0x10410];
	[tilespmem:s0+$0x45B0] =	vst v4;
	v2 =	vadd.f32 v2, v7  }
0x141: {  	v7 =	vld [tilespmem:s31+$0x10420];
	[tilespmem:s0+$0x45C0] =	vst v3;
	v1 =	vadd.f32 v1, v8  }
0x142: {  	v8 =	vld [tilespmem:s31+$0x10430];
	[tilespmem:s0+$0x45D0] =	vst v2;
	v0 =	vadd.f32 v0, v9  }
0x143: {  	v9 =	vld [tilespmem:s31+$0x10440];
	[tilespmem:s0+$0x45E0] =	vst v1  }
0x144: {  	v10 =	vld [tilespmem:s31+$0x10450];
	[tilespmem:s0+$0x45F0] =	vst v0;
	s0 =	smov.u32 s31  }
0x145: {  	v11 =	vld [tilespmem:s0+$0x10460]  }
0x146: {  	v12 =	vld [tilespmem:s0+$0x10470]  }
0x147: {  	v13 =	vld [tilespmem:s0+$0x10480]  }
0x148: {  	v14 =	vld [tilespmem:s0+$0x10490]  }
0x149: {  	v15 =	vld [tilespmem:s0+$0x104A0]  }
0x14a: {  	v16 =	vld [tilespmem:s0+$0x104B0]  }
0x14b: {  	v17 =	vld [tilespmem:s0+$0x104C0]  }
0x14c: {  	v18 =	vld [tilespmem:s0+$0x104D0]  }
0x14d: {  	v19 =	vld [tilespmem:s0+$0x104E0]  }
0x14e: {  	v20 =	vld [tilespmem:s0+$0x104F0]  }
0x14f: {  	v21 =	vld [tilespmem:s0+$0x10500]  }
0x150: {  	v22 =	vld [tilespmem:s0+$0x10510]  }
0x151: {  	v23 =	vld [tilespmem:s0+$0x10520]  }
0x152: {  	v24 =	vld [tilespmem:s0+$0x10530]  }
0x153: {  	v25 =	vld [tilespmem:s0+$0x10540]  }
0x154: {  	v26 =	vld [tilespmem:s0+$0x10550]  }
0x155: {  	v27 =	vld [tilespmem:s0+$0x10560]  }
0x156: {  	v28 =	vld [tilespmem:s0+$0x10570]  }
0x157: {  	v29 =	vld [tilespmem:s0+$0x10580]  }
0x158: {  	v30 =	vld [tilespmem:s0+$0x10590]  }
0x159: {  	v31 =	vld [tilespmem:s0+$0x105A0]  }
0x15a: {  	v4 =	vld [tilespmem:s0+$0x105B0]  }
0x15b: {  	v3 =	vld [tilespmem:s0+$0x105C0]  }
0x15c: {  	v2 =	vld [tilespmem:s0+$0x105D0]  }
0x15d: {  	v1 =	vld [tilespmem:s0+$0x105E0]  }
0x15e: {  	v0 =	vld [tilespmem:s0+$0x105F0]  }
0x15f: {  	v32 =	vld [tilespmem:s0+$0x4400]  }
0x160: {  	v33 =	vld [tilespmem:s0+$0x4410]  }
0x161: {  	v34 =	vld [tilespmem:s0+$0x4420]  }
0x162: {  	v35 =	vld [tilespmem:s0+$0x4430]  }
0x163: {  	v36 =	vld [tilespmem:s0+$0x4440]  }
0x164: {  	v5 =	vadd.f32 v5, v32;
	v32 =	vld [tilespmem:s0+$0x4450]  }
0x165: {  	v6 =	vadd.f32 v6, v33;
	v33 =	vld [tilespmem:s0+$0x4460]  }
0x166: {  	[tilespmem:s0+$0x4400] =	vst v5;
	v5 =	vadd.f32 v7, v34;
	v7 =	vld [tilespmem:s0+$0x4470]  }
0x167: {  	[tilespmem:s0+$0x4410] =	vst v6;
	v6 =	vadd.f32 v8, v35;
	v8 =	vld [tilespmem:s0+$0x4480]  }
0x168: {  	[tilespmem:s0+$0x4420] =	vst v5;
	v5 =	vadd.f32 v9, v36;
	v9 =	vld [tilespmem:s0+$0x4490]  }
0x169: {  	[tilespmem:s0+$0x4430] =	vst v6;
	v6 =	vadd.f32 v10, v32;
	v10 =	vld [tilespmem:s0+$0x44A0]  }
0x16a: {  	[tilespmem:s0+$0x4440] =	vst v5;
	v5 =	vadd.f32 v11, v33;
	v11 =	vld [tilespmem:s0+$0x44B0]  }
0x16b: {  	[tilespmem:s0+$0x4450] =	vst v6;
	v6 =	vadd.f32 v12, v7;
	v7 =	vld [tilespmem:s0+$0x44C0]  }
0x16c: {  	[tilespmem:s0+$0x4460] =	vst v5;
	v5 =	vadd.f32 v13, v8;
	v8 =	vld [tilespmem:s0+$0x44D0]  }
0x16d: {  	[tilespmem:s0+$0x4470] =	vst v6;
	v6 =	vadd.f32 v14, v9;
	v9 =	vld [tilespmem:s0+$0x44E0]  }
0x16e: {  	[tilespmem:s0+$0x4480] =	vst v5;
	v5 =	vadd.f32 v15, v10;
	v10 =	vld [tilespmem:s0+$0x44F0]  }
0x16f: {  	[tilespmem:s0+$0x4490] =	vst v6;
	v6 =	vadd.f32 v16, v11;
	v11 =	vld [tilespmem:s0+$0x4500]  }
0x170: {  	[tilespmem:s0+$0x44A0] =	vst v5;
	v5 =	vadd.f32 v17, v7;
	v7 =	vld [tilespmem:s0+$0x4510]  }
0x171: {  	[tilespmem:s0+$0x44B0] =	vst v6;
	v6 =	vadd.f32 v18, v8;
	v8 =	vld [tilespmem:s0+$0x4520]  }
0x172: {  	[tilespmem:s0+$0x44C0] =	vst v5;
	v5 =	vadd.f32 v19, v9;
	v9 =	vld [tilespmem:s0+$0x4530]  }
0x173: {  	[tilespmem:s0+$0x44D0] =	vst v6;
	v6 =	vadd.f32 v20, v10;
	v10 =	vld [tilespmem:s0+$0x4540]  }
0x174: {  	[tilespmem:s0+$0x44E0] =	vst v5;
	v5 =	vadd.f32 v21, v11;
	v11 =	vld [tilespmem:s0+$0x4550]  }
0x175: {  	[tilespmem:s0+$0x44F0] =	vst v6;
	v6 =	vadd.f32 v22, v7;
	v7 =	vld [tilespmem:s0+$0x4560]  }
0x176: {  	[tilespmem:s0+$0x4500] =	vst v5;
	v5 =	vadd.f32 v23, v8;
	v8 =	vld [tilespmem:s0+$0x4570]  }
0x177: {  	[tilespmem:s0+$0x4510] =	vst v6;
	v6 =	vadd.f32 v24, v9;
	v9 =	vld [tilespmem:s0+$0x4580]  }
0x178: {  	s3 =	sadd.s32 $0x4, s3;
	[tilespmem:s0+$0x4520] =	vst v5;
	v5 =	vadd.f32 v25, v10;
	v10 =	vld [tilespmem:s0+$0x4590]  }
0x179: {  	p0 =	slt.u32 s3, $0x7C;
	[tilespmem:s0+$0x4530] =	vst v6;
	v6 =	vadd.f32 v26, v11;
	v11 =	vld [tilespmem:s0+$0x45A0]  }
.Ltmp1:
0x17a: {  	[tilespmem:s0+$0x4540] =	vst v5;
	v7 =	vadd.f32 v27, v7;
	v5 =	vld [tilespmem:s0+$0x45B0];
	(pc) =	sbr.rel @p0 .LBB2_4-.Ltmp1, $4  }
0x17b: {  	[tilespmem:s0+$0x4550] =	vst v6;
	v8 =	vadd.f32 v28, v8;
	v6 =	vld [tilespmem:s0+$0x45C0]  }
0x17c: {  	[tilespmem:s0+$0x4560] =	vst v7;
	v9 =	vadd.f32 v29, v9;
	v7 =	vld [tilespmem:s0+$0x45D0]  }
0x17d: {  	[tilespmem:s0+$0x4570] =	vst v8;
	v10 =	vadd.f32 v30, v10;
	v8 =	vld [tilespmem:s0+$0x45E0]  }
0x17e: {  	s18 =	sadd.s32 $0x800, s18;
	[tilespmem:s0+$0x4580] =	vst v9;
	v11 =	vadd.f32 v31, v11;
	v9 =	vld [tilespmem:s0+$0x45F0]  }
0x17f: {  	[tilespmem:s0+$0x4590] =	vst v10;
	v4 =	vadd.f32 v4, v5  }
0x180: {  	[tilespmem:s0+$0x45A0] =	vst v11;
	v3 =	vadd.f32 v3, v6  }
0x181: {  	[tilespmem:s0+$0x45B0] =	vst v4;
	v2 =	vadd.f32 v2, v7  }
0x182: {  	[tilespmem:s0+$0x45C0] =	vst v3;
	v1 =	vadd.f32 v1, v8  }
0x183: {  	[tilespmem:s0+$0x45D0] =	vst v2;
	v0 =	vadd.f32 v0, v9  }
0x184: {  	[tilespmem:s0+$0x45E0] =	vst v1  }
0x185: {  	s31 =	simm.s32 $0x0;
	[tilespmem:s0+$0x45F0] =	vst v0  }
0x186: {  	[hbm4b:s8+s31] =	stream.linear.scatter [tilespmem:s17], [sflag:$0x3], $0x4000, $0x38;
	[tilespmem:$0x18400] =	vst v63  }
0x187: {  	_ =	swait.ge [sflag:s20], $0x4000  }
0x188: {  	[sflag:s20] =	ssyncset.done $0x0  }
0x189: {  	[sflag:s20] =	ssyncadd.s32 $0xFFFFC000  }
0x18a: {  	_ =	swait.ge [sflag:s21], $0x4000  }
0x18b: {  	[sflag:s21] =	ssyncset.done $0x0  }
0x18c: {  	s0 =	simm.s32 $0x0;
	[sflag:s21] =	ssyncadd.s32 $0xFFFFC000  }
0x18d: {  	v5 =	vld [tilespmem:s0+$0x14400]  }
0x18e: {  	v6 =	vld [tilespmem:s0+$0x14410]  }
0x18f: {  	v7 =	vld [tilespmem:s0+$0x14420]  }
0x190: {  	v8 =	vld [tilespmem:s0+$0x14430]  }
0x191: {  	v9 =	vld [tilespmem:s0+$0x14440]  }
0x192: {  	v10 =	vld [tilespmem:s0+$0x14450]  }
0x193: {  	v11 =	vld [tilespmem:s0+$0x14460]  }
0x194: {  	v12 =	vld [tilespmem:s0+$0x14470]  }
0x195: {  	v13 =	vld [tilespmem:s0+$0x14480]  }
0x196: {  	v14 =	vld [tilespmem:s0+$0x14490]  }
0x197: {  	v15 =	vld [tilespmem:s0+$0x144A0]  }
0x198: {  	v16 =	vld [tilespmem:s0+$0x144B0]  }
0x199: {  	v17 =	vld [tilespmem:s0+$0x144C0]  }
0x19a: {  	v18 =	vld [tilespmem:s0+$0x144D0]  }
0x19b: {  	v19 =	vld [tilespmem:s0+$0x144E0]  }
0x19c: {  	v20 =	vld [tilespmem:s0+$0x144F0]  }
0x19d: {  	v21 =	vld [tilespmem:s0+$0x14500]  }
0x19e: {  	v22 =	vld [tilespmem:s0+$0x14510]  }
0x19f: {  	v23 =	vld [tilespmem:s0+$0x14520]  }
0x1a0: {  	v24 =	vld [tilespmem:s0+$0x14530]  }
0x1a1: {  	v25 =	vld [tilespmem:s0+$0x14540]  }
0x1a2: {  	v26 =	vld [tilespmem:s0+$0x14550]  }
0x1a3: {  	v27 =	vld [tilespmem:s0+$0x14560]  }
0x1a4: {  	v28 =	vld [tilespmem:s0+$0x14570]  }
0x1a5: {  	v29 =	vld [tilespmem:s0+$0x14580]  }
0x1a6: {  	v30 =	vld [tilespmem:s0+$0x14590]  }
0x1a7: {  	v31 =	vld [tilespmem:s0+$0x145A0]  }
0x1a8: {  	v4 =	vld [tilespmem:s0+$0x145B0]  }
0x1a9: {  	v3 =	vld [tilespmem:s0+$0x145C0]  }
0x1aa: {  	v2 =	vld [tilespmem:s0+$0x145D0]  }
0x1ab: {  	v1 =	vld [tilespmem:s0+$0x145E0]  }
0x1ac: {  	v0 =	vld [tilespmem:s0+$0x145F0]  }
0x1ad: {  	v32 =	vld [tilespmem:s0+$0x8400]  }
0x1ae: {  	v33 =	vld [tilespmem:s0+$0x8410]  }
0x1af: {  	v34 =	vld [tilespmem:s0+$0x8420]  }
0x1b0: {  	v35 =	vld [tilespmem:s0+$0x8430]  }
0x1b1: {  	v36 =	vld [tilespmem:s0+$0x8440]  }
0x1b2: {  	v62 =	vld [tilespmem:s0+$0x8450];
	v5 =	vadd.f32 v5, v32  }
0x1b3: {  	v37 =	vld [tilespmem:s0+$0x8460];
	v6 =	vadd.f32 v6, v33  }
0x1b4: {  	v7 =	vadd.f32 v7, v34;
	[tilespmem:s0+$0x8400] =	vst v5;
	v5 =	vld [tilespmem:s0+$0x8470]  }
0x1b5: {  	v8 =	vadd.f32 v8, v35;
	[tilespmem:s0+$0x8410] =	vst v6;
	v6 =	vld [tilespmem:s0+$0x8480]  }
0x1b6: {  	v9 =	vadd.f32 v9, v36;
	[tilespmem:s0+$0x8420] =	vst v7;
	v7 =	vld [tilespmem:s0+$0x8490]  }
0x1b7: {  	v10 =	vadd.f32 v10, v62;
	[tilespmem:s0+$0x8430] =	vst v8;
	v8 =	vld [tilespmem:s0+$0x84A0]  }
0x1b8: {  	v11 =	vadd.f32 v11, v37;
	[tilespmem:s0+$0x8440] =	vst v9;
	v9 =	vld [tilespmem:s0+$0x84B0]  }
0x1b9: {  	[tilespmem:s0+$0x8450] =	vst v10;
	v10 =	vld [tilespmem:s0+$0x84C0];
	v5 =	vadd.f32 v12, v5  }
0x1ba: {  	[tilespmem:s0+$0x8460] =	vst v11;
	v11 =	vld [tilespmem:s0+$0x84D0];
	v6 =	vadd.f32 v13, v6  }
0x1bb: {  	v7 =	vadd.f32 v14, v7;
	[tilespmem:s0+$0x8470] =	vst v5;
	v5 =	vld [tilespmem:s0+$0x84E0]  }
0x1bc: {  	v8 =	vadd.f32 v15, v8;
	[tilespmem:s0+$0x8480] =	vst v6;
	v6 =	vld [tilespmem:s0+$0x84F0]  }
0x1bd: {  	v9 =	vadd.f32 v16, v9;
	[tilespmem:s0+$0x8490] =	vst v7;
	v7 =	vld [tilespmem:s0+$0x8500]  }
0x1be: {  	v10 =	vadd.f32 v17, v10;
	[tilespmem:s0+$0x84A0] =	vst v8;
	v8 =	vld [tilespmem:s0+$0x8510]  }
0x1bf: {  	v11 =	vadd.f32 v18, v11;
	[tilespmem:s0+$0x84B0] =	vst v9;
	v9 =	vld [tilespmem:s0+$0x8520]  }
0x1c0: {  	[tilespmem:s0+$0x84C0] =	vst v10;
	v10 =	vld [tilespmem:s0+$0x8530];
	v5 =	vadd.f32 v19, v5  }
0x1c1: {  	[tilespmem:s0+$0x84D0] =	vst v11;
	v11 =	vld [tilespmem:s0+$0x8540];
	v6 =	vadd.f32 v20, v6  }
0x1c2: {  	v7 =	vadd.f32 v21, v7;
	[tilespmem:s0+$0x84E0] =	vst v5;
	v5 =	vld [tilespmem:s0+$0x8550]  }
0x1c3: {  	v8 =	vadd.f32 v22, v8;
	[tilespmem:s0+$0x84F0] =	vst v6;
	v6 =	vld [tilespmem:s0+$0x8560]  }
0x1c4: {  	v9 =	vadd.f32 v23, v9;
	[tilespmem:s0+$0x8500] =	vst v7;
	v7 =	vld [tilespmem:s0+$0x8570]  }
0x1c5: {  	v10 =	vadd.f32 v24, v10;
	[tilespmem:s0+$0x8510] =	vst v8;
	v8 =	vld [tilespmem:s0+$0x8580]  }
0x1c6: {  	v11 =	vadd.f32 v25, v11;
	[tilespmem:s0+$0x8520] =	vst v9;
	v9 =	vld [tilespmem:s0+$0x8590]  }
0x1c7: {  	v63 =	vld [tilespmem:s0+$0x85A0];
	[tilespmem:s0+$0x8530] =	vst v10;
	v10 =	vadd.f32 v26, v5  }
0x1c8: {  	[tilespmem:s0+$0x8540] =	vst v11;
	v5 =	vld [tilespmem:s0+$0x85B0];
	v11 =	vadd.f32 v27, v6  }
0x1c9: {  	v6 =	vld [tilespmem:s0+$0x85C0];
	[tilespmem:s0+$0x8550] =	vst v10;
	v10 =	vadd.f32 v28, v7  }
0x1ca: {  	[tilespmem:s0+$0x8560] =	vst v11;
	v7 =	vld [tilespmem:s0+$0x85D0];
	v11 =	vadd.f32 v29, v8  }
0x1cb: {  	v8 =	vld [tilespmem:s0+$0x85E0];
	[tilespmem:s0+$0x8570] =	vst v10;
	v10 =	vadd.f32 v30, v9  }
0x1cc: {  	s3 =	simm.s32 $0x0;
	s18 =	simm.s32 $0x800;
	[tilespmem:s0+$0x8580] =	vst v11;
	v11 =	vadd.f32 v31, v63;
	v9 =	vld [tilespmem:s0+$0x85F0]  }
.LBB2_6:
0x1cd: {  	s31 =	sshra.s32 s18, $0x2;
	[tilespmem:s0+$0x8590] =	vst v10;
	v4 =	vadd.f32 v4, v5  }
0x1ce: {  	v5 =	vld [tilespmem:s31+$0x14400];
	[tilespmem:s0+$0x85A0] =	vst v11;
	v3 =	vadd.f32 v3, v6  }
0x1cf: {  	v6 =	vld [tilespmem:s31+$0x14410];
	[tilespmem:s0+$0x85B0] =	vst v4;
	v2 =	vadd.f32 v2, v7  }
0x1d0: {  	v7 =	vld [tilespmem:s31+$0x14420];
	[tilespmem:s0+$0x85C0] =	vst v3;
	v1 =	vadd.f32 v1, v8  }
0x1d1: {  	v8 =	vld [tilespmem:s31+$0x14430];
	[tilespmem:s0+$0x85D0] =	vst v2;
	v0 =	vadd.f32 v0, v9  }
0x1d2: {  	v9 =	vld [tilespmem:s31+$0x14440];
	[tilespmem:s0+$0x85E0] =	vst v1  }
0x1d3: {  	v10 =	vld [tilespmem:s31+$0x14450];
	[tilespmem:s0+$0x85F0] =	vst v0;
	s0 =	smov.u32 s31  }
0x1d4: {  	v11 =	vld [tilespmem:s0+$0x14460]  }
0x1d5: {  	v12 =	vld [tilespmem:s0+$0x14470]  }
0x1d6: {  	v13 =	vld [tilespmem:s0+$0x14480]  }
0x1d7: {  	v14 =	vld [tilespmem:s0+$0x14490]  }
0x1d8: {  	v15 =	vld [tilespmem:s0+$0x144A0]  }
0x1d9: {  	v16 =	vld [tilespmem:s0+$0x144B0]  }
0x1da: {  	v17 =	vld [tilespmem:s0+$0x144C0]  }
0x1db: {  	v18 =	vld [tilespmem:s0+$0x144D0]  }
0x1dc: {  	v19 =	vld [tilespmem:s0+$0x144E0]  }
0x1dd: {  	v20 =	vld [tilespmem:s0+$0x144F0]  }
0x1de: {  	v21 =	vld [tilespmem:s0+$0x14500]  }
0x1df: {  	v22 =	vld [tilespmem:s0+$0x14510]  }
0x1e0: {  	v23 =	vld [tilespmem:s0+$0x14520]  }
0x1e1: {  	v24 =	vld [tilespmem:s0+$0x14530]  }
0x1e2: {  	v25 =	vld [tilespmem:s0+$0x14540]  }
0x1e3: {  	v26 =	vld [tilespmem:s0+$0x14550]  }
0x1e4: {  	v27 =	vld [tilespmem:s0+$0x14560]  }
0x1e5: {  	v28 =	vld [tilespmem:s0+$0x14570]  }
0x1e6: {  	v29 =	vld [tilespmem:s0+$0x14580]  }
0x1e7: {  	v30 =	vld [tilespmem:s0+$0x14590]  }
0x1e8: {  	v31 =	vld [tilespmem:s0+$0x145A0]  }
0x1e9: {  	v4 =	vld [tilespmem:s0+$0x145B0]  }
0x1ea: {  	v3 =	vld [tilespmem:s0+$0x145C0]  }
0x1eb: {  	v2 =	vld [tilespmem:s0+$0x145D0]  }
0x1ec: {  	v1 =	vld [tilespmem:s0+$0x145E0]  }
0x1ed: {  	v0 =	vld [tilespmem:s0+$0x145F0]  }
0x1ee: {  	v32 =	vld [tilespmem:s0+$0x8400]  }
0x1ef: {  	v33 =	vld [tilespmem:s0+$0x8410]  }
0x1f0: {  	v34 =	vld [tilespmem:s0+$0x8420]  }
0x1f1: {  	v35 =	vld [tilespmem:s0+$0x8430]  }
0x1f2: {  	v36 =	vld [tilespmem:s0+$0x8440]  }
0x1f3: {  	v5 =	vadd.f32 v5, v32;
	v32 =	vld [tilespmem:s0+$0x8450]  }
0x1f4: {  	v6 =	vadd.f32 v6, v33;
	v33 =	vld [tilespmem:s0+$0x8460]  }
0x1f5: {  	[tilespmem:s0+$0x8400] =	vst v5;
	v5 =	vadd.f32 v7, v34;
	v7 =	vld [tilespmem:s0+$0x8470]  }
0x1f6: {  	[tilespmem:s0+$0x8410] =	vst v6;
	v6 =	vadd.f32 v8, v35;
	v8 =	vld [tilespmem:s0+$0x8480]  }
0x1f7: {  	[tilespmem:s0+$0x8420] =	vst v5;
	v5 =	vadd.f32 v9, v36;
	v9 =	vld [tilespmem:s0+$0x8490]  }
0x1f8: {  	[tilespmem:s0+$0x8430] =	vst v6;
	v6 =	vadd.f32 v10, v32;
	v10 =	vld [tilespmem:s0+$0x84A0]  }
0x1f9: {  	[tilespmem:s0+$0x8440] =	vst v5;
	v5 =	vadd.f32 v11, v33;
	v11 =	vld [tilespmem:s0+$0x84B0]  }
0x1fa: {  	[tilespmem:s0+$0x8450] =	vst v6;
	v6 =	vadd.f32 v12, v7;
	v7 =	vld [tilespmem:s0+$0x84C0]  }
0x1fb: {  	[tilespmem:s0+$0x8460] =	vst v5;
	v5 =	vadd.f32 v13, v8;
	v8 =	vld [tilespmem:s0+$0x84D0]  }
0x1fc: {  	[tilespmem:s0+$0x8470] =	vst v6;
	v6 =	vadd.f32 v14, v9;
	v9 =	vld [tilespmem:s0+$0x84E0]  }
0x1fd: {  	[tilespmem:s0+$0x8480] =	vst v5;
	v5 =	vadd.f32 v15, v10;
	v10 =	vld [tilespmem:s0+$0x84F0]  }
0x1fe: {  	[tilespmem:s0+$0x8490] =	vst v6;
	v6 =	vadd.f32 v16, v11;
	v11 =	vld [tilespmem:s0+$0x8500]  }
0x1ff: {  	[tilespmem:s0+$0x84A0] =	vst v5;
	v5 =	vadd.f32 v17, v7;
	v7 =	vld [tilespmem:s0+$0x8510]  }
0x200: {  	[tilespmem:s0+$0x84B0] =	vst v6;
	v6 =	vadd.f32 v18, v8;
	v8 =	vld [tilespmem:s0+$0x8520]  }
0x201: {  	[tilespmem:s0+$0x84C0] =	vst v5;
	v5 =	vadd.f32 v19, v9;
	v9 =	vld [tilespmem:s0+$0x8530]  }
0x202: {  	[tilespmem:s0+$0x84D0] =	vst v6;
	v6 =	vadd.f32 v20, v10;
	v10 =	vld [tilespmem:s0+$0x8540]  }
0x203: {  	[tilespmem:s0+$0x84E0] =	vst v5;
	v5 =	vadd.f32 v21, v11;
	v11 =	vld [tilespmem:s0+$0x8550]  }
0x204: {  	[tilespmem:s0+$0x84F0] =	vst v6;
	v6 =	vadd.f32 v22, v7;
	v7 =	vld [tilespmem:s0+$0x8560]  }
0x205: {  	[tilespmem:s0+$0x8500] =	vst v5;
	v5 =	vadd.f32 v23, v8;
	v8 =	vld [tilespmem:s0+$0x8570]  }
0x206: {  	[tilespmem:s0+$0x8510] =	vst v6;
	v6 =	vadd.f32 v24, v9;
	v9 =	vld [tilespmem:s0+$0x8580]  }
0x207: {  	s3 =	sadd.s32 $0x4, s3;
	[tilespmem:s0+$0x8520] =	vst v5;
	v5 =	vadd.f32 v25, v10;
	v10 =	vld [tilespmem:s0+$0x8590]  }
0x208: {  	p0 =	slt.u32 s3, $0x7C;
	[tilespmem:s0+$0x8530] =	vst v6;
	v6 =	vadd.f32 v26, v11;
	v11 =	vld [tilespmem:s0+$0x85A0]  }
.Ltmp2:
0x209: {  	[tilespmem:s0+$0x8540] =	vst v5;
	v7 =	vadd.f32 v27, v7;
	v5 =	vld [tilespmem:s0+$0x85B0];
	(pc) =	sbr.rel @p0 .LBB2_6-.Ltmp2, $4  }
0x20a: {  	[tilespmem:s0+$0x8550] =	vst v6;
	v8 =	vadd.f32 v28, v8;
	v6 =	vld [tilespmem:s0+$0x85C0]  }
0x20b: {  	[tilespmem:s0+$0x8560] =	vst v7;
	v9 =	vadd.f32 v29, v9;
	v7 =	vld [tilespmem:s0+$0x85D0]  }
0x20c: {  	[tilespmem:s0+$0x8570] =	vst v8;
	v10 =	vadd.f32 v30, v10;
	v8 =	vld [tilespmem:s0+$0x85E0]  }
0x20d: {  	s18 =	sadd.s32 $0x800, s18;
	[tilespmem:s0+$0x8580] =	vst v9;
	v11 =	vadd.f32 v31, v11;
	v9 =	vld [tilespmem:s0+$0x85F0]  }
0x20e: {  	[tilespmem:s0+$0x8590] =	vst v10;
	v4 =	vadd.f32 v4, v5  }
0x20f: {  	[tilespmem:s0+$0x85A0] =	vst v11;
	v3 =	vadd.f32 v3, v6  }
0x210: {  	[tilespmem:s0+$0x85B0] =	vst v4;
	v2 =	vadd.f32 v2, v7  }
0x211: {  	[tilespmem:s0+$0x85C0] =	vst v3;
	v1 =	vadd.f32 v1, v8  }
0x212: {  	[tilespmem:s0+$0x85D0] =	vst v2;
	v0 =	vadd.f32 v0, v9  }
0x213: {  	[tilespmem:s0+$0x85E0] =	vst v1  }
0x214: {  	[tilespmem:s0+$0x85F0] =	vst v0  }
0x215: {  	[hbm4b:s9+s4] =	stream.linear.scatter [tilespmem:s23], [sflag:$0x3], $0x4000, $0x38;
	[tilespmem:$0x18400] =	vst v63  }
0x216: {  	_ =	swait.ge [sflag:s20], $0x4000  }
0x217: {  	[sflag:s20] =	ssyncset.done $0x0  }
0x218: {  	[sflag:s20] =	ssyncadd.s32 $0xFFFFC000  }
0x219: {  	_ =	swait.ge [sflag:s21], $0x4000  }
0x21a: {  	[sflag:s21] =	ssyncset.done $0x0  }
0x21b: {  	s31 =	simm.s32 $0x500;
	[sflag:s21] =	ssyncadd.s32 $0xFFFFC000  }
0x21c: {  	s0 =	simm.s32 $0xC500;
	v0 =	vld [tilespmem:s31+$0xFFFFFF00]  }
0x21d: {  	v1 =	vld [tilespmem:s0+$0xFFFFFF00];
	_ =	sdelay $0x4  }
0x21e: {  	v0 =	vadd.f32 v1, v0;
	_ =	sdelay $0x1  }
0x21f: {  	[tilespmem:s31+$0xFFFFFF00] =	vst v0;
	v0 =	vld [tilespmem:s31+$0xFFFFFF10]  }
0x220: {  	v1 =	vld [tilespmem:s0+$0xFFFFFF10];
	_ =	sdelay $0x4  }
0x221: {  	v0 =	vadd.f32 v1, v0;
	_ =	sdelay $0x1  }
0x222: {  	[tilespmem:s31+$0xFFFFFF10] =	vst v0;
	v0 =	vld [tilespmem:s31+$0xFFFFFF20]  }
0x223: {  	v1 =	vld [tilespmem:s0+$0xFFFFFF20];
	_ =	sdelay $0x4  }
0x224: {  	v0 =	vadd.f32 v1, v0;
	_ =	sdelay $0x1  }
0x225: {  	[tilespmem:s31+$0xFFFFFF20] =	vst v0;
	v0 =	vld [tilespmem:s31+$0xFFFFFF30]  }
0x226: {  	v1 =	vld [tilespmem:s0+$0xFFFFFF30];
	_ =	sdelay $0x4  }
0x227: {  	v0 =	vadd.f32 v1, v0;
	_ =	sdelay $0x1  }
0x228: {  	[tilespmem:s31+$0xFFFFFF30] =	vst v0;
	v0 =	vld [tilespmem:s31+$0xFFFFFF40]  }
0x229: {  	v1 =	vld [tilespmem:s0+$0xFFFFFF40];
	_ =	sdelay $0x4  }
0x22a: {  	v0 =	vadd.f32 v1, v0;
	_ =	sdelay $0x1  }
0x22b: {  	[tilespmem:s31+$0xFFFFFF40] =	vst v0;
	v0 =	vld [tilespmem:s31+$0xFFFFFF50]  }
0x22c: {  	v1 =	vld [tilespmem:s0+$0xFFFFFF50];
	_ =	sdelay $0x4  }
0x22d: {  	v0 =	vadd.f32 v1, v0;
	_ =	sdelay $0x1  }
0x22e: {  	[tilespmem:s31+$0xFFFFFF50] =	vst v0;
	v0 =	vld [tilespmem:s31+$0xFFFFFF60]  }
0x22f: {  	v1 =	vld [tilespmem:s0+$0xFFFFFF60];
	_ =	sdelay $0x4  }
0x230: {  	v0 =	vadd.f32 v1, v0;
	_ =	sdelay $0x1  }
0x231: {  	[tilespmem:s31+$0xFFFFFF60] =	vst v0;
	v0 =	vld [tilespmem:s31+$0xFFFFFF70]  }
0x232: {  	v1 =	vld [tilespmem:s0+$0xFFFFFF70];
	_ =	sdelay $0x4  }
0x233: {  	v0 =	vadd.f32 v1, v0;
	_ =	sdelay $0x1  }
0x234: {  	[tilespmem:s31+$0xFFFFFF70] =	vst v0;
	v0 =	vld [tilespmem:s31+$0xFFFFFF80]  }
0x235: {  	v1 =	vld [tilespmem:s0+$0xFFFFFF80];
	_ =	sdelay $0x4  }
0x236: {  	v0 =	vadd.f32 v1, v0;
	_ =	sdelay $0x1  }
0x237: {  	[tilespmem:s31+$0xFFFFFF80] =	vst v0;
	v0 =	vld [tilespmem:s31+$0xFFFFFF90]  }
0x238: {  	v1 =	vld [tilespmem:s0+$0xFFFFFF90];
	_ =	sdelay $0x4  }
0x239: {  	v0 =	vadd.f32 v1, v0;
	_ =	sdelay $0x1  }
0x23a: {  	[tilespmem:s31+$0xFFFFFF90] =	vst v0;
	v0 =	vld [tilespmem:s31+$0xFFFFFFA0]  }
0x23b: {  	v1 =	vld [tilespmem:s0+$0xFFFFFFA0];
	_ =	sdelay $0x4  }
0x23c: {  	v0 =	vadd.f32 v1, v0;
	_ =	sdelay $0x1  }
0x23d: {  	[tilespmem:s31+$0xFFFFFFA0] =	vst v0;
	v0 =	vld [tilespmem:s31+$0xFFFFFFB0]  }
0x23e: {  	v1 =	vld [tilespmem:s0+$0xFFFFFFB0];
	_ =	sdelay $0x4  }
0x23f: {  	v0 =	vadd.f32 v1, v0;
	_ =	sdelay $0x1  }
0x240: {  	[tilespmem:s31+$0xFFFFFFB0] =	vst v0;
	v0 =	vld [tilespmem:s31+$0xFFFFFFC0]  }
0x241: {  	v1 =	vld [tilespmem:s0+$0xFFFFFFC0];
	_ =	sdelay $0x4  }
0x242: {  	v0 =	vadd.f32 v1, v0;
	_ =	sdelay $0x1  }
0x243: {  	[tilespmem:s31+$0xFFFFFFC0] =	vst v0;
	v0 =	vld [tilespmem:s31+$0xFFFFFFD0]  }
0x244: {  	v1 =	vld [tilespmem:s0+$0xFFFFFFD0];
	_ =	sdelay $0x4  }
0x245: {  	v0 =	vadd.f32 v1, v0;
	_ =	sdelay $0x1  }
0x246: {  	[tilespmem:s31+$0xFFFFFFD0] =	vst v0;
	v0 =	vld [tilespmem:s31+$0xFFFFFFE0]  }
0x247: {  	v1 =	vld [tilespmem:s0+$0xFFFFFFE0];
	_ =	sdelay $0x4  }
0x248: {  	v0 =	vadd.f32 v1, v0;
	_ =	sdelay $0x1  }
0x249: {  	[tilespmem:s31+$0xFFFFFFE0] =	vst v0;
	v0 =	vld [tilespmem:s31+$0xFFFFFFF0]  }
0x24a: {  	v1 =	vld [tilespmem:s0+$0xFFFFFFF0];
	_ =	sdelay $0x4  }
0x24b: {  	v0 =	vadd.f32 v1, v0;
	_ =	sdelay $0x1  }
0x24c: {  	[tilespmem:s31+$0xFFFFFFF0] =	vst v0;
	v0 =	vld [tilespmem:s31+$0x0]  }
0x24d: {  	v1 =	vld [tilespmem:s0+$0x0];
	_ =	sdelay $0x4  }
0x24e: {  	v0 =	vadd.f32 v1, v0;
	_ =	sdelay $0x1  }
0x24f: {  	[tilespmem:s31+$0x0] =	vst v0;
	v0 =	vld [tilespmem:s31+$0x10]  }
0x250: {  	v1 =	vld [tilespmem:s0+$0x10];
	_ =	sdelay $0x4  }
0x251: {  	v0 =	vadd.f32 v1, v0;
	_ =	sdelay $0x1  }
0x252: {  	[tilespmem:s31+$0x10] =	vst v0;
	v0 =	vld [tilespmem:s31+$0x20]  }
0x253: {  	v1 =	vld [tilespmem:s0+$0x20];
	_ =	sdelay $0x4  }
0x254: {  	v0 =	vadd.f32 v1, v0;
	_ =	sdelay $0x1  }
0x255: {  	[tilespmem:s31+$0x20] =	vst v0;
	v0 =	vld [tilespmem:s31+$0x30]  }
0x256: {  	v1 =	vld [tilespmem:s0+$0x30];
	_ =	sdelay $0x4  }
0x257: {  	v0 =	vadd.f32 v1, v0;
	_ =	sdelay $0x1  }
0x258: {  	[tilespmem:s31+$0x30] =	vst v0;
	v0 =	vld [tilespmem:s31+$0x40]  }
0x259: {  	v1 =	vld [tilespmem:s0+$0x40];
	_ =	sdelay $0x4  }
0x25a: {  	v0 =	vadd.f32 v1, v0;
	_ =	sdelay $0x1  }
0x25b: {  	[tilespmem:s31+$0x40] =	vst v0;
	v0 =	vld [tilespmem:s31+$0x50]  }
0x25c: {  	v1 =	vld [tilespmem:s0+$0x50];
	_ =	sdelay $0x4  }
0x25d: {  	v0 =	vadd.f32 v1, v0;
	_ =	sdelay $0x1  }
0x25e: {  	[tilespmem:s31+$0x50] =	vst v0;
	v0 =	vld [tilespmem:s31+$0x60]  }
0x25f: {  	v1 =	vld [tilespmem:s0+$0x60];
	_ =	sdelay $0x4  }
0x260: {  	v0 =	vadd.f32 v1, v0;
	_ =	sdelay $0x1  }
0x261: {  	[tilespmem:s31+$0x60] =	vst v0;
	v0 =	vld [tilespmem:s31+$0x70]  }
0x262: {  	v1 =	vld [tilespmem:s0+$0x70];
	_ =	sdelay $0x4  }
0x263: {  	v0 =	vadd.f32 v1, v0;
	_ =	sdelay $0x1  }
0x264: {  	[tilespmem:s31+$0x70] =	vst v0;
	v0 =	vld [tilespmem:s31+$0x80]  }
0x265: {  	v1 =	vld [tilespmem:s0+$0x80];
	_ =	sdelay $0x4  }
0x266: {  	v0 =	vadd.f32 v1, v0;
	_ =	sdelay $0x1  }
0x267: {  	[tilespmem:s31+$0x80] =	vst v0;
	v0 =	vld [tilespmem:s31+$0x90]  }
0x268: {  	v1 =	vld [tilespmem:s0+$0x90];
	_ =	sdelay $0x4  }
0x269: {  	v0 =	vadd.f32 v1, v0;
	_ =	sdelay $0x1  }
0x26a: {  	[tilespmem:s31+$0x90] =	vst v0;
	v0 =	vld [tilespmem:s31+$0xA0]  }
0x26b: {  	v1 =	vld [tilespmem:s0+$0xA0];
	_ =	sdelay $0x4  }
0x26c: {  	v0 =	vadd.f32 v1, v0;
	_ =	sdelay $0x1  }
0x26d: {  	[tilespmem:s31+$0xA0] =	vst v0;
	v0 =	vld [tilespmem:s31+$0xB0]  }
0x26e: {  	v1 =	vld [tilespmem:s0+$0xB0];
	_ =	sdelay $0x4  }
0x26f: {  	v0 =	vadd.f32 v1, v0;
	_ =	sdelay $0x1  }
0x270: {  	[tilespmem:s31+$0xB0] =	vst v0;
	v0 =	vld [tilespmem:s31+$0xC0]  }
0x271: {  	v1 =	vld [tilespmem:s0+$0xC0];
	_ =	sdelay $0x4  }
0x272: {  	v0 =	vadd.f32 v1, v0;
	_ =	sdelay $0x1  }
0x273: {  	[tilespmem:s31+$0xC0] =	vst v0;
	v0 =	vld [tilespmem:s31+$0xD0]  }
0x274: {  	v1 =	vld [tilespmem:s0+$0xD0];
	_ =	sdelay $0x4  }
0x275: {  	v0 =	vadd.f32 v1, v0;
	_ =	sdelay $0x1  }
0x276: {  	[tilespmem:s31+$0xD0] =	vst v0;
	v0 =	vld [tilespmem:s31+$0xE0]  }
0x277: {  	v1 =	vld [tilespmem:s0+$0xE0];
	_ =	sdelay $0x4  }
0x278: {  	v0 =	vadd.f32 v1, v0;
	_ =	sdelay $0x1  }
0x279: {  	[tilespmem:s31+$0xE0] =	vst v0;
	v0 =	vld [tilespmem:s31+$0xF0]  }
0x27a: {  	v1 =	vld [tilespmem:s0+$0xF0];
	_ =	sdelay $0x4  }
0x27b: {  	v0 =	vadd.f32 v1, v0  }
0x27c: {  	s3 =	simm.s32 $0x0;
	s18 =	simm.s32 $0x700  }
.LBB2_8:
0x27d: {  	v1 =	vld [tilespmem:s18+$0xFFFFFF00];
	[tilespmem:s31+$0xF0] =	vst v0;
	s0 =	sadd.s32 $0x200, s0;
	s31 =	smov.u32 s18  }
0x27e: {  	s3 =	sadd.s32 $0x4, s3;
	v0 =	vld [tilespmem:s0+$0xFFFFFF00]  }
0x27f: {  	p0 =	slt.u32 s3, $0x7C;
	_ =	sdelay $0x3  }
0x280: {  	v0 =	vadd.f32 v0, v1;
	_ =	sdelay $0x1  }
0x281: {  	[tilespmem:s18+$0xFFFFFF00] =	vst v0;
	v0 =	vld [tilespmem:s18+$0xFFFFFF10]  }
0x282: {  	v1 =	vld [tilespmem:s0+$0xFFFFFF10];
	_ =	sdelay $0x4  }
0x283: {  	v0 =	vadd.f32 v1, v0;
	_ =	sdelay $0x1  }
0x284: {  	[tilespmem:s18+$0xFFFFFF10] =	vst v0;
	v0 =	vld [tilespmem:s18+$0xFFFFFF20]  }
0x285: {  	v1 =	vld [tilespmem:s0+$0xFFFFFF20];
	_ =	sdelay $0x4  }
0x286: {  	v0 =	vadd.f32 v1, v0;
	_ =	sdelay $0x1  }
0x287: {  	[tilespmem:s18+$0xFFFFFF20] =	vst v0;
	v0 =	vld [tilespmem:s18+$0xFFFFFF30]  }
0x288: {  	v1 =	vld [tilespmem:s0+$0xFFFFFF30];
	_ =	sdelay $0x4  }
0x289: {  	v0 =	vadd.f32 v1, v0;
	_ =	sdelay $0x1  }
0x28a: {  	[tilespmem:s18+$0xFFFFFF30] =	vst v0;
	v0 =	vld [tilespmem:s18+$0xFFFFFF40]  }
0x28b: {  	v1 =	vld [tilespmem:s0+$0xFFFFFF40];
	_ =	sdelay $0x4  }
0x28c: {  	v0 =	vadd.f32 v1, v0;
	_ =	sdelay $0x1  }
0x28d: {  	[tilespmem:s18+$0xFFFFFF40] =	vst v0;
	v0 =	vld [tilespmem:s18+$0xFFFFFF50]  }
0x28e: {  	v1 =	vld [tilespmem:s0+$0xFFFFFF50];
	_ =	sdelay $0x4  }
0x28f: {  	v0 =	vadd.f32 v1, v0;
	_ =	sdelay $0x1  }
0x290: {  	[tilespmem:s18+$0xFFFFFF50] =	vst v0;
	v0 =	vld [tilespmem:s18+$0xFFFFFF60]  }
0x291: {  	v1 =	vld [tilespmem:s0+$0xFFFFFF60];
	_ =	sdelay $0x4  }
0x292: {  	v0 =	vadd.f32 v1, v0;
	_ =	sdelay $0x1  }
0x293: {  	[tilespmem:s18+$0xFFFFFF60] =	vst v0;
	v0 =	vld [tilespmem:s18+$0xFFFFFF70]  }
0x294: {  	v1 =	vld [tilespmem:s0+$0xFFFFFF70];
	_ =	sdelay $0x4  }
0x295: {  	v0 =	vadd.f32 v1, v0;
	_ =	sdelay $0x1  }
0x296: {  	[tilespmem:s18+$0xFFFFFF70] =	vst v0;
	v0 =	vld [tilespmem:s18+$0xFFFFFF80]  }
0x297: {  	v1 =	vld [tilespmem:s0+$0xFFFFFF80];
	_ =	sdelay $0x4  }
0x298: {  	v0 =	vadd.f32 v1, v0;
	_ =	sdelay $0x1  }
0x299: {  	[tilespmem:s18+$0xFFFFFF80] =	vst v0;
	v0 =	vld [tilespmem:s18+$0xFFFFFF90]  }
0x29a: {  	v1 =	vld [tilespmem:s0+$0xFFFFFF90];
	_ =	sdelay $0x4  }
0x29b: {  	v0 =	vadd.f32 v1, v0;
	_ =	sdelay $0x1  }
0x29c: {  	[tilespmem:s18+$0xFFFFFF90] =	vst v0;
	v0 =	vld [tilespmem:s18+$0xFFFFFFA0]  }
0x29d: {  	v1 =	vld [tilespmem:s0+$0xFFFFFFA0];
	_ =	sdelay $0x4  }
0x29e: {  	v0 =	vadd.f32 v1, v0;
	_ =	sdelay $0x1  }
0x29f: {  	[tilespmem:s18+$0xFFFFFFA0] =	vst v0;
	v0 =	vld [tilespmem:s18+$0xFFFFFFB0]  }
0x2a0: {  	v1 =	vld [tilespmem:s0+$0xFFFFFFB0];
	_ =	sdelay $0x4  }
0x2a1: {  	v0 =	vadd.f32 v1, v0;
	_ =	sdelay $0x1  }
0x2a2: {  	[tilespmem:s18+$0xFFFFFFB0] =	vst v0;
	v0 =	vld [tilespmem:s18+$0xFFFFFFC0]  }
0x2a3: {  	v1 =	vld [tilespmem:s0+$0xFFFFFFC0];
	_ =	sdelay $0x4  }
0x2a4: {  	v0 =	vadd.f32 v1, v0;
	_ =	sdelay $0x1  }
0x2a5: {  	[tilespmem:s18+$0xFFFFFFC0] =	vst v0;
	v0 =	vld [tilespmem:s18+$0xFFFFFFD0]  }
0x2a6: {  	v1 =	vld [tilespmem:s0+$0xFFFFFFD0];
	_ =	sdelay $0x4  }
0x2a7: {  	v0 =	vadd.f32 v1, v0;
	_ =	sdelay $0x1  }
0x2a8: {  	[tilespmem:s18+$0xFFFFFFD0] =	vst v0;
	v0 =	vld [tilespmem:s18+$0xFFFFFFE0]  }
0x2a9: {  	v1 =	vld [tilespmem:s0+$0xFFFFFFE0];
	_ =	sdelay $0x4  }
0x2aa: {  	v0 =	vadd.f32 v1, v0;
	_ =	sdelay $0x1  }
0x2ab: {  	[tilespmem:s18+$0xFFFFFFE0] =	vst v0;
	v0 =	vld [tilespmem:s18+$0xFFFFFFF0]  }
0x2ac: {  	v1 =	vld [tilespmem:s0+$0xFFFFFFF0];
	_ =	sdelay $0x4  }
0x2ad: {  	v0 =	vadd.f32 v1, v0;
	_ =	sdelay $0x1  }
0x2ae: {  	[tilespmem:s18+$0xFFFFFFF0] =	vst v0;
	v0 =	vld [tilespmem:s18+$0x0]  }
0x2af: {  	v1 =	vld [tilespmem:s0+$0x0];
	_ =	sdelay $0x4  }
0x2b0: {  	v0 =	vadd.f32 v1, v0;
	_ =	sdelay $0x1  }
0x2b1: {  	[tilespmem:s18+$0x0] =	vst v0;
	v0 =	vld [tilespmem:s18+$0x10]  }
0x2b2: {  	v1 =	vld [tilespmem:s0+$0x10];
	_ =	sdelay $0x4  }
0x2b3: {  	v0 =	vadd.f32 v1, v0;
	_ =	sdelay $0x1  }
0x2b4: {  	[tilespmem:s18+$0x10] =	vst v0;
	v0 =	vld [tilespmem:s18+$0x20]  }
0x2b5: {  	v1 =	vld [tilespmem:s0+$0x20];
	_ =	sdelay $0x4  }
0x2b6: {  	v0 =	vadd.f32 v1, v0;
	_ =	sdelay $0x1  }
0x2b7: {  	[tilespmem:s18+$0x20] =	vst v0;
	v0 =	vld [tilespmem:s18+$0x30]  }
0x2b8: {  	v1 =	vld [tilespmem:s0+$0x30];
	_ =	sdelay $0x4  }
0x2b9: {  	v0 =	vadd.f32 v1, v0;
	_ =	sdelay $0x1  }
0x2ba: {  	[tilespmem:s18+$0x30] =	vst v0;
	v0 =	vld [tilespmem:s18+$0x40]  }
0x2bb: {  	v1 =	vld [tilespmem:s0+$0x40];
	_ =	sdelay $0x4  }
0x2bc: {  	v0 =	vadd.f32 v1, v0;
	_ =	sdelay $0x1  }
0x2bd: {  	[tilespmem:s18+$0x40] =	vst v0;
	v0 =	vld [tilespmem:s18+$0x50]  }
0x2be: {  	v1 =	vld [tilespmem:s0+$0x50];
	_ =	sdelay $0x4  }
0x2bf: {  	v0 =	vadd.f32 v1, v0;
	_ =	sdelay $0x1  }
0x2c0: {  	[tilespmem:s18+$0x50] =	vst v0;
	v0 =	vld [tilespmem:s18+$0x60]  }
0x2c1: {  	v1 =	vld [tilespmem:s0+$0x60];
	_ =	sdelay $0x4  }
0x2c2: {  	v0 =	vadd.f32 v1, v0;
	_ =	sdelay $0x1  }
0x2c3: {  	[tilespmem:s18+$0x60] =	vst v0;
	v0 =	vld [tilespmem:s18+$0x70]  }
0x2c4: {  	v1 =	vld [tilespmem:s0+$0x70];
	_ =	sdelay $0x4  }
0x2c5: {  	v0 =	vadd.f32 v1, v0;
	_ =	sdelay $0x1  }
0x2c6: {  	[tilespmem:s18+$0x70] =	vst v0;
	v0 =	vld [tilespmem:s18+$0x80]  }
0x2c7: {  	v1 =	vld [tilespmem:s0+$0x80];
	_ =	sdelay $0x4  }
0x2c8: {  	v0 =	vadd.f32 v1, v0;
	_ =	sdelay $0x1  }
0x2c9: {  	[tilespmem:s18+$0x80] =	vst v0;
	v0 =	vld [tilespmem:s18+$0x90]  }
0x2ca: {  	v1 =	vld [tilespmem:s0+$0x90];
	_ =	sdelay $0x4  }
0x2cb: {  	v0 =	vadd.f32 v1, v0;
	_ =	sdelay $0x1  }
0x2cc: {  	[tilespmem:s18+$0x90] =	vst v0;
	v0 =	vld [tilespmem:s18+$0xA0]  }
0x2cd: {  	v1 =	vld [tilespmem:s0+$0xA0];
	_ =	sdelay $0x4  }
0x2ce: {  	v0 =	vadd.f32 v1, v0;
	_ =	sdelay $0x1  }
0x2cf: {  	[tilespmem:s18+$0xA0] =	vst v0;
	v0 =	vld [tilespmem:s18+$0xB0]  }
0x2d0: {  	v1 =	vld [tilespmem:s0+$0xB0];
	_ =	sdelay $0x4  }
0x2d1: {  	v0 =	vadd.f32 v1, v0;
	_ =	sdelay $0x1  }
0x2d2: {  	[tilespmem:s18+$0xB0] =	vst v0;
	v0 =	vld [tilespmem:s18+$0xC0]  }
0x2d3: {  	v1 =	vld [tilespmem:s0+$0xC0];
	_ =	sdelay $0x4  }
0x2d4: {  	v0 =	vadd.f32 v1, v0;
	_ =	sdelay $0x1  }
0x2d5: {  	[tilespmem:s18+$0xC0] =	vst v0;
	v0 =	vld [tilespmem:s18+$0xD0]  }
0x2d6: {  	v1 =	vld [tilespmem:s0+$0xD0];
	_ =	sdelay $0x4  }
0x2d7: {  	v0 =	vadd.f32 v1, v0;
	_ =	sdelay $0x1  }
0x2d8: {  	[tilespmem:s18+$0xD0] =	vst v0;
	v0 =	vld [tilespmem:s18+$0xE0]  }
0x2d9: {  	v1 =	vld [tilespmem:s0+$0xE0];
	_ =	sdelay $0x4  }
0x2da: {  	v0 =	vadd.f32 v1, v0;
	_ =	sdelay $0x1  }
0x2db: {  	[tilespmem:s18+$0xE0] =	vst v0;
	v0 =	vld [tilespmem:s18+$0xF0]  }
0x2dc: {  	v1 =	vld [tilespmem:s0+$0xF0];
	_ =	sdelay $0x1  }
.Ltmp3:
0x2dd: {  	(pc) =	sbr.rel @p0 .LBB2_8-.Ltmp3, $3  }
0x2de: {  	_ =	sdelay $0x1  }
0x2df: {  	v0 =	vadd.f32 v1, v0  }
0x2e0: {  	s18 =	sadd.s32 $0x200, s18  }
0x2e1: {  	[tilespmem:s31+$0xF0] =	vst v0  }
0x2e2: {  	[hbm4b:s10+s4] =	stream.linear.scatter [tilespmem:s15], [sflag:$0x3], $0x4000, $0x38;
	[tilespmem:$0x18400] =	vst v63  }
0x2e3: {  	_ =	swait.ge [sflag:s26], $0x4000  }
0x2e4: {  	[sflag:s26] =	ssyncset.done $0x0  }
0x2e5: {  	s30 =	sadd.s32 $0x1, s30;
	[sflag:s26] =	ssyncadd.s32 $0xFFFFC000  }
0x2e6: {  	p0 =	sne.s32 s30, s11;
	_ =	swait.ge [sflag:s26], $0x4000  }
.Ltmp4:
0x2e7: {  	[sflag:s26] =	ssyncset.done $0x0;
	(pc) =	sbr.rel @p0 .LBB2_1-.Ltmp4, $4  }
0x2e8: {  	[sflag:s26] =	ssyncadd.s32 $0xFFFFC000  }
0x2e9: {  	_ =	swait.ge [sflag:s26], $0x4000  }
0x2ea: {  	[sflag:s26] =	ssyncset.done $0x0  }
0x2eb: {  	[sflag:s26] =	ssyncadd.s32 $0xFFFFC000  }
0x2ec: {  	_ =	sfence.sel $0x180000  }
0x2ed: {  	[bflag:$0x0] =	sbarrier.arrive $0xFFFF  }
0x2ee: {  	_ =	strace $0x90000047  }
0x2ef: {  	s0 =	stileid.u32;
	[bflag:$0x2] =	sbarrier.arrive $0xFFFF  }
0x2f0: {  	p0 =	sne.s32 s0, $0x0;
	s0 =	rddreg [dreg:$0x5]  }
0x2f1: {  	s0 =	sadd.s32 @!p0 $0x100000, s0  }
0x2f2: {  	[sflag:s0] =	ssyncadd.tile.s32 @!p0 $0x1;
	_ =	shalt  }
.Lfunc_end2:
_tile_overlayer_lowered:
.L_overlay_start_2:
0x2f3: {  	(tag) =	ssettag $0x2  }
0x2f4: {  	s0 =	rddreg [dreg:$0x0];
	s2 =	stileid.u32  }
0x2f5: {  	s1 =	rddreg [dreg:$0x1];
	p0 =	sne.s32 s2, $0x0  }
0x2f6: {  	s3 =	rddreg [dreg:$0x2];
	[bflag:$0x3] =	sbarrier.arrive $0xFFFF;
	s2 =	simm.s32 @!p0 $0x1C04  }
0x2f7: {  	[timem:s3], [sflag:s2] =	dma.local @!p0 [hbm:s0], s1  }
0x2f8: {  	s0 =	simm.s32 @!p0 $0x4  }
0x2f9: {  	_ =	swait.ge @!p0 [sflag:s0], s1  }
0x2fa: {  	s1 =	ssub.s32 @!p0 $0x0, s1;
	[sflag:s0] =	ssyncset.done @!p0 $0x0  }
0x2fb: {  	[sflag:s0] =	ssyncadd.s32 @!p0 s1  }
0x2fc: {  	[bflag:$0x3] =	sbarrier.arrive $0xFFFF  }
0x2fd: {  	_ =	shalt  }

</sc_bundles>
